<compile_context>
chip_gen: v7x
topology: tpu7x:2x2x1
jax: 0.10.2.dev20260603
libtpu: 0.0.44.dev20260713+nightly
codegen_flags: <defaults>
</compile_context>

<pallas_src>
import jax
import jax.numpy as jnp
from jax import lax
from jax.experimental import pallas as pl
from jax.experimental.pallas import tpu as pltpu
from jax.experimental.pallas import tpu_sc as plsc

_N = 50000
_E = 1600000
_HID = 32
_NPAD = 50048
_NSC = 2
_NTILES = 16
_NW = _NSC * _NTILES
_CH = 400
_NCH = _E // (_NW * _CH)
_WB = _NPAD // _NTILES
_BR = 5000
_GRID = _N // _BR



def _make_scatter():
  mesh = plsc.VectorSubcoreMesh(core_axis_name="c", subcore_axis_name="s")
  out_type = jax.ShapeDtypeStruct((_NSC, _NPAD, _HID), jnp.float32)
  scratch = [
      pltpu.VMEM((2, _CH), jnp.int32),
      pltpu.VMEM((3, _CH), jnp.int32),
      pltpu.VMEM((2, _CH, _HID), jnp.float32),
      pltpu.VMEM_SHARED((_NPAD, _HID), jnp.float32),
      pltpu.SemaphoreType.DMA,
      pltpu.SemaphoreType.DMA,
      pltpu.SemaphoreType.DMA,
  ]

  def body(ei, xin, z2, acc_out, src_v, dst_v, rows_v, acc_sh,
           isem, gsem, ssem):
    c = lax.axis_index("c")
    t = lax.axis_index("s")
    wid = c * _NTILES + t
    pltpu.sync_copy(z2.at[pl.ds(t * _WB, _WB)], acc_sh.at[pl.ds(t * _WB, _WB)])
    plsc.subcore_barrier()

    def idx_dma(ch, ssl, dsl):
      e0 = ch * _CH
      pltpu.async_copy(ei.at[0, pl.ds(e0, _CH)], src_v.at[ssl], isem)
      pltpu.async_copy(ei.at[1, pl.ds(e0, _CH)], dst_v.at[dsl], isem)

    def idx_wait(ssl, dsl):
      pltpu.make_async_copy(ei.at[0, pl.ds(0, _CH)], src_v.at[ssl], isem).wait()
      pltpu.make_async_copy(ei.at[1, pl.ds(0, _CH)], dst_v.at[dsl], isem).wait()

    def gather(ssl, rsl):
      pltpu.async_copy(xin.at[src_v.at[ssl]], rows_v.at[rsl], gsem)

    def gather_wait(ssl, rsl):
      pltpu.make_async_copy(xin.at[src_v.at[ssl]], rows_v.at[rsl], gsem).wait()

    def scat(rsl, dsl):
      pltpu.async_copy(rows_v.at[rsl], acc_sh.at[dst_v.at[dsl]], ssem,
                       add=True)

    def scat_wait(rsl, dsl):
      pltpu.make_async_copy(rows_v.at[rsl], acc_sh.at[dst_v.at[dsl]],
                            ssem).wait()

    def cid(i):
      return i * _NW + wid

    idx_dma(cid(0), 0, 0)
    idx_wait(0, 0)
    gather(0, 0)
    idx_dma(cid(1), 1, 1)

    def loop(i, carry):
      a = lax.rem(i, 2)
      b = lax.rem(i + 1, 2)
      d = lax.rem(i, 3)
      dn = lax.rem(i + 1, 3)
      dp = lax.rem(i + 2, 3)
      gather_wait(a, a)

      @pl.when(i >= 1)
      def _():
        scat_wait(b, dp)

      scat(a, d)
      idx_wait(b, dn)
      gather(b, b)

      @pl.when(i + 2 <= _NCH - 1)
      def _():
        idx_dma(cid(i + 2), a, dp)

      return carry

    lax.fori_loop(0, _NCH - 1, loop, 0)
    al = (_NCH - 1) % 2
    dl = (_NCH - 1) % 3
    bl = (_NCH - 2) % 2
    dlp = (_NCH - 2) % 3
    gather_wait(al, al)
    scat_wait(bl, dlp)
    scat(al, dl)
    scat_wait(al, dl)

    plsc.subcore_barrier()
    pltpu.sync_copy(acc_sh.at[pl.ds(t * _WB, _WB)],
                    acc_out.at[c, pl.ds(t * _WB, _WB)])

  return pl.kernel(
      body, out_type=out_type, mesh=mesh, scratch_types=scratch,
      compiler_params=pltpu.CompilerParams(use_tc_tiling_on_sc=False))


def _make_s_scatter():
  mesh = plsc.VectorSubcoreMesh(core_axis_name="c", subcore_axis_name="s")
  out_type = jax.ShapeDtypeStruct((_NSC, _NPAD, 16), jnp.float32)
  scratch = [
      pltpu.VMEM((3, _CH), jnp.int32),
      pltpu.VMEM((2, _CH), jnp.float32),
      pltpu.VMEM((2, _CH, 16), jnp.float32),
      pltpu.VMEM_SHARED((_NPAD, 16), jnp.float32),
      pltpu.SemaphoreType.DMA,
      pltpu.SemaphoreType.DMA,
  ]

  def body(ei, ea1, z16, s_out, dst_v, ea_v, stage, s_sh, isem, ssem):
    c = lax.axis_index("c")
    t = lax.axis_index("s")
    wid = c * _NTILES + t
    pltpu.sync_copy(z16.at[pl.ds(t * _WB, _WB)], s_sh.at[pl.ds(t * _WB, _WB)])
    zv = jnp.zeros((16,), jnp.float32)

    def zrow(i, carry):
      stage[lax.div(i, _CH), lax.rem(i, _CH), :] = zv
      return carry

    lax.fori_loop(0, 2 * _CH, zrow, 0)
    plsc.subcore_barrier()

    col0 = jnp.zeros((16,), jnp.int32)
    lane = lax.iota(jnp.int32, 16)

    def idx_dma(ch, esl, dsl):
      e0 = ch * _CH
      pltpu.async_copy(ei.at[1, pl.ds(e0, _CH)], dst_v.at[dsl], isem)
      pltpu.async_copy(ea1.at[pl.ds(e0, _CH)], ea_v.at[esl], isem)

    def idx_wait(esl, dsl):
      pltpu.make_async_copy(ei.at[1, pl.ds(0, _CH)], dst_v.at[dsl],
                            isem).wait()
      pltpu.make_async_copy(ea1.at[pl.ds(0, _CH)], ea_v.at[esl], isem).wait()

    def assemble(esl):
      for k in range(_CH // 16):
        vals = ea_v[esl, pl.ds(k * 16, 16)]
        plsc.store_scatter(stage.at[esl], [lane + (k * 16), col0], vals)

    def scat(esl, dsl):
      pltpu.async_copy(stage.at[esl], s_sh.at[dst_v.at[dsl]], ssem, add=True)

    def scat_wait(esl, dsl):
      pltpu.make_async_copy(stage.at[esl], s_sh.at[dst_v.at[dsl]],
                            ssem).wait()

    def cid(i):
      return i * _NW + wid

    idx_dma(cid(0), 0, 0)
    idx_wait(0, 0)
    assemble(0)
    idx_dma(cid(1), 1, 1)

    def loop(i, carry):
      a = lax.rem(i, 2)
      b = lax.rem(i + 1, 2)
      d = lax.rem(i, 3)
      dn = lax.rem(i + 1, 3)
      dp = lax.rem(i + 2, 3)

      @pl.when(i >= 1)
      def _():
        scat_wait(b, dp)

      scat(a, d)
      idx_wait(b, dn)
      assemble(b)

      @pl.when(i + 2 <= _NCH - 1)
      def _():
        idx_dma(cid(i + 2), a, dp)

      return carry

    lax.fori_loop(0, _NCH - 1, loop, 0)
    al = (_NCH - 1) % 2
    dl = (_NCH - 1) % 3
    bl = (_NCH - 2) % 2
    dlp = (_NCH - 2) % 3
    scat_wait(bl, dlp)
    scat(al, dl)
    scat_wait(al, dl)
    plsc.subcore_barrier()
    pltpu.sync_copy(s_sh.at[pl.ds(t * _WB, _WB)],
                    s_out.at[c, pl.ds(t * _WB, _WB)])

  return pl.kernel(
      body, out_type=out_type, mesh=mesh, scratch_types=scratch,
      compiler_params=pltpu.CompilerParams(
          use_tc_tiling_on_sc=False, needs_layout_passes=False))



def _pre_body(x_ref, w1_ref, b1_ref, wi1_ref, o_ref):
  h = jnp.dot(x_ref[...], w1_ref[...], preferred_element_type=jnp.float32)
  h = jnp.maximum(h + b1_ref[...], 0.0)
  o_ref[...] = jnp.dot(h, wi1_ref[...], preferred_element_type=jnp.float32)


def _comb1_body(p_ref, xin_ref, s_ref, wenc_ref, bias_ref, wi2_ref, o_ref):
  sv = s_ref[0, :, 0] + s_ref[1, :, 0]
  h = (p_ref[0] + p_ref[1] + xin_ref[...]
       + sv[:, None] * wenc_ref[...] + bias_ref[...])
  h = jnp.maximum(h, 0.0)
  o_ref[...] = jnp.dot(h, wi2_ref[...], preferred_element_type=jnp.float32)


def _comb2_body(q_ref, xin_ref, s_ref, wenc_ref, bias_ref, wh_ref, bh_ref,
                o_ref, acc_ref):
  i = pl.program_id(0)

  @pl.when(i == 0)
  def _():
    acc_ref[...] = jnp.zeros_like(acc_ref)

  sv = s_ref[0, :, 0] + s_ref[1, :, 0]
  h = (q_ref[0] + q_ref[1] + xin_ref[...]
       + sv[:, None] * wenc_ref[...] + bias_ref[...])
  h = jnp.maximum(h, 0.0)
  acc_ref[...] += jnp.sum(h, axis=0, keepdims=True)

  @pl.when(i == pl.num_programs(0) - 1)
  def _():
    pooled = acc_ref[...] * (1.0 / _N)
    o_ref[...] = (jnp.sum(pooled * wh_ref[...], axis=1, keepdims=True)
                  + bh_ref[...])


def _full_spec(shape):
  return pl.BlockSpec(shape, lambda i: tuple(0 for _ in shape))


def kernel(x, edge_index, edge_attr, bn_mean, bn_var, bn_gamma, bn_beta,
           W1, b1, Win1, Wenc1, bias1, Win2, Wenc2, bias2, Wh, bh):
  f32 = jnp.float32
  a = bn_gamma * lax.rsqrt(bn_var + 1e-5)
  cvec = bn_beta - bn_mean * a
  w1p = (W1 * a[None, :]).T
  b1p = (b1 + W1 @ cvec)[None, :]
  wi1t = Win1.T
  wi2t = Win2.T
  wenc1r = Wenc1.T
  wenc2r = Wenc2.T
  bias1r = bias1[None, :]
  bias2r = bias2[None, :]
  bhr = bh[None, :]

  ea1 = edge_attr.reshape(_E)
  z2 = jnp.zeros((_NPAD, _HID), f32)
  z16 = jnp.zeros((_NPAD, 16), f32)

  xin1 = pl.pallas_call(
      _pre_body,
      grid=(_GRID,),
      in_specs=[
          pl.BlockSpec((_BR, 25), lambda i: (i, 0)),
          _full_spec((25, _HID)),
          _full_spec((1, _HID)),
          _full_spec((_HID, _HID)),
      ],
      out_specs=pl.BlockSpec((_BR, _HID), lambda i: (i, 0)),
      out_shape=jax.ShapeDtypeStruct((_NPAD, _HID), f32),
  )(x, w1p, b1p, wi1t)

  s16 = _make_s_scatter()(edge_index, ea1, z16)
  s16 = s16[0] if isinstance(s16, (list, tuple)) else s16
  s_acc = s16[:, :, 0:1]

  res1 = _make_scatter()(edge_index, xin1, z2)
  acc1 = res1[0] if isinstance(res1, (list, tuple)) else res1

  xin2 = pl.pallas_call(
      _comb1_body,
      grid=(_GRID,),
      in_specs=[
          pl.BlockSpec((_NSC, _BR, _HID), lambda i: (0, i, 0)),
          pl.BlockSpec((_BR, _HID), lambda i: (i, 0)),
          pl.BlockSpec((_NSC, _BR, 1), lambda i: (0, i, 0)),
          _full_spec((1, _HID)),
          _full_spec((1, _HID)),
          _full_spec((_HID, _HID)),
      ],
      out_specs=pl.BlockSpec((_BR, _HID), lambda i: (i, 0)),
      out_shape=jax.ShapeDtypeStruct((_NPAD, _HID), f32),
  )(acc1, xin1, s_acc, wenc1r, bias1r, wi2t)

  res2 = _make_scatter()(edge_index, xin2, z2)
  acc2 = res2[0] if isinstance(res2, (list, tuple)) else res2

  out = pl.pallas_call(
      _comb2_body,
      grid=(_GRID,),
      in_specs=[
          pl.BlockSpec((_NSC, _BR, _HID), lambda i: (0, i, 0)),
          pl.BlockSpec((_BR, _HID), lambda i: (i, 0)),
          pl.BlockSpec((_NSC, _BR, 1), lambda i: (0, i, 0)),
          _full_spec((1, _HID)),
          _full_spec((1, _HID)),
          _full_spec((1, _HID)),
          _full_spec((1, 1)),
      ],
      out_specs=_full_spec((1, 1)),
      out_shape=jax.ShapeDtypeStruct((1, 1), f32),
      scratch_shapes=[pltpu.VMEM((1, _HID), f32)],
  )(acc2, xin2, s_acc, wenc2r, bias2r, Wh, bhr)
  return out

# --- scband reference (transcript-rebuilt; emitter-appended) ---
"""Pipeline reference for scband-gcnmodel-15118284882689 (READ-ONLY COPY).

The authoritative reference and input builder live on the scoring server;
editing this copy changes nothing except your own understanding.
"""

import jax, jax.numpy as jnp
import numpy as np

N_NODES = 50000
N_EDGES = 1600000
IN_CH = 25
HID = 32
OUT_CH = 1


def setup_inputs(seed: int = 0) -> dict:
    key = jax.random.key(seed)
    ks = jax.random.split(key, 20)
    inp = {}
    inp['x'] = jax.random.normal(ks[0], (N_NODES, IN_CH), dtype=jnp.float32)
    inp['edge_index'] = jax.random.randint(ks[1], (2, N_EDGES), 0, N_NODES, dtype=jnp.int32)
    inp['edge_attr'] = jax.random.normal(ks[2], (N_EDGES, 1), dtype=jnp.float32)
    # BatchNorm1d (eval mode: running stats at init, affine params)
    inp['bn_mean'] = jnp.zeros((IN_CH,), dtype=jnp.float32)
    inp['bn_var'] = jnp.ones((IN_CH,), dtype=jnp.float32)
    inp['bn_gamma'] = jnp.ones((IN_CH,), dtype=jnp.float32)
    inp['bn_beta'] = jnp.zeros((IN_CH,), dtype=jnp.float32)
    # lin1: in_channels -> hidden
    inp['W1'] = jax.random.normal(ks[3], (HID, IN_CH), dtype=jnp.float32) * (1.0 / np.sqrt(IN_CH))
    inp['b1'] = jnp.zeros((HID,), dtype=jnp.float32)
    # conv1 params (bidirectional=False -> lin_out unused)
    inp['Win1'] = jax.random.normal(ks[4], (HID, HID), dtype=jnp.float32) * (1.0 / np.sqrt(HID))
    inp['Wenc1'] = jax.random.normal(ks[5], (HID, 1), dtype=jnp.float32)
    inp['bias1'] = jnp.zeros((HID,), dtype=jnp.float32)
    # conv2 params
    inp['Win2'] = jax.random.normal(ks[6], (HID, HID), dtype=jnp.float32) * (1.0 / np.sqrt(HID))
    inp['Wenc2'] = jax.random.normal(ks[7], (HID, 1), dtype=jnp.float32)
    inp['bias2'] = jnp.zeros((HID,), dtype=jnp.float32)
    # head: hidden -> 1
    inp['Wh'] = jax.random.normal(ks[8], (OUT_CH, HID), dtype=jnp.float32) * (1.0 / np.sqrt(HID))
    inp['bh'] = jnp.zeros((OUT_CH,), dtype=jnp.float32)
    return inp


def _gcn_layer(x, edge_index, edge_attr, Win, Wenc, bias, n_nodes):
    # add self loops with fill_value=0 for edge_attr
    self_idx = jnp.arange(n_nodes, dtype=edge_index.dtype)
    src = jnp.concatenate([edge_index[0], self_idx], axis=0)
    dst = jnp.concatenate([edge_index[1], self_idx], axis=0)
    ea = jnp.concatenate([edge_attr, jnp.zeros((n_nodes, 1), dtype=edge_attr.dtype)], axis=0)
    x_in = x @ Win.T
    # message: x_j + edge_encoder(edge_attr)
    msg = jnp.take(x_in, src, axis=0) + ea @ Wenc.T
    # aggregate: sum at destination nodes
    out = jax.ops.segment_sum(msg, dst, num_segments=n_nodes)
    return out + bias


def reference(x, edge_index, edge_attr, bn_mean, bn_var, bn_gamma, bn_beta,
              W1, b1, Win1, Wenc1, bias1, Win2, Wenc2, bias2, Wh, bh):
    n = x.shape[0]
    # pad/truncate to expected_in_channels (shapes already match here)
    if x.shape[1] < IN_CH:
        x = jnp.concatenate([x, jnp.zeros((n, IN_CH - x.shape[1]), dtype=x.dtype)], axis=1)
    elif x.shape[1] > IN_CH:
        x = x[:, :IN_CH]
    # BatchNorm1d in eval mode
    x = (x - bn_mean) / jnp.sqrt(bn_var + 1e-5) * bn_gamma + bn_beta
    x = jax.nn.relu(x @ W1.T + b1)
    x = jax.nn.relu(_gcn_layer(x, edge_index, edge_attr, Win1, Wenc1, bias1, n))
    # dropout is identity in eval mode
    x = jax.nn.relu(_gcn_layer(x, edge_index, edge_attr, Win2, Wenc2, bias2, n))
    # batch=None -> all nodes in one graph -> global mean pool
    pooled = jnp.mean(x, axis=0, keepdims=True)
    return pooled @ Wh.T + bh

if __name__ == "__main__":
    import jax
    _d = setup_inputs()
    print(jax.jit(kernel)(*tuple(_d.values())))

</pallas_src>

<mosaic_0001>
#map = affine_map<(d0, d1) -> (0, 0)>
#map1 = affine_map<(d0, d1) -> (0, 0, 0)>
module attributes {stable_mosaic.version = 14 : i64} {
  func.func @body(%arg0: i32, %arg1: i32, %arg2: memref<2x1600000xi32, #tpu.memory_space<hbm>>, %arg3: memref<50048x32xf32, #tpu.memory_space<hbm>>, %arg4: memref<50048x32xf32, #tpu.memory_space<hbm>>, %arg5: memref<2x50048x32xf32, #tpu.memory_space<hbm>>, %arg6: memref<2x400xi32, #tpu.memory_space<vmem>>, %arg7: memref<3x400xi32, #tpu.memory_space<vmem>>, %arg8: memref<2x400x32xf32, #tpu.memory_space<vmem>>, %arg9: memref<50048x32xf32, #tpu.memory_space<vmem_shared>>, %arg10: memref<!tpu.dma_semaphore, #tpu.memory_space<semaphore_mem>>, %arg11: memref<!tpu.dma_semaphore, #tpu.memory_space<semaphore_mem>>, %arg12: memref<!tpu.dma_semaphore, #tpu.memory_space<semaphore_mem>>) attributes {dimension_semantics = [#tpu.dimension_semantics<core_parallel>, #tpu.dimension_semantics<subcore_parallel>], iteration_bounds = array<i64: 2, 16>, scalar_prefetch = 0 : i64, scratch_operands = 7 : i64, tpu.core_type = #tpu.core_type<sc_vector_subcore>, window_params = [{transform_indices = #map}, {transform_indices = #map}, {transform_indices = #map}, {transform_indices = #map1}]} {
    %mul3A = arith.constant 16 : i32
    %mul3A_0 = arith.muli %arg0, %mul3A : i32
    %add3A = arith.addi %mul3A_0, %arg1 : i32
    %mul3A_1 = arith.constant 3128 : i32
    %mul3A_2 = arith.muli %arg1, %mul3A_1 : i32
    %mul3A_3 = arith.constant 3128 : i32
    %mul3A_4 = arith.muli %arg1, %mul3A_3 : i32
    "tpu.region"() ({
      %run_scoped3A = tpu.sem_alloc : memref<!tpu.dma_semaphore, #tpu.memory_space<semaphore_mem>>
      %dma_start3A_157 = arith.constant 0 : i32
      %dma_start3A_158 = tpu.memref_slice %arg9[%mul3A_4, %dma_start3A_157] : memref<50048x32xf32, #tpu.memory_space<vmem_shared>> -> memref<3128x32xf32, #tpu.memory_space<vmem_shared>>
      %dma_start3A_159 = arith.constant 0 : i32
      %dma_start3A_160 = tpu.memref_slice %arg4[%mul3A_2, %dma_start3A_159] : memref<50048x32xf32, #tpu.memory_space<hbm>> -> memref<3128x32xf32, #tpu.memory_space<hbm>>
      tpu.enqueue_dma source(%dma_start3A_160 : memref<3128x32xf32, #tpu.memory_space<hbm>>) target(%dma_start3A_158 : memref<3128x32xf32, #tpu.memory_space<vmem_shared>>) target_semaphore(%run_scoped3A : memref<!tpu.dma_semaphore, #tpu.memory_space<semaphore_mem>>)
      %dma_wait3A_161 = arith.constant 0 : i32
      %dma_wait3A_162 = tpu.memref_slice %arg9[%mul3A_4, %dma_wait3A_161] : memref<50048x32xf32, #tpu.memory_space<vmem_shared>> -> memref<3128x32xf32, #tpu.memory_space<vmem_shared>>
      %dma_wait3A_163 = arith.constant 0 : i32
      %dma_wait3A_164 = tpu.memref_slice %arg4[%mul3A_2, %dma_wait3A_163] : memref<50048x32xf32, #tpu.memory_space<hbm>> -> memref<3128x32xf32, #tpu.memory_space<hbm>>
      tpu.wait_dma2 semaphore(%run_scoped3A : memref<!tpu.dma_semaphore, #tpu.memory_space<semaphore_mem>>) src(%dma_wait3A_164 : memref<3128x32xf32, #tpu.memory_space<hbm>>) dst(%dma_wait3A_162 : memref<3128x32xf32, #tpu.memory_space<vmem_shared>>)
      tpu.yield
    }) : () -> ()
    %barrier3A = arith.constant 0 : index
    tpu.barrier barrier_id(%barrier3A)
    %add3A_5 = arith.constant 0 : i32
    %add3A_6 = arith.addi %add3A_5, %add3A : i32
    %mul3A_7 = arith.constant 400 : i32
    %mul3A_8 = arith.muli %add3A_6, %mul3A_7 : i32
    %dma_start3A = arith.constant 0 : i32
    %dma_start3A_9 = arith.constant 0 : i32
    %dma_start3A_10 = arith.constant 0 : i32
    %dma_start3A_11 = tpu.memref_slice %arg6[%dma_start3A_9, %dma_start3A_10] : memref<2x400xi32, #tpu.memory_space<vmem>> -> memref<1x400xi32, #tpu.memory_space<vmem>>
    %dma_start3A_12 = tpu.memref_squeeze %dma_start3A_11 : memref<1x400xi32, #tpu.memory_space<vmem>> -> memref<400xi32, #tpu.memory_space<vmem>>
    %dma_start3A_13 = tpu.memref_slice %arg2[%dma_start3A, %mul3A_8] : memref<2x1600000xi32, #tpu.memory_space<hbm>> -> memref<1x400xi32, #tpu.memory_space<hbm>>
    %dma_start3A_14 = tpu.memref_squeeze %dma_start3A_13 : memref<1x400xi32, #tpu.memory_space<hbm>> -> memref<400xi32, #tpu.memory_space<hbm>>
    %dma_start3A_15 = arith.constant 0 : i32
    %dma_start3A_16 = tpu.memref_slice %arg6[%dma_start3A_9, %dma_start3A_15] : memref<2x400xi32, #tpu.memory_space<vmem>> -> memref<1x400xi32, #tpu.memory_space<vmem>>
    %dma_start3A_17 = tpu.memref_squeeze %dma_start3A_16 : memref<1x400xi32, #tpu.memory_space<vmem>> -> memref<400xi32, #tpu.memory_space<vmem>>
    %dma_start3A_18 = tpu.memref_slice %arg2[%dma_start3A, %mul3A_8] : memref<2x1600000xi32, #tpu.memory_space<hbm>> -> memref<1x400xi32, #tpu.memory_space<hbm>>
    %dma_start3A_19 = tpu.memref_squeeze %dma_start3A_18 : memref<1x400xi32, #tpu.memory_space<hbm>> -> memref<400xi32, #tpu.memory_space<hbm>>
    tpu.enqueue_dma source(%dma_start3A_19 : memref<400xi32, #tpu.memory_space<hbm>>) target(%dma_start3A_17 : memref<400xi32, #tpu.memory_space<vmem>>) target_semaphore(%arg10 : memref<!tpu.dma_semaphore, #tpu.memory_space<semaphore_mem>>)
    %dma_start3A_20 = arith.constant 1 : i32
    %dma_start3A_21 = arith.constant 0 : i32
    %dma_start3A_22 = arith.constant 0 : i32
    %dma_start3A_23 = tpu.memref_slice %arg7[%dma_start3A_21, %dma_start3A_22] : memref<3x400xi32, #tpu.memory_space<vmem>> -> memref<1x400xi32, #tpu.memory_space<vmem>>
    %dma_start3A_24 = tpu.memref_squeeze %dma_start3A_23 : memref<1x400xi32, #tpu.memory_space<vmem>> -> memref<400xi32, #tpu.memory_space<vmem>>
    %dma_start3A_25 = tpu.memref_slice %arg2[%dma_start3A_20, %mul3A_8] : memref<2x1600000xi32, #tpu.memory_space<hbm>> -> memref<1x400xi32, #tpu.memory_space<hbm>>
    %dma_start3A_26 = tpu.memref_squeeze %dma_start3A_25 : memref<1x400xi32, #tpu.memory_space<hbm>> -> memref<400xi32, #tpu.memory_space<hbm>>
    %dma_start3A_27 = arith.constant 0 : i32
    %dma_start3A_28 = tpu.memref_slice %arg7[%dma_start3A_21, %dma_start3A_27] : memref<3x400xi32, #tpu.memory_space<vmem>> -> memref<1x400xi32, #tpu.memory_space<vmem>>
    %dma_start3A_29 = tpu.memref_squeeze %dma_start3A_28 : memref<1x400xi32, #tpu.memory_space<vmem>> -> memref<400xi32, #tpu.memory_space<vmem>>
    %dma_start3A_30 = tpu.memref_slice %arg2[%dma_start3A_20, %mul3A_8] : memref<2x1600000xi32, #tpu.memory_space<hbm>> -> memref<1x400xi32, #tpu.memory_space<hbm>>
    %dma_start3A_31 = tpu.memref_squeeze %dma_start3A_30 : memref<1x400xi32, #tpu.memory_space<hbm>> -> memref<400xi32, #tpu.memory_space<hbm>>
    tpu.enqueue_dma source(%dma_start3A_31 : memref<400xi32, #tpu.memory_space<hbm>>) target(%dma_start3A_29 : memref<400xi32, #tpu.memory_space<vmem>>) target_semaphore(%arg10 : memref<!tpu.dma_semaphore, #tpu.memory_space<semaphore_mem>>)
    %dma_wait3A = arith.constant 0 : i32
    %dma_wait3A_32 = arith.constant 0 : i32
    %dma_wait3A_33 = arith.constant 0 : i32
    %dma_wait3A_34 = tpu.memref_slice %arg6[%dma_wait3A_32, %dma_wait3A_33] : memref<2x400xi32, #tpu.memory_space<vmem>> -> memref<1x400xi32, #tpu.memory_space<vmem>>
    %dma_wait3A_35 = tpu.memref_squeeze %dma_wait3A_34 : memref<1x400xi32, #tpu.memory_space<vmem>> -> memref<400xi32, #tpu.memory_space<vmem>>
    %dma_wait3A_36 = arith.constant 0 : i32
    %dma_wait3A_37 = tpu.memref_slice %arg2[%dma_wait3A, %dma_wait3A_36] : memref<2x1600000xi32, #tpu.memory_space<hbm>> -> memref<1x400xi32, #tpu.memory_space<hbm>>
    %dma_wait3A_38 = tpu.memref_squeeze %dma_wait3A_37 : memref<1x400xi32, #tpu.memory_space<hbm>> -> memref<400xi32, #tpu.memory_space<hbm>>
    %dma_wait3A_39 = arith.constant 0 : i32
    %dma_wait3A_40 = tpu.memref_slice %arg6[%dma_wait3A_32, %dma_wait3A_39] : memref<2x400xi32, #tpu.memory_space<vmem>> -> memref<1x400xi32, #tpu.memory_space<vmem>>
    %dma_wait3A_41 = tpu.memref_squeeze %dma_wait3A_40 : memref<1x400xi32, #tpu.memory_space<vmem>> -> memref<400xi32, #tpu.memory_space<vmem>>
    %dma_wait3A_42 = arith.constant 0 : i32
    %dma_wait3A_43 = tpu.memref_slice %arg2[%dma_wait3A, %dma_wait3A_42] : memref<2x1600000xi32, #tpu.memory_space<hbm>> -> memref<1x400xi32, #tpu.memory_space<hbm>>
    %dma_wait3A_44 = tpu.memref_squeeze %dma_wait3A_43 : memref<1x400xi32, #tpu.memory_space<hbm>> -> memref<400xi32, #tpu.memory_space<hbm>>
    tpu.wait_dma2 semaphore(%arg10 : memref<!tpu.dma_semaphore, #tpu.memory_space<semaphore_mem>>) src(%dma_wait3A_44 : memref<400xi32, #tpu.memory_space<hbm>>) dst(%dma_wait3A_41 : memref<400xi32, #tpu.memory_space<vmem>>)
    %dma_wait3A_45 = arith.constant 1 : i32
    %dma_wait3A_46 = arith.constant 0 : i32
    %dma_wait3A_47 = arith.constant 0 : i32
    %dma_wait3A_48 = tpu.memref_slice %arg7[%dma_wait3A_46, %dma_wait3A_47] : memref<3x400xi32, #tpu.memory_space<vmem>> -> memref<1x400xi32, #tpu.memory_space<vmem>>
    %dma_wait3A_49 = tpu.memref_squeeze %dma_wait3A_48 : memref<1x400xi32, #tpu.memory_space<vmem>> -> memref<400xi32, #tpu.memory_space<vmem>>
    %dma_wait3A_50 = arith.constant 0 : i32
    %dma_wait3A_51 = tpu.memref_slice %arg2[%dma_wait3A_45, %dma_wait3A_50] : memref<2x1600000xi32, #tpu.memory_space<hbm>> -> memref<1x400xi32, #tpu.memory_space<hbm>>
    %dma_wait3A_52 = tpu.memref_squeeze %dma_wait3A_51 : memref<1x400xi32, #tpu.memory_space<hbm>> -> memref<400xi32, #tpu.memory_space<hbm>>
    %dma_wait3A_53 = arith.constant 0 : i32
    %dma_wait3A_54 = tpu.memref_slice %arg7[%dma_wait3A_46, %dma_wait3A_53] : memref<3x400xi32, #tpu.memory_space<vmem>> -> memref<1x400xi32, #tpu.memory_space<vmem>>
    %dma_wait3A_55 = tpu.memref_squeeze %dma_wait3A_54 : memref<1x400xi32, #tpu.memory_space<vmem>> -> memref<400xi32, #tpu.memory_space<vmem>>
    %dma_wait3A_56 = arith.constant 0 : i32
    %dma_wait3A_57 = tpu.memref_slice %arg2[%dma_wait3A_45, %dma_wait3A_56] : memref<2x1600000xi32, #tpu.memory_space<hbm>> -> memref<1x400xi32, #tpu.memory_space<hbm>>
    %dma_wait3A_58 = tpu.memref_squeeze %dma_wait3A_57 : memref<1x400xi32, #tpu.memory_space<hbm>> -> memref<400xi32, #tpu.memory_space<hbm>>
    tpu.wait_dma2 semaphore(%arg10 : memref<!tpu.dma_semaphore, #tpu.memory_space<semaphore_mem>>) src(%dma_wait3A_58 : memref<400xi32, #tpu.memory_space<hbm>>) dst(%dma_wait3A_55 : memref<400xi32, #tpu.memory_space<vmem>>)
    %dma_start3A_59 = arith.constant 0 : i32
    %dma_start3A_60 = arith.constant 0 : i32
    %dma_start3A_61 = arith.constant 0 : i32
    %dma_start3A_62 = arith.constant 0 : i32
    %dma_start3A_63 = tpu.memref_slice %arg8[%dma_start3A_60, %dma_start3A_61, %dma_start3A_62] : memref<2x400x32xf32, #tpu.memory_space<vmem>> -> memref<1x400x32xf32, #tpu.memory_space<vmem>>
    %dma_start3A_64 = tpu.memref_squeeze %dma_start3A_63 : memref<1x400x32xf32, #tpu.memory_space<vmem>> -> memref<400x32xf32, #tpu.memory_space<vmem>>
    %dma_start3A_65 = arith.constant 0 : i32
    %dma_start3A_66 = tpu.memref_slice %arg6[%dma_start3A_59, %dma_start3A_65] : memref<2x400xi32, #tpu.memory_space<vmem>> -> memref<1x400xi32, #tpu.memory_space<vmem>>
    %dma_start3A_67 = tpu.memref_squeeze %dma_start3A_66 : memref<1x400xi32, #tpu.memory_space<vmem>> -> memref<400xi32, #tpu.memory_space<vmem>>
    %dma_start3A_68 = arith.constant 0 : i32
    %dma_start3A_69 = arith.constant 0 : i32
    %dma_start3A_70 = tpu.memref_slice %arg3[%dma_start3A_68, %dma_start3A_69] : memref<50048x32xf32, #tpu.memory_space<hbm>> -> memref<50048x32xf32, #tpu.memory_space<hbm>>
    tpu.enqueue_indirect_dma source(%dma_start3A_70 : memref<50048x32xf32, #tpu.memory_space<hbm>>) target(%dma_start3A_64 : memref<400x32xf32, #tpu.memory_space<vmem>>) offsets(%dma_start3A_67 : memref<400xi32, #tpu.memory_space<vmem>>) semaphore(%arg11 : memref<!tpu.dma_semaphore, #tpu.memory_space<semaphore_mem>>)
    %add3A_71 = arith.constant 32 : i32
    %add3A_72 = arith.addi %add3A_71, %add3A : i32
    %mul3A_73 = arith.constant 400 : i32
    %mul3A_74 = arith.muli %add3A_72, %mul3A_73 : i32
    %dma_start3A_75 = arith.constant 0 : i32
    %dma_start3A_76 = arith.constant 1 : i32
    %dma_start3A_77 = arith.constant 0 : i32
    %dma_start3A_78 = tpu.memref_slice %arg6[%dma_start3A_76, %dma_start3A_77] : memref<2x400xi32, #tpu.memory_space<vmem>> -> memref<1x400xi32, #tpu.memory_space<vmem>>
    %dma_start3A_79 = tpu.memref_squeeze %dma_start3A_78 : memref<1x400xi32, #tpu.memory_space<vmem>> -> memref<400xi32, #tpu.memory_space<vmem>>
    %dma_start3A_80 = tpu.memref_slice %arg2[%dma_start3A_75, %mul3A_74] : memref<2x1600000xi32, #tpu.memory_space<hbm>> -> memref<1x400xi32, #tpu.memory_space<hbm>>
    %dma_start3A_81 = tpu.memref_squeeze %dma_start3A_80 : memref<1x400xi32, #tpu.memory_space<hbm>> -> memref<400xi32, #tpu.memory_space<hbm>>
    %dma_start3A_82 = arith.constant 0 : i32
    %dma_start3A_83 = tpu.memref_slice %arg6[%dma_start3A_76, %dma_start3A_82] : memref<2x400xi32, #tpu.memory_space<vmem>> -> memref<1x400xi32, #tpu.memory_space<vmem>>
    %dma_start3A_84 = tpu.memref_squeeze %dma_start3A_83 : memref<1x400xi32, #tpu.memory_space<vmem>> -> memref<400xi32, #tpu.memory_space<vmem>>
    %dma_start3A_85 = tpu.memref_slice %arg2[%dma_start3A_75, %mul3A_74] : memref<2x1600000xi32, #tpu.memory_space<hbm>> -> memref<1x400xi32, #tpu.memory_space<hbm>>
    %dma_start3A_86 = tpu.memref_squeeze %dma_start3A_85 : memref<1x400xi32, #tpu.memory_space<hbm>> -> memref<400xi32, #tpu.memory_space<hbm>>
    tpu.enqueue_dma source(%dma_start3A_86 : memref<400xi32, #tpu.memory_space<hbm>>) target(%dma_start3A_84 : memref<400xi32, #tpu.memory_space<vmem>>) target_semaphore(%arg10 : memref<!tpu.dma_semaphore, #tpu.memory_space<semaphore_mem>>)
    %dma_start3A_87 = arith.constant 1 : i32
    %dma_start3A_88 = arith.constant 1 : i32
    %dma_start3A_89 = arith.constant 0 : i32
    %dma_start3A_90 = tpu.memref_slice %arg7[%dma_start3A_88, %dma_start3A_89] : memref<3x400xi32, #tpu.memory_space<vmem>> -> memref<1x400xi32, #tpu.memory_space<vmem>>
    %dma_start3A_91 = tpu.memref_squeeze %dma_start3A_90 : memref<1x400xi32, #tpu.memory_space<vmem>> -> memref<400xi32, #tpu.memory_space<vmem>>
    %dma_start3A_92 = tpu.memref_slice %arg2[%dma_start3A_87, %mul3A_74] : memref<2x1600000xi32, #tpu.memory_space<hbm>> -> memref<1x400xi32, #tpu.memory_space<hbm>>
    %dma_start3A_93 = tpu.memref_squeeze %dma_start3A_92 : memref<1x400xi32, #tpu.memory_space<hbm>> -> memref<400xi32, #tpu.memory_space<hbm>>
    %dma_start3A_94 = arith.constant 0 : i32
    %dma_start3A_95 = tpu.memref_slice %arg7[%dma_start3A_88, %dma_start3A_94] : memref<3x400xi32, #tpu.memory_space<vmem>> -> memref<1x400xi32, #tpu.memory_space<vmem>>
    %dma_start3A_96 = tpu.memref_squeeze %dma_start3A_95 : memref<1x400xi32, #tpu.memory_space<vmem>> -> memref<400xi32, #tpu.memory_space<vmem>>
    %dma_start3A_97 = tpu.memref_slice %arg2[%dma_start3A_87, %mul3A_74] : memref<2x1600000xi32, #tpu.memory_space<hbm>> -> memref<1x400xi32, #tpu.memory_space<hbm>>
    %dma_start3A_98 = tpu.memref_squeeze %dma_start3A_97 : memref<1x400xi32, #tpu.memory_space<hbm>> -> memref<400xi32, #tpu.memory_space<hbm>>
    tpu.enqueue_dma source(%dma_start3A_98 : memref<400xi32, #tpu.memory_space<hbm>>) target(%dma_start3A_96 : memref<400xi32, #tpu.memory_space<vmem>>) target_semaphore(%arg10 : memref<!tpu.dma_semaphore, #tpu.memory_space<semaphore_mem>>)
    %scan3A = arith.constant 0 : i32
    %scan3A_99 = arith.constant 0 : i32
    %scan3A_100 = arith.constant 124 : i32
    %scan3A_101 = arith.addi %scan3A_99, %scan3A_100 : i32
    %scan3A_102 = arith.constant 1 : i32
    scf.for %scan3A_157 = %scan3A_99 to %scan3A_101 step %scan3A_102  : i32 {
      %rem3A = arith.constant 2 : i32
      %rem3A_158 = arith.remsi %scan3A_157, %rem3A : i32
      %add3A_159 = arith.constant 1 : i32
      %add3A_160 = arith.addi %scan3A_157, %add3A_159 : i32
      %rem3A_161 = arith.constant 2 : i32
      %rem3A_162 = arith.remsi %add3A_160, %rem3A_161 : i32
      %rem3A_163 = arith.constant 3 : i32
      %rem3A_164 = arith.remsi %scan3A_157, %rem3A_163 : i32
      %add3A_165 = arith.constant 1 : i32
      %add3A_166 = arith.addi %scan3A_157, %add3A_165 : i32
      %rem3A_167 = arith.constant 3 : i32
      %rem3A_168 = arith.remsi %add3A_166, %rem3A_167 : i32
      %add3A_169 = arith.constant 2 : i32
      %add3A_170 = arith.addi %scan3A_157, %add3A_169 : i32
      %rem3A_171 = arith.constant 3 : i32
      %rem3A_172 = arith.remsi %add3A_170, %rem3A_171 : i32
      %dma_wait3A_173 = arith.constant 0 : i32
      %dma_wait3A_174 = arith.constant 0 : i32
      %dma_wait3A_175 = tpu.memref_slice %arg8[%rem3A_158, %dma_wait3A_173, %dma_wait3A_174] : memref<2x400x32xf32, #tpu.memory_space<vmem>> -> memref<1x400x32xf32, #tpu.memory_space<vmem>>
      %dma_wait3A_176 = tpu.memref_squeeze %dma_wait3A_175 : memref<1x400x32xf32, #tpu.memory_space<vmem>> -> memref<400x32xf32, #tpu.memory_space<vmem>>
      %dma_wait3A_177 = arith.constant 0 : i32
      %dma_wait3A_178 = tpu.memref_slice %arg6[%rem3A_158, %dma_wait3A_177] : memref<2x400xi32, #tpu.memory_space<vmem>> -> memref<1x400xi32, #tpu.memory_space<vmem>>
      %dma_wait3A_179 = tpu.memref_squeeze %dma_wait3A_178 : memref<1x400xi32, #tpu.memory_space<vmem>> -> memref<400xi32, #tpu.memory_space<vmem>>
      %dma_wait3A_180 = arith.constant 0 : i32
      %dma_wait3A_181 = arith.constant 0 : i32
      %dma_wait3A_182 = tpu.memref_slice %arg3[%dma_wait3A_180, %dma_wait3A_181] : memref<50048x32xf32, #tpu.memory_space<hbm>> -> memref<50048x32xf32, #tpu.memory_space<hbm>>
      tpu.wait_indirect_dma semaphore(%arg11 : memref<!tpu.dma_semaphore, #tpu.memory_space<semaphore_mem>>) src(%dma_wait3A_182 : memref<50048x32xf32, #tpu.memory_space<hbm>>) dst(%dma_wait3A_176 : memref<400x32xf32, #tpu.memory_space<vmem>>)
      %ge3A = arith.constant 1 : i32
      %ge3A_183 = arith.cmpi sge, %scan3A_157, %ge3A : i32
      %convert_element_type3A = arith.extui %ge3A_183 : i1 to i32
      %cond3A = arith.constant 0 : i32
      %cond3A_184 = arith.cmpi ne, %convert_element_type3A, %cond3A : i32
      scf.if %cond3A_184 {
        %dma_wait3A_237 = arith.constant 0 : i32
        %dma_wait3A_238 = arith.constant 0 : i32
        %dma_wait3A_239 = tpu.memref_slice %arg8[%rem3A_162, %dma_wait3A_237, %dma_wait3A_238] : memref<2x400x32xf32, #tpu.memory_space<vmem>> -> memref<1x400x32xf32, #tpu.memory_space<vmem>>
        %dma_wait3A_240 = tpu.memref_squeeze %dma_wait3A_239 : memref<1x400x32xf32, #tpu.memory_space<vmem>> -> memref<400x32xf32, #tpu.memory_space<vmem>>
        %dma_wait3A_241 = arith.constant 0 : i32
        %dma_wait3A_242 = tpu.memref_slice %arg7[%rem3A_172, %dma_wait3A_241] : memref<3x400xi32, #tpu.memory_space<vmem>> -> memref<1x400xi32, #tpu.memory_space<vmem>>
        %dma_wait3A_243 = tpu.memref_squeeze %dma_wait3A_242 : memref<1x400xi32, #tpu.memory_space<vmem>> -> memref<400xi32, #tpu.memory_space<vmem>>
        %dma_wait3A_244 = arith.constant 0 : i32
        %dma_wait3A_245 = arith.constant 0 : i32
        %dma_wait3A_246 = tpu.memref_slice %arg9[%dma_wait3A_244, %dma_wait3A_245] : memref<50048x32xf32, #tpu.memory_space<vmem_shared>> -> memref<50048x32xf32, #tpu.memory_space<vmem_shared>>
        tpu.wait_indirect_dma semaphore(%arg12 : memref<!tpu.dma_semaphore, #tpu.memory_space<semaphore_mem>>) src(%dma_wait3A_240 : memref<400x32xf32, #tpu.memory_space<vmem>>) dst(%dma_wait3A_246 : memref<50048x32xf32, #tpu.memory_space<vmem_shared>>)
      } else {
      }
      %dma_start3A_185 = arith.constant 0 : i32
      %dma_start3A_186 = arith.constant 0 : i32
      %dma_start3A_187 = tpu.memref_slice %arg8[%rem3A_158, %dma_start3A_185, %dma_start3A_186] : memref<2x400x32xf32, #tpu.memory_space<vmem>> -> memref<1x400x32xf32, #tpu.memory_space<vmem>>
      %dma_start3A_188 = tpu.memref_squeeze %dma_start3A_187 : memref<1x400x32xf32, #tpu.memory_space<vmem>> -> memref<400x32xf32, #tpu.memory_space<vmem>>
      %dma_start3A_189 = arith.constant 0 : i32
      %dma_start3A_190 = tpu.memref_slice %arg7[%rem3A_164, %dma_start3A_189] : memref<3x400xi32, #tpu.memory_space<vmem>> -> memref<1x400xi32, #tpu.memory_space<vmem>>
      %dma_start3A_191 = tpu.memref_squeeze %dma_start3A_190 : memref<1x400xi32, #tpu.memory_space<vmem>> -> memref<400xi32, #tpu.memory_space<vmem>>
      %dma_start3A_192 = arith.constant 0 : i32
      %dma_start3A_193 = arith.constant 0 : i32
      %dma_start3A_194 = tpu.memref_slice %arg9[%dma_start3A_192, %dma_start3A_193] : memref<50048x32xf32, #tpu.memory_space<vmem_shared>> -> memref<50048x32xf32, #tpu.memory_space<vmem_shared>>
      tpu.enqueue_indirect_dma source(%dma_start3A_188 : memref<400x32xf32, #tpu.memory_space<vmem>>) target(%dma_start3A_194 : memref<50048x32xf32, #tpu.memory_space<vmem_shared>>) offsets(%dma_start3A_191 : memref<400xi32, #tpu.memory_space<vmem>>) semaphore(%arg12 : memref<!tpu.dma_semaphore, #tpu.memory_space<semaphore_mem>>) {add = true}
      %dma_wait3A_195 = arith.constant 0 : i32
      %dma_wait3A_196 = arith.constant 0 : i32
      %dma_wait3A_197 = tpu.memref_slice %arg6[%rem3A_162, %dma_wait3A_196] : memref<2x400xi32, #tpu.memory_space<vmem>> -> memref<1x400xi32, #tpu.memory_space<vmem>>
      %dma_wait3A_198 = tpu.memref_squeeze %dma_wait3A_197 : memref<1x400xi32, #tpu.memory_space<vmem>> -> memref<400xi32, #tpu.memory_space<vmem>>
      %dma_wait3A_199 = arith.constant 0 : i32
      %dma_wait3A_200 = tpu.memref_slice %arg2[%dma_wait3A_195, %dma_wait3A_199] : memref<2x1600000xi32, #tpu.memory_space<hbm>> -> memref<1x400xi32, #tpu.memory_space<hbm>>
      %dma_wait3A_201 = tpu.memref_squeeze %dma_wait3A_200 : memref<1x400xi32, #tpu.memory_space<hbm>> -> memref<400xi32, #tpu.memory_space<hbm>>
      %dma_wait3A_202 = arith.constant 0 : i32
      %dma_wait3A_203 = tpu.memref_slice %arg6[%rem3A_162, %dma_wait3A_202] : memref<2x400xi32, #tpu.memory_space<vmem>> -> memref<1x400xi32, #tpu.memory_space<vmem>>
      %dma_wait3A_204 = tpu.memref_squeeze %dma_wait3A_203 : memref<1x400xi32, #tpu.memory_space<vmem>> -> memref<400xi32, #tpu.memory_space<vmem>>
      %dma_wait3A_205 = arith.constant 0 : i32
      %dma_wait3A_206 = tpu.memref_slice %arg2[%dma_wait3A_195, %dma_wait3A_205] : memref<2x1600000xi32, #tpu.memory_space<hbm>> -> memref<1x400xi32, #tpu.memory_space<hbm>>
      %dma_wait3A_207 = tpu.memref_squeeze %dma_wait3A_206 : memref<1x400xi32, #tpu.memory_space<hbm>> -> memref<400xi32, #tpu.memory_space<hbm>>
      tpu.wait_dma2 semaphore(%arg10 : memref<!tpu.dma_semaphore, #tpu.memory_space<semaphore_mem>>) src(%dma_wait3A_207 : memref<400xi32, #tpu.memory_space<hbm>>) dst(%dma_wait3A_204 : memref<400xi32, #tpu.memory_space<vmem>>)
      %dma_wait3A_208 = arith.constant 1 : i32
      %dma_wait3A_209 = arith.constant 0 : i32
      %dma_wait3A_210 = tpu.memref_slice %arg7[%rem3A_168, %dma_wait3A_209] : memref<3x400xi32, #tpu.memory_space<vmem>> -> memref<1x400xi32, #tpu.memory_space<vmem>>
      %dma_wait3A_211 = tpu.memref_squeeze %dma_wait3A_210 : memref<1x400xi32, #tpu.memory_space<vmem>> -> memref<400xi32, #tpu.memory_space<vmem>>
      %dma_wait3A_212 = arith.constant 0 : i32
      %dma_wait3A_213 = tpu.memref_slice %arg2[%dma_wait3A_208, %dma_wait3A_212] : memref<2x1600000xi32, #tpu.memory_space<hbm>> -> memref<1x400xi32, #tpu.memory_space<hbm>>
      %dma_wait3A_214 = tpu.memref_squeeze %dma_wait3A_213 : memref<1x400xi32, #tpu.memory_space<hbm>> -> memref<400xi32, #tpu.memory_space<hbm>>
      %dma_wait3A_215 = arith.constant 0 : i32
      %dma_wait3A_216 = tpu.memref_slice %arg7[%rem3A_168, %dma_wait3A_215] : memref<3x400xi32, #tpu.memory_space<vmem>> -> memref<1x400xi32, #tpu.memory_space<vmem>>
      %dma_wait3A_217 = tpu.memref_squeeze %dma_wait3A_216 : memref<1x400xi32, #tpu.memory_space<vmem>> -> memref<400xi32, #tpu.memory_space<vmem>>
      %dma_wait3A_218 = arith.constant 0 : i32
      %dma_wait3A_219 = tpu.memref_slice %arg2[%dma_wait3A_208, %dma_wait3A_218] : memref<2x1600000xi32, #tpu.memory_space<hbm>> -> memref<1x400xi32, #tpu.memory_space<hbm>>
      %dma_wait3A_220 = tpu.memref_squeeze %dma_wait3A_219 : memref<1x400xi32, #tpu.memory_space<hbm>> -> memref<400xi32, #tpu.memory_space<hbm>>
      tpu.wait_dma2 semaphore(%arg10 : memref<!tpu.dma_semaphore, #tpu.memory_space<semaphore_mem>>) src(%dma_wait3A_220 : memref<400xi32, #tpu.memory_space<hbm>>) dst(%dma_wait3A_217 : memref<400xi32, #tpu.memory_space<vmem>>)
      %dma_start3A_221 = arith.constant 0 : i32
      %dma_start3A_222 = arith.constant 0 : i32
      %dma_start3A_223 = tpu.memref_slice %arg8[%rem3A_162, %dma_start3A_221, %dma_start3A_222] : memref<2x400x32xf32, #tpu.memory_space<vmem>> -> memref<1x400x32xf32, #tpu.memory_space<vmem>>
      %dma_start3A_224 = tpu.memref_squeeze %dma_start3A_223 : memref<1x400x32xf32, #tpu.memory_space<vmem>> -> memref<400x32xf32, #tpu.memory_space<vmem>>
      %dma_start3A_225 = arith.constant 0 : i32
      %dma_start3A_226 = tpu.memref_slice %arg6[%rem3A_162, %dma_start3A_225] : memref<2x400xi32, #tpu.memory_space<vmem>> -> memref<1x400xi32, #tpu.memory_space<vmem>>
      %dma_start3A_227 = tpu.memref_squeeze %dma_start3A_226 : memref<1x400xi32, #tpu.memory_space<vmem>> -> memref<400xi32, #tpu.memory_space<vmem>>
      %dma_start3A_228 = arith.constant 0 : i32
      %dma_start3A_229 = arith.constant 0 : i32
      %dma_start3A_230 = tpu.memref_slice %arg3[%dma_start3A_228, %dma_start3A_229] : memref<50048x32xf32, #tpu.memory_space<hbm>> -> memref<50048x32xf32, #tpu.memory_space<hbm>>
      tpu.enqueue_indirect_dma source(%dma_start3A_230 : memref<50048x32xf32, #tpu.memory_space<hbm>>) target(%dma_start3A_224 : memref<400x32xf32, #tpu.memory_space<vmem>>) offsets(%dma_start3A_227 : memref<400xi32, #tpu.memory_space<vmem>>) semaphore(%arg11 : memref<!tpu.dma_semaphore, #tpu.memory_space<semaphore_mem>>)
      %add3A_231 = arith.constant 2 : i32
      %add3A_232 = arith.addi %scan3A_157, %add3A_231 : i32
      %le3A = arith.constant 124 : i32
      %le3A_233 = arith.cmpi sle, %add3A_232, %le3A : i32
      %convert_element_type3A_234 = arith.extui %le3A_233 : i1 to i32
      %cond3A_235 = arith.constant 0 : i32
      %cond3A_236 = arith.cmpi ne, %convert_element_type3A_234, %cond3A_235 : i32
      scf.if %cond3A_236 {
        %add3A_237 = arith.constant 2 : i32
        %add3A_238 = arith.addi %scan3A_157, %add3A_237 : i32
        %mul3A_239 = arith.constant 32 : i32
        %mul3A_240 = arith.muli %add3A_238, %mul3A_239 : i32
        %add3A_241 = arith.addi %mul3A_240, %add3A : i32
        %mul3A_242 = arith.constant 400 : i32
        %mul3A_243 = arith.muli %add3A_241, %mul3A_242 : i32
        %dma_start3A_244 = arith.constant 0 : i32
        %dma_start3A_245 = arith.constant 0 : i32
        %dma_start3A_246 = tpu.memref_slice %arg6[%rem3A_158, %dma_start3A_245] : memref<2x400xi32, #tpu.memory_space<vmem>> -> memref<1x400xi32, #tpu.memory_space<vmem>>
        %dma_start3A_247 = tpu.memref_squeeze %dma_start3A_246 : memref<1x400xi32, #tpu.memory_space<vmem>> -> memref<400xi32, #tpu.memory_space<vmem>>
        %dma_start3A_248 = tpu.memref_slice %arg2[%dma_start3A_244, %mul3A_243] : memref<2x1600000xi32, #tpu.memory_space<hbm>> -> memref<1x400xi32, #tpu.memory_space<hbm>>
        %dma_start3A_249 = tpu.memref_squeeze %dma_start3A_248 : memref<1x400xi32, #tpu.memory_space<hbm>> -> memref<400xi32, #tpu.memory_space<hbm>>
        %dma_start3A_250 = arith.constant 0 : i32
        %dma_start3A_251 = tpu.memref_slice %arg6[%rem3A_158, %dma_start3A_250] : memref<2x400xi32, #tpu.memory_space<vmem>> -> memref<1x400xi32, #tpu.memory_space<vmem>>
        %dma_start3A_252 = tpu.memref_squeeze %dma_start3A_251 : memref<1x400xi32, #tpu.memory_space<vmem>> -> memref<400xi32, #tpu.memory_space<vmem>>
        %dma_start3A_253 = tpu.memref_slice %arg2[%dma_start3A_244, %mul3A_243] : memref<2x1600000xi32, #tpu.memory_space<hbm>> -> memref<1x400xi32, #tpu.memory_space<hbm>>
        %dma_start3A_254 = tpu.memref_squeeze %dma_start3A_253 : memref<1x400xi32, #tpu.memory_space<hbm>> -> memref<400xi32, #tpu.memory_space<hbm>>
        tpu.enqueue_dma source(%dma_start3A_254 : memref<400xi32, #tpu.memory_space<hbm>>) target(%dma_start3A_252 : memref<400xi32, #tpu.memory_space<vmem>>) target_semaphore(%arg10 : memref<!tpu.dma_semaphore, #tpu.memory_space<semaphore_mem>>)
        %dma_start3A_255 = arith.constant 1 : i32
        %dma_start3A_256 = arith.constant 0 : i32
        %dma_start3A_257 = tpu.memref_slice %arg7[%rem3A_172, %dma_start3A_256] : memref<3x400xi32, #tpu.memory_space<vmem>> -> memref<1x400xi32, #tpu.memory_space<vmem>>
        %dma_start3A_258 = tpu.memref_squeeze %dma_start3A_257 : memref<1x400xi32, #tpu.memory_space<vmem>> -> memref<400xi32, #tpu.memory_space<vmem>>
        %dma_start3A_259 = tpu.memref_slice %arg2[%dma_start3A_255, %mul3A_243] : memref<2x1600000xi32, #tpu.memory_space<hbm>> -> memref<1x400xi32, #tpu.memory_space<hbm>>
        %dma_start3A_260 = tpu.memref_squeeze %dma_start3A_259 : memref<1x400xi32, #tpu.memory_space<hbm>> -> memref<400xi32, #tpu.memory_space<hbm>>
        %dma_start3A_261 = arith.constant 0 : i32
        %dma_start3A_262 = tpu.memref_slice %arg7[%rem3A_172, %dma_start3A_261] : memref<3x400xi32, #tpu.memory_space<vmem>> -> memref<1x400xi32, #tpu.memory_space<vmem>>
        %dma_start3A_263 = tpu.memref_squeeze %dma_start3A_262 : memref<1x400xi32, #tpu.memory_space<vmem>> -> memref<400xi32, #tpu.memory_space<vmem>>
        %dma_start3A_264 = tpu.memref_slice %arg2[%dma_start3A_255, %mul3A_243] : memref<2x1600000xi32, #tpu.memory_space<hbm>> -> memref<1x400xi32, #tpu.memory_space<hbm>>
        %dma_start3A_265 = tpu.memref_squeeze %dma_start3A_264 : memref<1x400xi32, #tpu.memory_space<hbm>> -> memref<400xi32, #tpu.memory_space<hbm>>
        tpu.enqueue_dma source(%dma_start3A_265 : memref<400xi32, #tpu.memory_space<hbm>>) target(%dma_start3A_263 : memref<400xi32, #tpu.memory_space<vmem>>) target_semaphore(%arg10 : memref<!tpu.dma_semaphore, #tpu.memory_space<semaphore_mem>>)
      } else {
      }
    }
    %scan3A_103 = arith.constant 124 : i32
    %dma_wait3A_104 = arith.constant 0 : i32
    %dma_wait3A_105 = arith.constant 0 : i32
    %dma_wait3A_106 = arith.constant 0 : i32
    %dma_wait3A_107 = arith.constant 0 : i32
    %dma_wait3A_108 = tpu.memref_slice %arg8[%dma_wait3A_105, %dma_wait3A_106, %dma_wait3A_107] : memref<2x400x32xf32, #tpu.memory_space<vmem>> -> memref<1x400x32xf32, #tpu.memory_space<vmem>>
    %dma_wait3A_109 = tpu.memref_squeeze %dma_wait3A_108 : memref<1x400x32xf32, #tpu.memory_space<vmem>> -> memref<400x32xf32, #tpu.memory_space<vmem>>
    %dma_wait3A_110 = arith.constant 0 : i32
    %dma_wait3A_111 = tpu.memref_slice %arg6[%dma_wait3A_104, %dma_wait3A_110] : memref<2x400xi32, #tpu.memory_space<vmem>> -> memref<1x400xi32, #tpu.memory_space<vmem>>
    %dma_wait3A_112 = tpu.memref_squeeze %dma_wait3A_111 : memref<1x400xi32, #tpu.memory_space<vmem>> -> memref<400xi32, #tpu.memory_space<vmem>>
    %dma_wait3A_113 = arith.constant 0 : i32
    %dma_wait3A_114 = arith.constant 0 : i32
    %dma_wait3A_115 = tpu.memref_slice %arg3[%dma_wait3A_113, %dma_wait3A_114] : memref<50048x32xf32, #tpu.memory_space<hbm>> -> memref<50048x32xf32, #tpu.memory_space<hbm>>
    tpu.wait_indirect_dma semaphore(%arg11 : memref<!tpu.dma_semaphore, #tpu.memory_space<semaphore_mem>>) src(%dma_wait3A_115 : memref<50048x32xf32, #tpu.memory_space<hbm>>) dst(%dma_wait3A_109 : memref<400x32xf32, #tpu.memory_space<vmem>>)
    %dma_wait3A_116 = arith.constant 1 : i32
    %dma_wait3A_117 = arith.constant 0 : i32
    %dma_wait3A_118 = arith.constant 0 : i32
    %dma_wait3A_119 = arith.constant 0 : i32
    %dma_wait3A_120 = tpu.memref_slice %arg8[%dma_wait3A_116, %dma_wait3A_118, %dma_wait3A_119] : memref<2x400x32xf32, #tpu.memory_space<vmem>> -> memref<1x400x32xf32, #tpu.memory_space<vmem>>
    %dma_wait3A_121 = tpu.memref_squeeze %dma_wait3A_120 : memref<1x400x32xf32, #tpu.memory_space<vmem>> -> memref<400x32xf32, #tpu.memory_space<vmem>>
    %dma_wait3A_122 = arith.constant 0 : i32
    %dma_wait3A_123 = tpu.memref_slice %arg7[%dma_wait3A_117, %dma_wait3A_122] : memref<3x400xi32, #tpu.memory_space<vmem>> -> memref<1x400xi32, #tpu.memory_space<vmem>>
    %dma_wait3A_124 = tpu.memref_squeeze %dma_wait3A_123 : memref<1x400xi32, #tpu.memory_space<vmem>> -> memref<400xi32, #tpu.memory_space<vmem>>
    %dma_wait3A_125 = arith.constant 0 : i32
    %dma_wait3A_126 = arith.constant 0 : i32
    %dma_wait3A_127 = tpu.memref_slice %arg9[%dma_wait3A_125, %dma_wait3A_126] : memref<50048x32xf32, #tpu.memory_space<vmem_shared>> -> memref<50048x32xf32, #tpu.memory_space<vmem_shared>>
    tpu.wait_indirect_dma semaphore(%arg12 : memref<!tpu.dma_semaphore, #tpu.memory_space<semaphore_mem>>) src(%dma_wait3A_121 : memref<400x32xf32, #tpu.memory_space<vmem>>) dst(%dma_wait3A_127 : memref<50048x32xf32, #tpu.memory_space<vmem_shared>>)
    %dma_start3A_128 = arith.constant 0 : i32
    %dma_start3A_129 = arith.constant 1 : i32
    %dma_start3A_130 = arith.constant 0 : i32
    %dma_start3A_131 = arith.constant 0 : i32
    %dma_start3A_132 = tpu.memref_slice %arg8[%dma_start3A_128, %dma_start3A_130, %dma_start3A_131] : memref<2x400x32xf32, #tpu.memory_space<vmem>> -> memref<1x400x32xf32, #tpu.memory_space<vmem>>
    %dma_start3A_133 = tpu.memref_squeeze %dma_start3A_132 : memref<1x400x32xf32, #tpu.memory_space<vmem>> -> memref<400x32xf32, #tpu.memory_space<vmem>>
    %dma_start3A_134 = arith.constant 0 : i32
    %dma_start3A_135 = tpu.memref_slice %arg7[%dma_start3A_129, %dma_start3A_134] : memref<3x400xi32, #tpu.memory_space<vmem>> -> memref<1x400xi32, #tpu.memory_space<vmem>>
    %dma_start3A_136 = tpu.memref_squeeze %dma_start3A_135 : memref<1x400xi32, #tpu.memory_space<vmem>> -> memref<400xi32, #tpu.memory_space<vmem>>
    %dma_start3A_137 = arith.constant 0 : i32
    %dma_start3A_138 = arith.constant 0 : i32
    %dma_start3A_139 = tpu.memref_slice %arg9[%dma_start3A_137, %dma_start3A_138] : memref<50048x32xf32, #tpu.memory_space<vmem_shared>> -> memref<50048x32xf32, #tpu.memory_space<vmem_shared>>
    tpu.enqueue_indirect_dma source(%dma_start3A_133 : memref<400x32xf32, #tpu.memory_space<vmem>>) target(%dma_start3A_139 : memref<50048x32xf32, #tpu.memory_space<vmem_shared>>) offsets(%dma_start3A_136 : memref<400xi32, #tpu.memory_space<vmem>>) semaphore(%arg12 : memref<!tpu.dma_semaphore, #tpu.memory_space<semaphore_mem>>) {add = true}
    %dma_wait3A_140 = arith.constant 0 : i32
    %dma_wait3A_141 = arith.constant 1 : i32
    %dma_wait3A_142 = arith.constant 0 : i32
    %dma_wait3A_143 = arith.constant 0 : i32
    %dma_wait3A_144 = tpu.memref_slice %arg8[%dma_wait3A_140, %dma_wait3A_142, %dma_wait3A_143] : memref<2x400x32xf32, #tpu.memory_space<vmem>> -> memref<1x400x32xf32, #tpu.memory_space<vmem>>
    %dma_wait3A_145 = tpu.memref_squeeze %dma_wait3A_144 : memref<1x400x32xf32, #tpu.memory_space<vmem>> -> memref<400x32xf32, #tpu.memory_space<vmem>>
    %dma_wait3A_146 = arith.constant 0 : i32
    %dma_wait3A_147 = tpu.memref_slice %arg7[%dma_wait3A_141, %dma_wait3A_146] : memref<3x400xi32, #tpu.memory_space<vmem>> -> memref<1x400xi32, #tpu.memory_space<vmem>>
    %dma_wait3A_148 = tpu.memref_squeeze %dma_wait3A_147 : memref<1x400xi32, #tpu.memory_space<vmem>> -> memref<400xi32, #tpu.memory_space<vmem>>
    %dma_wait3A_149 = arith.constant 0 : i32
    %dma_wait3A_150 = arith.constant 0 : i32
    %dma_wait3A_151 = tpu.memref_slice %arg9[%dma_wait3A_149, %dma_wait3A_150] : memref<50048x32xf32, #tpu.memory_space<vmem_shared>> -> memref<50048x32xf32, #tpu.memory_space<vmem_shared>>
    tpu.wait_indirect_dma semaphore(%arg12 : memref<!tpu.dma_semaphore, #tpu.memory_space<semaphore_mem>>) src(%dma_wait3A_145 : memref<400x32xf32, #tpu.memory_space<vmem>>) dst(%dma_wait3A_151 : memref<50048x32xf32, #tpu.memory_space<vmem_shared>>)
    %barrier3A_152 = arith.constant 0 : index
    tpu.barrier barrier_id(%barrier3A_152)
    %mul3A_153 = arith.constant 3128 : i32
    %mul3A_154 = arith.muli %arg1, %mul3A_153 : i32
    %mul3A_155 = arith.constant 3128 : i32
    %mul3A_156 = arith.muli %arg1, %mul3A_155 : i32
    "tpu.region"() ({
      %run_scoped3A = tpu.sem_alloc : memref<!tpu.dma_semaphore, #tpu.memory_space<semaphore_mem>>
      %dma_start3A_157 = arith.constant 0 : i32
      %dma_start3A_158 = tpu.memref_slice %arg5[%arg0, %mul3A_156, %dma_start3A_157] : memref<2x50048x32xf32, #tpu.memory_space<hbm>> -> memref<1x3128x32xf32, #tpu.memory_space<hbm>>
      %dma_start3A_159 = tpu.memref_squeeze %dma_start3A_158 : memref<1x3128x32xf32, #tpu.memory_space<hbm>> -> memref<3128x32xf32, #tpu.memory_space<hbm>>
      %dma_start3A_160 = arith.constant 0 : i32
      %dma_start3A_161 = tpu.memref_slice %arg9[%mul3A_154, %dma_start3A_160] : memref<50048x32xf32, #tpu.memory_space<vmem_shared>> -> memref<3128x32xf32, #tpu.memory_space<vmem_shared>>
      tpu.enqueue_dma source(%dma_start3A_161 : memref<3128x32xf32, #tpu.memory_space<vmem_shared>>) target(%dma_start3A_159 : memref<3128x32xf32, #tpu.memory_space<hbm>>) target_semaphore(%run_scoped3A : memref<!tpu.dma_semaphore, #tpu.memory_space<semaphore_mem>>)
      %dma_wait3A_162 = arith.constant 0 : i32
      %dma_wait3A_163 = tpu.memref_slice %arg5[%arg0, %mul3A_156, %dma_wait3A_162] : memref<2x50048x32xf32, #tpu.memory_space<hbm>> -> memref<1x3128x32xf32, #tpu.memory_space<hbm>>
      %dma_wait3A_164 = tpu.memref_squeeze %dma_wait3A_163 : memref<1x3128x32xf32, #tpu.memory_space<hbm>> -> memref<3128x32xf32, #tpu.memory_space<hbm>>
      %dma_wait3A_165 = arith.constant 0 : i32
      %dma_wait3A_166 = tpu.memref_slice %arg9[%mul3A_154, %dma_wait3A_165] : memref<50048x32xf32, #tpu.memory_space<vmem_shared>> -> memref<3128x32xf32, #tpu.memory_space<vmem_shared>>
      tpu.wait_dma2 semaphore(%run_scoped3A : memref<!tpu.dma_semaphore, #tpu.memory_space<semaphore_mem>>) src(%dma_wait3A_166 : memref<3128x32xf32, #tpu.memory_space<vmem_shared>>) dst(%dma_wait3A_164 : memref<3128x32xf32, #tpu.memory_space<hbm>>)
      tpu.yield
    }) : () -> ()
    return
  }
}

#map = affine_map<(d0, d1) -> (0, 0)>
#map1 = affine_map<(d0, d1) -> (0)>
#map2 = affine_map<(d0, d1) -> (0, 0, 0)>
module attributes {stable_mosaic.version = 14 : i64} {
  func.func @body(%arg0: i32, %arg1: i32, %arg2: memref<2x1600000xi32, #tpu.memory_space<hbm>>, %arg3: memref<1600000xf32, #tpu.memory_space<hbm>>, %arg4: memref<50048x16xf32, #tpu.memory_space<hbm>>, %arg5: memref<2x50048x16xf32, #tpu.memory_space<hbm>>, %arg6: memref<3x400xi32, #tpu.memory_space<vmem>>, %arg7: memref<2x400xf32, #tpu.memory_space<vmem>>, %arg8: memref<2x400x16xf32, #tpu.memory_space<vmem>>, %arg9: memref<50048x16xf32, #tpu.memory_space<vmem_shared>>, %arg10: memref<!tpu.dma_semaphore, #tpu.memory_space<semaphore_mem>>, %arg11: memref<!tpu.dma_semaphore, #tpu.memory_space<semaphore_mem>>) attributes {dimension_semantics = [#tpu.dimension_semantics<core_parallel>, #tpu.dimension_semantics<subcore_parallel>], iteration_bounds = array<i64: 2, 16>, scalar_prefetch = 0 : i64, scratch_operands = 6 : i64, tpu.core_type = #tpu.core_type<sc_vector_subcore>, window_params = [{transform_indices = #map}, {transform_indices = #map1}, {transform_indices = #map}, {transform_indices = #map2}]} {
    %mul3A = arith.constant 16 : i32
    %mul3A_0 = arith.muli %arg0, %mul3A : i32
    %add3A = arith.addi %mul3A_0, %arg1 : i32
    %mul3A_1 = arith.constant 3128 : i32
    %mul3A_2 = arith.muli %arg1, %mul3A_1 : i32
    %mul3A_3 = arith.constant 3128 : i32
    %mul3A_4 = arith.muli %arg1, %mul3A_3 : i32
    "tpu.region"() ({
      %run_scoped3A = tpu.sem_alloc : memref<!tpu.dma_semaphore, #tpu.memory_space<semaphore_mem>>
      %dma_start3A_431 = arith.constant 0 : i32
      %dma_start3A_432 = tpu.memref_slice %arg9[%mul3A_4, %dma_start3A_431] : memref<50048x16xf32, #tpu.memory_space<vmem_shared>> -> memref<3128x16xf32, #tpu.memory_space<vmem_shared>>
      %dma_start3A_433 = arith.constant 0 : i32
      %dma_start3A_434 = tpu.memref_slice %arg4[%mul3A_2, %dma_start3A_433] : memref<50048x16xf32, #tpu.memory_space<hbm>> -> memref<3128x16xf32, #tpu.memory_space<hbm>>
      tpu.enqueue_dma source(%dma_start3A_434 : memref<3128x16xf32, #tpu.memory_space<hbm>>) target(%dma_start3A_432 : memref<3128x16xf32, #tpu.memory_space<vmem_shared>>) target_semaphore(%run_scoped3A : memref<!tpu.dma_semaphore, #tpu.memory_space<semaphore_mem>>)
      %dma_wait3A_435 = arith.constant 0 : i32
      %dma_wait3A_436 = tpu.memref_slice %arg9[%mul3A_4, %dma_wait3A_435] : memref<50048x16xf32, #tpu.memory_space<vmem_shared>> -> memref<3128x16xf32, #tpu.memory_space<vmem_shared>>
      %dma_wait3A_437 = arith.constant 0 : i32
      %dma_wait3A_438 = tpu.memref_slice %arg4[%mul3A_2, %dma_wait3A_437] : memref<50048x16xf32, #tpu.memory_space<hbm>> -> memref<3128x16xf32, #tpu.memory_space<hbm>>
      tpu.wait_dma2 semaphore(%run_scoped3A : memref<!tpu.dma_semaphore, #tpu.memory_space<semaphore_mem>>) src(%dma_wait3A_438 : memref<3128x16xf32, #tpu.memory_space<hbm>>) dst(%dma_wait3A_436 : memref<3128x16xf32, #tpu.memory_space<vmem_shared>>)
      tpu.yield
    }) : () -> ()
    %broadcast_in_dim3A = arith.constant 0.000000e+00 : f32
    %broadcast_in_dim3A_5 = vector.broadcast %broadcast_in_dim3A : f32 to vector<16xf32>
    %scan3A = arith.constant 0 : i32
    %scan3A_6 = arith.constant 0 : i32
    %scan3A_7 = arith.constant 800 : i32
    %scan3A_8 = arith.addi %scan3A_6, %scan3A_7 : i32
    %scan3A_9 = arith.constant 1 : i32
    scf.for %scan3A_431 = %scan3A_6 to %scan3A_8 step %scan3A_9  : i32 {
      %div3A = arith.constant 400 : i32
      %div3A_432 = arith.divsi %scan3A_431, %div3A : i32
      %rem3A = arith.constant 400 : i32
      %rem3A_433 = arith.remsi %scan3A_431, %rem3A : i32
      %swap3A = arith.index_cast %div3A_432 : i32 to index
      %swap3A_434 = arith.index_cast %rem3A_433 : i32 to index
      %swap3A_435 = arith.constant 0 : index
      %swap3A_436 = tpu.vector_load %arg8[%swap3A, %swap3A_434, %swap3A_435] {strides = array<i32>} : memref<2x400x16xf32, #tpu.memory_space<vmem>>, vector<16xf32>,
      tpu.vector_store %arg8[%swap3A, %swap3A_434, %swap3A_435], %broadcast_in_dim3A_5 {strides = array<i32>} : memref<2x400x16xf32, #tpu.memory_space<vmem>>, vector<16xf32>,
    }
    %scan3A_10 = arith.constant 800 : i32
    %barrier3A = arith.constant 0 : index
    tpu.barrier barrier_id(%barrier3A)
    %broadcast_in_dim3A_11 = arith.constant 0 : i32
    %broadcast_in_dim3A_12 = vector.broadcast %broadcast_in_dim3A_11 : i32 to vector<16xi32>
    %iota3A = tpu.iota {dimensions = array<i32: 0>} : vector<16xi32>
    %add3A_13 = arith.constant 0 : i32
    %add3A_14 = arith.addi %add3A_13, %add3A : i32
    %mul3A_15 = arith.constant 400 : i32
    %mul3A_16 = arith.muli %add3A_14, %mul3A_15 : i32
    %dma_start3A = arith.constant 1 : i32
    %dma_start3A_17 = arith.constant 0 : i32
    %dma_start3A_18 = arith.constant 0 : i32
    %dma_start3A_19 = tpu.memref_slice %arg6[%dma_start3A_17, %dma_start3A_18] : memref<3x400xi32, #tpu.memory_space<vmem>> -> memref<1x400xi32, #tpu.memory_space<vmem>>
    %dma_start3A_20 = tpu.memref_squeeze %dma_start3A_19 : memref<1x400xi32, #tpu.memory_space<vmem>> -> memref<400xi32, #tpu.memory_space<vmem>>
    %dma_start3A_21 = tpu.memref_slice %arg2[%dma_start3A, %mul3A_16] : memref<2x1600000xi32, #tpu.memory_space<hbm>> -> memref<1x400xi32, #tpu.memory_space<hbm>>
    %dma_start3A_22 = tpu.memref_squeeze %dma_start3A_21 : memref<1x400xi32, #tpu.memory_space<hbm>> -> memref<400xi32, #tpu.memory_space<hbm>>
    %dma_start3A_23 = arith.constant 0 : i32
    %dma_start3A_24 = tpu.memref_slice %arg6[%dma_start3A_17, %dma_start3A_23] : memref<3x400xi32, #tpu.memory_space<vmem>> -> memref<1x400xi32, #tpu.memory_space<vmem>>
    %dma_start3A_25 = tpu.memref_squeeze %dma_start3A_24 : memref<1x400xi32, #tpu.memory_space<vmem>> -> memref<400xi32, #tpu.memory_space<vmem>>
    %dma_start3A_26 = tpu.memref_slice %arg2[%dma_start3A, %mul3A_16] : memref<2x1600000xi32, #tpu.memory_space<hbm>> -> memref<1x400xi32, #tpu.memory_space<hbm>>
    %dma_start3A_27 = tpu.memref_squeeze %dma_start3A_26 : memref<1x400xi32, #tpu.memory_space<hbm>> -> memref<400xi32, #tpu.memory_space<hbm>>
    tpu.enqueue_dma source(%dma_start3A_27 : memref<400xi32, #tpu.memory_space<hbm>>) target(%dma_start3A_25 : memref<400xi32, #tpu.memory_space<vmem>>) target_semaphore(%arg10 : memref<!tpu.dma_semaphore, #tpu.memory_space<semaphore_mem>>)
    %dma_start3A_28 = arith.constant 0 : i32
    %dma_start3A_29 = arith.constant 0 : i32
    %dma_start3A_30 = tpu.memref_slice %arg7[%dma_start3A_28, %dma_start3A_29] : memref<2x400xf32, #tpu.memory_space<vmem>> -> memref<1x400xf32, #tpu.memory_space<vmem>>
    %dma_start3A_31 = tpu.memref_squeeze %dma_start3A_30 : memref<1x400xf32, #tpu.memory_space<vmem>> -> memref<400xf32, #tpu.memory_space<vmem>>
    %dma_start3A_32 = tpu.memref_slice %arg3[%mul3A_16] : memref<1600000xf32, #tpu.memory_space<hbm>> -> memref<400xf32, #tpu.memory_space<hbm>>
    %dma_start3A_33 = arith.constant 0 : i32
    %dma_start3A_34 = tpu.memref_slice %arg7[%dma_start3A_28, %dma_start3A_33] : memref<2x400xf32, #tpu.memory_space<vmem>> -> memref<1x400xf32, #tpu.memory_space<vmem>>
    %dma_start3A_35 = tpu.memref_squeeze %dma_start3A_34 : memref<1x400xf32, #tpu.memory_space<vmem>> -> memref<400xf32, #tpu.memory_space<vmem>>
    %dma_start3A_36 = tpu.memref_slice %arg3[%mul3A_16] : memref<1600000xf32, #tpu.memory_space<hbm>> -> memref<400xf32, #tpu.memory_space<hbm>>
    tpu.enqueue_dma source(%dma_start3A_36 : memref<400xf32, #tpu.memory_space<hbm>>) target(%dma_start3A_35 : memref<400xf32, #tpu.memory_space<vmem>>) target_semaphore(%arg10 : memref<!tpu.dma_semaphore, #tpu.memory_space<semaphore_mem>>)
    %dma_wait3A = arith.constant 1 : i32
    %dma_wait3A_37 = arith.constant 0 : i32
    %dma_wait3A_38 = arith.constant 0 : i32
    %dma_wait3A_39 = tpu.memref_slice %arg6[%dma_wait3A_37, %dma_wait3A_38] : memref<3x400xi32, #tpu.memory_space<vmem>> -> memref<1x400xi32, #tpu.memory_space<vmem>>
    %dma_wait3A_40 = tpu.memref_squeeze %dma_wait3A_39 : memref<1x400xi32, #tpu.memory_space<vmem>> -> memref<400xi32, #tpu.memory_space<vmem>>
    %dma_wait3A_41 = arith.constant 0 : i32
    %dma_wait3A_42 = tpu.memref_slice %arg2[%dma_wait3A, %dma_wait3A_41] : memref<2x1600000xi32, #tpu.memory_space<hbm>> -> memref<1x400xi32, #tpu.memory_space<hbm>>
    %dma_wait3A_43 = tpu.memref_squeeze %dma_wait3A_42 : memref<1x400xi32, #tpu.memory_space<hbm>> -> memref<400xi32, #tpu.memory_space<hbm>>
    %dma_wait3A_44 = arith.constant 0 : i32
    %dma_wait3A_45 = tpu.memref_slice %arg6[%dma_wait3A_37, %dma_wait3A_44] : memref<3x400xi32, #tpu.memory_space<vmem>> -> memref<1x400xi32, #tpu.memory_space<vmem>>
    %dma_wait3A_46 = tpu.memref_squeeze %dma_wait3A_45 : memref<1x400xi32, #tpu.memory_space<vmem>> -> memref<400xi32, #tpu.memory_space<vmem>>
    %dma_wait3A_47 = arith.constant 0 : i32
    %dma_wait3A_48 = tpu.memref_slice %arg2[%dma_wait3A, %dma_wait3A_47] : memref<2x1600000xi32, #tpu.memory_space<hbm>> -> memref<1x400xi32, #tpu.memory_space<hbm>>
    %dma_wait3A_49 = tpu.memref_squeeze %dma_wait3A_48 : memref<1x400xi32, #tpu.memory_space<hbm>> -> memref<400xi32, #tpu.memory_space<hbm>>
    tpu.wait_dma2 semaphore(%arg10 : memref<!tpu.dma_semaphore, #tpu.memory_space<semaphore_mem>>) src(%dma_wait3A_49 : memref<400xi32, #tpu.memory_space<hbm>>) dst(%dma_wait3A_46 : memref<400xi32, #tpu.memory_space<vmem>>)
    %dma_wait3A_50 = arith.constant 0 : i32
    %dma_wait3A_51 = arith.constant 0 : i32
    %dma_wait3A_52 = tpu.memref_slice %arg7[%dma_wait3A_50, %dma_wait3A_51] : memref<2x400xf32, #tpu.memory_space<vmem>> -> memref<1x400xf32, #tpu.memory_space<vmem>>
    %dma_wait3A_53 = tpu.memref_squeeze %dma_wait3A_52 : memref<1x400xf32, #tpu.memory_space<vmem>> -> memref<400xf32, #tpu.memory_space<vmem>>
    %dma_wait3A_54 = arith.constant 0 : i32
    %dma_wait3A_55 = tpu.memref_slice %arg3[%dma_wait3A_54] : memref<1600000xf32, #tpu.memory_space<hbm>> -> memref<400xf32, #tpu.memory_space<hbm>>
    %dma_wait3A_56 = arith.constant 0 : i32
    %dma_wait3A_57 = tpu.memref_slice %arg7[%dma_wait3A_50, %dma_wait3A_56] : memref<2x400xf32, #tpu.memory_space<vmem>> -> memref<1x400xf32, #tpu.memory_space<vmem>>
    %dma_wait3A_58 = tpu.memref_squeeze %dma_wait3A_57 : memref<1x400xf32, #tpu.memory_space<vmem>> -> memref<400xf32, #tpu.memory_space<vmem>>
    %dma_wait3A_59 = arith.constant 0 : i32
    %dma_wait3A_60 = tpu.memref_slice %arg3[%dma_wait3A_59] : memref<1600000xf32, #tpu.memory_space<hbm>> -> memref<400xf32, #tpu.memory_space<hbm>>
    tpu.wait_dma2 semaphore(%arg10 : memref<!tpu.dma_semaphore, #tpu.memory_space<semaphore_mem>>) src(%dma_wait3A_60 : memref<400xf32, #tpu.memory_space<hbm>>) dst(%dma_wait3A_58 : memref<400xf32, #tpu.memory_space<vmem>>)
    %get3A = arith.constant 0 : i32
    %get3A_61 = arith.index_cast %get3A : i32 to index
    %get3A_62 = arith.constant 0 : index
    %get3A_63 = tpu.vector_load %arg7[%get3A_61, %get3A_62] {strides = array<i32>} : memref<2x400xf32, #tpu.memory_space<vmem>>, vector<16xf32>,
    %add3A_64 = arith.constant 0 : i32
    %add3A_65 = vector.broadcast %add3A_64 : i32 to vector<16xi32>
    %add3A_66 = arith.addi %iota3A, %add3A_65 : vector<16xi32>
    %scatter3A = arith.constant 0 : i32
    %scatter3A_67 = arith.constant 0 : i32
    %scatter3A_68 = arith.constant 0 : i32
    %scatter3A_69 = tpu.memref_slice %arg8[%scatter3A, %scatter3A_67, %scatter3A_68] : memref<2x400x16xf32, #tpu.memory_space<vmem>> -> memref<1x400x16xf32, #tpu.memory_space<vmem>>
    %scatter3A_70 = tpu.memref_squeeze %scatter3A_69 : memref<1x400x16xf32, #tpu.memory_space<vmem>> -> memref<400x16xf32, #tpu.memory_space<vmem>>
    tpu.vector_store_idx %scatter3A_70[%add3A_66, %broadcast_in_dim3A_12], %get3A_63 : memref<400x16xf32, #tpu.memory_space<vmem>>[vector<16xi32>, vector<16xi32>], vector<16xf32>,
    %get3A_71 = arith.constant 0 : i32
    %get3A_72 = arith.index_cast %get3A_71 : i32 to index
    %get3A_73 = arith.constant 16 : index
    %get3A_74 = tpu.vector_load %arg7[%get3A_72, %get3A_73] {strides = array<i32>} : memref<2x400xf32, #tpu.memory_space<vmem>>, vector<16xf32>,
    %add3A_75 = arith.constant 16 : i32
    %add3A_76 = vector.broadcast %add3A_75 : i32 to vector<16xi32>
    %add3A_77 = arith.addi %iota3A, %add3A_76 : vector<16xi32>
    %scatter3A_78 = arith.constant 0 : i32
    %scatter3A_79 = arith.constant 0 : i32
    %scatter3A_80 = arith.constant 0 : i32
    %scatter3A_81 = tpu.memref_slice %arg8[%scatter3A_78, %scatter3A_79, %scatter3A_80] : memref<2x400x16xf32, #tpu.memory_space<vmem>> -> memref<1x400x16xf32, #tpu.memory_space<vmem>>
    %scatter3A_82 = tpu.memref_squeeze %scatter3A_81 : memref<1x400x16xf32, #tpu.memory_space<vmem>> -> memref<400x16xf32, #tpu.memory_space<vmem>>
    tpu.vector_store_idx %scatter3A_82[%add3A_77, %broadcast_in_dim3A_12], %get3A_74 : memref<400x16xf32, #tpu.memory_space<vmem>>[vector<16xi32>, vector<16xi32>], vector<16xf32>,
    %get3A_83 = arith.constant 0 : i32
    %get3A_84 = arith.index_cast %get3A_83 : i32 to index
    %get3A_85 = arith.constant 32 : index
    %get3A_86 = tpu.vector_load %arg7[%get3A_84, %get3A_85] {strides = array<i32>} : memref<2x400xf32, #tpu.memory_space<vmem>>, vector<16xf32>,
    %add3A_87 = arith.constant 32 : i32
    %add3A_88 = vector.broadcast %add3A_87 : i32 to vector<16xi32>
    %add3A_89 = arith.addi %iota3A, %add3A_88 : vector<16xi32>
    %scatter3A_90 = arith.constant 0 : i32
    %scatter3A_91 = arith.constant 0 : i32
    %scatter3A_92 = arith.constant 0 : i32
    %scatter3A_93 = tpu.memref_slice %arg8[%scatter3A_90, %scatter3A_91, %scatter3A_92] : memref<2x400x16xf32, #tpu.memory_space<vmem>> -> memref<1x400x16xf32, #tpu.memory_space<vmem>>
    %scatter3A_94 = tpu.memref_squeeze %scatter3A_93 : memref<1x400x16xf32, #tpu.memory_space<vmem>> -> memref<400x16xf32, #tpu.memory_space<vmem>>
    tpu.vector_store_idx %scatter3A_94[%add3A_89, %broadcast_in_dim3A_12], %get3A_86 : memref<400x16xf32, #tpu.memory_space<vmem>>[vector<16xi32>, vector<16xi32>], vector<16xf32>,
    %get3A_95 = arith.constant 0 : i32
    %get3A_96 = arith.index_cast %get3A_95 : i32 to index
    %get3A_97 = arith.constant 48 : index
    %get3A_98 = tpu.vector_load %arg7[%get3A_96, %get3A_97] {strides = array<i32>} : memref<2x400xf32, #tpu.memory_space<vmem>>, vector<16xf32>,
    %add3A_99 = arith.constant 48 : i32
    %add3A_100 = vector.broadcast %add3A_99 : i32 to vector<16xi32>
    %add3A_101 = arith.addi %iota3A, %add3A_100 : vector<16xi32>
    %scatter3A_102 = arith.constant 0 : i32
    %scatter3A_103 = arith.constant 0 : i32
    %scatter3A_104 = arith.constant 0 : i32
    %scatter3A_105 = tpu.memref_slice %arg8[%scatter3A_102, %scatter3A_103, %scatter3A_104] : memref<2x400x16xf32, #tpu.memory_space<vmem>> -> memref<1x400x16xf32, #tpu.memory_space<vmem>>
    %scatter3A_106 = tpu.memref_squeeze %scatter3A_105 : memref<1x400x16xf32, #tpu.memory_space<vmem>> -> memref<400x16xf32, #tpu.memory_space<vmem>>
    tpu.vector_store_idx %scatter3A_106[%add3A_101, %broadcast_in_dim3A_12], %get3A_98 : memref<400x16xf32, #tpu.memory_space<vmem>>[vector<16xi32>, vector<16xi32>], vector<16xf32>,
    %get3A_107 = arith.constant 0 : i32
    %get3A_108 = arith.index_cast %get3A_107 : i32 to index
    %get3A_109 = arith.constant 64 : index
    %get3A_110 = tpu.vector_load %arg7[%get3A_108, %get3A_109] {strides = array<i32>} : memref<2x400xf32, #tpu.memory_space<vmem>>, vector<16xf32>,
    %add3A_111 = arith.constant 64 : i32
    %add3A_112 = vector.broadcast %add3A_111 : i32 to vector<16xi32>
    %add3A_113 = arith.addi %iota3A, %add3A_112 : vector<16xi32>
    %scatter3A_114 = arith.constant 0 : i32
    %scatter3A_115 = arith.constant 0 : i32
    %scatter3A_116 = arith.constant 0 : i32
    %scatter3A_117 = tpu.memref_slice %arg8[%scatter3A_114, %scatter3A_115, %scatter3A_116] : memref<2x400x16xf32, #tpu.memory_space<vmem>> -> memref<1x400x16xf32, #tpu.memory_space<vmem>>
    %scatter3A_118 = tpu.memref_squeeze %scatter3A_117 : memref<1x400x16xf32, #tpu.memory_space<vmem>> -> memref<400x16xf32, #tpu.memory_space<vmem>>
    tpu.vector_store_idx %scatter3A_118[%add3A_113, %broadcast_in_dim3A_12], %get3A_110 : memref<400x16xf32, #tpu.memory_space<vmem>>[vector<16xi32>, vector<16xi32>], vector<16xf32>,
    %get3A_119 = arith.constant 0 : i32
    %get3A_120 = arith.index_cast %get3A_119 : i32 to index
    %get3A_121 = arith.constant 80 : index
    %get3A_122 = tpu.vector_load %arg7[%get3A_120, %get3A_121] {strides = array<i32>} : memref<2x400xf32, #tpu.memory_space<vmem>>, vector<16xf32>,
    %add3A_123 = arith.constant 80 : i32
    %add3A_124 = vector.broadcast %add3A_123 : i32 to vector<16xi32>
    %add3A_125 = arith.addi %iota3A, %add3A_124 : vector<16xi32>
    %scatter3A_126 = arith.constant 0 : i32
    %scatter3A_127 = arith.constant 0 : i32
    %scatter3A_128 = arith.constant 0 : i32
    %scatter3A_129 = tpu.memref_slice %arg8[%scatter3A_126, %scatter3A_127, %scatter3A_128] : memref<2x400x16xf32, #tpu.memory_space<vmem>> -> memref<1x400x16xf32, #tpu.memory_space<vmem>>
    %scatter3A_130 = tpu.memref_squeeze %scatter3A_129 : memref<1x400x16xf32, #tpu.memory_space<vmem>> -> memref<400x16xf32, #tpu.memory_space<vmem>>
    tpu.vector_store_idx %scatter3A_130[%add3A_125, %broadcast_in_dim3A_12], %get3A_122 : memref<400x16xf32, #tpu.memory_space<vmem>>[vector<16xi32>, vector<16xi32>], vector<16xf32>,
    %get3A_131 = arith.constant 0 : i32
    %get3A_132 = arith.index_cast %get3A_131 : i32 to index
    %get3A_133 = arith.constant 96 : index
    %get3A_134 = tpu.vector_load %arg7[%get3A_132, %get3A_133] {strides = array<i32>} : memref<2x400xf32, #tpu.memory_space<vmem>>, vector<16xf32>,
    %add3A_135 = arith.constant 96 : i32
    %add3A_136 = vector.broadcast %add3A_135 : i32 to vector<16xi32>
    %add3A_137 = arith.addi %iota3A, %add3A_136 : vector<16xi32>
    %scatter3A_138 = arith.constant 0 : i32
    %scatter3A_139 = arith.constant 0 : i32
    %scatter3A_140 = arith.constant 0 : i32
    %scatter3A_141 = tpu.memref_slice %arg8[%scatter3A_138, %scatter3A_139, %scatter3A_140] : memref<2x400x16xf32, #tpu.memory_space<vmem>> -> memref<1x400x16xf32, #tpu.memory_space<vmem>>
    %scatter3A_142 = tpu.memref_squeeze %scatter3A_141 : memref<1x400x16xf32, #tpu.memory_space<vmem>> -> memref<400x16xf32, #tpu.memory_space<vmem>>
    tpu.vector_store_idx %scatter3A_142[%add3A_137, %broadcast_in_dim3A_12], %get3A_134 : memref<400x16xf32, #tpu.memory_space<vmem>>[vector<16xi32>, vector<16xi32>], vector<16xf32>,
    %get3A_143 = arith.constant 0 : i32
    %get3A_144 = arith.index_cast %get3A_143 : i32 to index
    %get3A_145 = arith.constant 112 : index
    %get3A_146 = tpu.vector_load %arg7[%get3A_144, %get3A_145] {strides = array<i32>} : memref<2x400xf32, #tpu.memory_space<vmem>>, vector<16xf32>,
    %add3A_147 = arith.constant 112 : i32
    %add3A_148 = vector.broadcast %add3A_147 : i32 to vector<16xi32>
    %add3A_149 = arith.addi %iota3A, %add3A_148 : vector<16xi32>
    %scatter3A_150 = arith.constant 0 : i32
    %scatter3A_151 = arith.constant 0 : i32
    %scatter3A_152 = arith.constant 0 : i32
    %scatter3A_153 = tpu.memref_slice %arg8[%scatter3A_150, %scatter3A_151, %scatter3A_152] : memref<2x400x16xf32, #tpu.memory_space<vmem>> -> memref<1x400x16xf32, #tpu.memory_space<vmem>>
    %scatter3A_154 = tpu.memref_squeeze %scatter3A_153 : memref<1x400x16xf32, #tpu.memory_space<vmem>> -> memref<400x16xf32, #tpu.memory_space<vmem>>
    tpu.vector_store_idx %scatter3A_154[%add3A_149, %broadcast_in_dim3A_12], %get3A_146 : memref<400x16xf32, #tpu.memory_space<vmem>>[vector<16xi32>, vector<16xi32>], vector<16xf32>,
    %get3A_155 = arith.constant 0 : i32
    %get3A_156 = arith.index_cast %get3A_155 : i32 to index
    %get3A_157 = arith.constant 128 : index
    %get3A_158 = tpu.vector_load %arg7[%get3A_156, %get3A_157] {strides = array<i32>} : memref<2x400xf32, #tpu.memory_space<vmem>>, vector<16xf32>,
    %add3A_159 = arith.constant 128 : i32
    %add3A_160 = vector.broadcast %add3A_159 : i32 to vector<16xi32>
    %add3A_161 = arith.addi %iota3A, %add3A_160 : vector<16xi32>
    %scatter3A_162 = arith.constant 0 : i32
    %scatter3A_163 = arith.constant 0 : i32
    %scatter3A_164 = arith.constant 0 : i32
    %scatter3A_165 = tpu.memref_slice %arg8[%scatter3A_162, %scatter3A_163, %scatter3A_164] : memref<2x400x16xf32, #tpu.memory_space<vmem>> -> memref<1x400x16xf32, #tpu.memory_space<vmem>>
    %scatter3A_166 = tpu.memref_squeeze %scatter3A_165 : memref<1x400x16xf32, #tpu.memory_space<vmem>> -> memref<400x16xf32, #tpu.memory_space<vmem>>
    tpu.vector_store_idx %scatter3A_166[%add3A_161, %broadcast_in_dim3A_12], %get3A_158 : memref<400x16xf32, #tpu.memory_space<vmem>>[vector<16xi32>, vector<16xi32>], vector<16xf32>,
    %get3A_167 = arith.constant 0 : i32
    %get3A_168 = arith.index_cast %get3A_167 : i32 to index
    %get3A_169 = arith.constant 144 : index
    %get3A_170 = tpu.vector_load %arg7[%get3A_168, %get3A_169] {strides = array<i32>} : memref<2x400xf32, #tpu.memory_space<vmem>>, vector<16xf32>,
    %add3A_171 = arith.constant 144 : i32
    %add3A_172 = vector.broadcast %add3A_171 : i32 to vector<16xi32>
    %add3A_173 = arith.addi %iota3A, %add3A_172 : vector<16xi32>
    %scatter3A_174 = arith.constant 0 : i32
    %scatter3A_175 = arith.constant 0 : i32
    %scatter3A_176 = arith.constant 0 : i32
    %scatter3A_177 = tpu.memref_slice %arg8[%scatter3A_174, %scatter3A_175, %scatter3A_176] : memref<2x400x16xf32, #tpu.memory_space<vmem>> -> memref<1x400x16xf32, #tpu.memory_space<vmem>>
    %scatter3A_178 = tpu.memref_squeeze %scatter3A_177 : memref<1x400x16xf32, #tpu.memory_space<vmem>> -> memref<400x16xf32, #tpu.memory_space<vmem>>
    tpu.vector_store_idx %scatter3A_178[%add3A_173, %broadcast_in_dim3A_12], %get3A_170 : memref<400x16xf32, #tpu.memory_space<vmem>>[vector<16xi32>, vector<16xi32>], vector<16xf32>,
    %get3A_179 = arith.constant 0 : i32
    %get3A_180 = arith.index_cast %get3A_179 : i32 to index
    %get3A_181 = arith.constant 160 : index
    %get3A_182 = tpu.vector_load %arg7[%get3A_180, %get3A_181] {strides = array<i32>} : memref<2x400xf32, #tpu.memory_space<vmem>>, vector<16xf32>,
    %add3A_183 = arith.constant 160 : i32
    %add3A_184 = vector.broadcast %add3A_183 : i32 to vector<16xi32>
    %add3A_185 = arith.addi %iota3A, %add3A_184 : vector<16xi32>
    %scatter3A_186 = arith.constant 0 : i32
    %scatter3A_187 = arith.constant 0 : i32
    %scatter3A_188 = arith.constant 0 : i32
    %scatter3A_189 = tpu.memref_slice %arg8[%scatter3A_186, %scatter3A_187, %scatter3A_188] : memref<2x400x16xf32, #tpu.memory_space<vmem>> -> memref<1x400x16xf32, #tpu.memory_space<vmem>>
    %scatter3A_190 = tpu.memref_squeeze %scatter3A_189 : memref<1x400x16xf32, #tpu.memory_space<vmem>> -> memref<400x16xf32, #tpu.memory_space<vmem>>
    tpu.vector_store_idx %scatter3A_190[%add3A_185, %broadcast_in_dim3A_12], %get3A_182 : memref<400x16xf32, #tpu.memory_space<vmem>>[vector<16xi32>, vector<16xi32>], vector<16xf32>,
    %get3A_191 = arith.constant 0 : i32
    %get3A_192 = arith.index_cast %get3A_191 : i32 to index
    %get3A_193 = arith.constant 176 : index
    %get3A_194 = tpu.vector_load %arg7[%get3A_192, %get3A_193] {strides = array<i32>} : memref<2x400xf32, #tpu.memory_space<vmem>>, vector<16xf32>,
    %add3A_195 = arith.constant 176 : i32
    %add3A_196 = vector.broadcast %add3A_195 : i32 to vector<16xi32>
    %add3A_197 = arith.addi %iota3A, %add3A_196 : vector<16xi32>
    %scatter3A_198 = arith.constant 0 : i32
    %scatter3A_199 = arith.constant 0 : i32
    %scatter3A_200 = arith.constant 0 : i32
    %scatter3A_201 = tpu.memref_slice %arg8[%scatter3A_198, %scatter3A_199, %scatter3A_200] : memref<2x400x16xf32, #tpu.memory_space<vmem>> -> memref<1x400x16xf32, #tpu.memory_space<vmem>>
    %scatter3A_202 = tpu.memref_squeeze %scatter3A_201 : memref<1x400x16xf32, #tpu.memory_space<vmem>> -> memref<400x16xf32, #tpu.memory_space<vmem>>
    tpu.vector_store_idx %scatter3A_202[%add3A_197, %broadcast_in_dim3A_12], %get3A_194 : memref<400x16xf32, #tpu.memory_space<vmem>>[vector<16xi32>, vector<16xi32>], vector<16xf32>,
    %get3A_203 = arith.constant 0 : i32
    %get3A_204 = arith.index_cast %get3A_203 : i32 to index
    %get3A_205 = arith.constant 192 : index
    %get3A_206 = tpu.vector_load %arg7[%get3A_204, %get3A_205] {strides = array<i32>} : memref<2x400xf32, #tpu.memory_space<vmem>>, vector<16xf32>,
    %add3A_207 = arith.constant 192 : i32
    %add3A_208 = vector.broadcast %add3A_207 : i32 to vector<16xi32>
    %add3A_209 = arith.addi %iota3A, %add3A_208 : vector<16xi32>
    %scatter3A_210 = arith.constant 0 : i32
    %scatter3A_211 = arith.constant 0 : i32
    %scatter3A_212 = arith.constant 0 : i32
    %scatter3A_213 = tpu.memref_slice %arg8[%scatter3A_210, %scatter3A_211, %scatter3A_212] : memref<2x400x16xf32, #tpu.memory_space<vmem>> -> memref<1x400x16xf32, #tpu.memory_space<vmem>>
    %scatter3A_214 = tpu.memref_squeeze %scatter3A_213 : memref<1x400x16xf32, #tpu.memory_space<vmem>> -> memref<400x16xf32, #tpu.memory_space<vmem>>
    tpu.vector_store_idx %scatter3A_214[%add3A_209, %broadcast_in_dim3A_12], %get3A_206 : memref<400x16xf32, #tpu.memory_space<vmem>>[vector<16xi32>, vector<16xi32>], vector<16xf32>,
    %get3A_215 = arith.constant 0 : i32
    %get3A_216 = arith.index_cast %get3A_215 : i32 to index
    %get3A_217 = arith.constant 208 : index
    %get3A_218 = tpu.vector_load %arg7[%get3A_216, %get3A_217] {strides = array<i32>} : memref<2x400xf32, #tpu.memory_space<vmem>>, vector<16xf32>,
    %add3A_219 = arith.constant 208 : i32
    %add3A_220 = vector.broadcast %add3A_219 : i32 to vector<16xi32>
    %add3A_221 = arith.addi %iota3A, %add3A_220 : vector<16xi32>
    %scatter3A_222 = arith.constant 0 : i32
    %scatter3A_223 = arith.constant 0 : i32
    %scatter3A_224 = arith.constant 0 : i32
    %scatter3A_225 = tpu.memref_slice %arg8[%scatter3A_222, %scatter3A_223, %scatter3A_224] : memref<2x400x16xf32, #tpu.memory_space<vmem>> -> memref<1x400x16xf32, #tpu.memory_space<vmem>>
    %scatter3A_226 = tpu.memref_squeeze %scatter3A_225 : memref<1x400x16xf32, #tpu.memory_space<vmem>> -> memref<400x16xf32, #tpu.memory_space<vmem>>
    tpu.vector_store_idx %scatter3A_226[%add3A_221, %broadcast_in_dim3A_12], %get3A_218 : memref<400x16xf32, #tpu.memory_space<vmem>>[vector<16xi32>, vector<16xi32>], vector<16xf32>,
    %get3A_227 = arith.constant 0 : i32
    %get3A_228 = arith.index_cast %get3A_227 : i32 to index
    %get3A_229 = arith.constant 224 : index
    %get3A_230 = tpu.vector_load %arg7[%get3A_228, %get3A_229] {strides = array<i32>} : memref<2x400xf32, #tpu.memory_space<vmem>>, vector<16xf32>,
    %add3A_231 = arith.constant 224 : i32
    %add3A_232 = vector.broadcast %add3A_231 : i32 to vector<16xi32>
    %add3A_233 = arith.addi %iota3A, %add3A_232 : vector<16xi32>
    %scatter3A_234 = arith.constant 0 : i32
    %scatter3A_235 = arith.constant 0 : i32
    %scatter3A_236 = arith.constant 0 : i32
    %scatter3A_237 = tpu.memref_slice %arg8[%scatter3A_234, %scatter3A_235, %scatter3A_236] : memref<2x400x16xf32, #tpu.memory_space<vmem>> -> memref<1x400x16xf32, #tpu.memory_space<vmem>>
    %scatter3A_238 = tpu.memref_squeeze %scatter3A_237 : memref<1x400x16xf32, #tpu.memory_space<vmem>> -> memref<400x16xf32, #tpu.memory_space<vmem>>
    tpu.vector_store_idx %scatter3A_238[%add3A_233, %broadcast_in_dim3A_12], %get3A_230 : memref<400x16xf32, #tpu.memory_space<vmem>>[vector<16xi32>, vector<16xi32>], vector<16xf32>,
    %get3A_239 = arith.constant 0 : i32
    %get3A_240 = arith.index_cast %get3A_239 : i32 to index
    %get3A_241 = arith.constant 240 : index
    %get3A_242 = tpu.vector_load %arg7[%get3A_240, %get3A_241] {strides = array<i32>} : memref<2x400xf32, #tpu.memory_space<vmem>>, vector<16xf32>,
    %add3A_243 = arith.constant 240 : i32
    %add3A_244 = vector.broadcast %add3A_243 : i32 to vector<16xi32>
    %add3A_245 = arith.addi %iota3A, %add3A_244 : vector<16xi32>
    %scatter3A_246 = arith.constant 0 : i32
    %scatter3A_247 = arith.constant 0 : i32
    %scatter3A_248 = arith.constant 0 : i32
    %scatter3A_249 = tpu.memref_slice %arg8[%scatter3A_246, %scatter3A_247, %scatter3A_248] : memref<2x400x16xf32, #tpu.memory_space<vmem>> -> memref<1x400x16xf32, #tpu.memory_space<vmem>>
    %scatter3A_250 = tpu.memref_squeeze %scatter3A_249 : memref<1x400x16xf32, #tpu.memory_space<vmem>> -> memref<400x16xf32, #tpu.memory_space<vmem>>
    tpu.vector_store_idx %scatter3A_250[%add3A_245, %broadcast_in_dim3A_12], %get3A_242 : memref<400x16xf32, #tpu.memory_space<vmem>>[vector<16xi32>, vector<16xi32>], vector<16xf32>,
    %get3A_251 = arith.constant 0 : i32
    %get3A_252 = arith.index_cast %get3A_251 : i32 to index
    %get3A_253 = arith.constant 256 : index
    %get3A_254 = tpu.vector_load %arg7[%get3A_252, %get3A_253] {strides = array<i32>} : memref<2x400xf32, #tpu.memory_space<vmem>>, vector<16xf32>,
    %add3A_255 = arith.constant 256 : i32
    %add3A_256 = vector.broadcast %add3A_255 : i32 to vector<16xi32>
    %add3A_257 = arith.addi %iota3A, %add3A_256 : vector<16xi32>
    %scatter3A_258 = arith.constant 0 : i32
    %scatter3A_259 = arith.constant 0 : i32
    %scatter3A_260 = arith.constant 0 : i32
    %scatter3A_261 = tpu.memref_slice %arg8[%scatter3A_258, %scatter3A_259, %scatter3A_260] : memref<2x400x16xf32, #tpu.memory_space<vmem>> -> memref<1x400x16xf32, #tpu.memory_space<vmem>>
    %scatter3A_262 = tpu.memref_squeeze %scatter3A_261 : memref<1x400x16xf32, #tpu.memory_space<vmem>> -> memref<400x16xf32, #tpu.memory_space<vmem>>
    tpu.vector_store_idx %scatter3A_262[%add3A_257, %broadcast_in_dim3A_12], %get3A_254 : memref<400x16xf32, #tpu.memory_space<vmem>>[vector<16xi32>, vector<16xi32>], vector<16xf32>,
    %get3A_263 = arith.constant 0 : i32
    %get3A_264 = arith.index_cast %get3A_263 : i32 to index
    %get3A_265 = arith.constant 272 : index
    %get3A_266 = tpu.vector_load %arg7[%get3A_264, %get3A_265] {strides = array<i32>} : memref<2x400xf32, #tpu.memory_space<vmem>>, vector<16xf32>,
    %add3A_267 = arith.constant 272 : i32
    %add3A_268 = vector.broadcast %add3A_267 : i32 to vector<16xi32>
    %add3A_269 = arith.addi %iota3A, %add3A_268 : vector<16xi32>
    %scatter3A_270 = arith.constant 0 : i32
    %scatter3A_271 = arith.constant 0 : i32
    %scatter3A_272 = arith.constant 0 : i32
    %scatter3A_273 = tpu.memref_slice %arg8[%scatter3A_270, %scatter3A_271, %scatter3A_272] : memref<2x400x16xf32, #tpu.memory_space<vmem>> -> memref<1x400x16xf32, #tpu.memory_space<vmem>>
    %scatter3A_274 = tpu.memref_squeeze %scatter3A_273 : memref<1x400x16xf32, #tpu.memory_space<vmem>> -> memref<400x16xf32, #tpu.memory_space<vmem>>
    tpu.vector_store_idx %scatter3A_274[%add3A_269, %broadcast_in_dim3A_12], %get3A_266 : memref<400x16xf32, #tpu.memory_space<vmem>>[vector<16xi32>, vector<16xi32>], vector<16xf32>,
    %get3A_275 = arith.constant 0 : i32
    %get3A_276 = arith.index_cast %get3A_275 : i32 to index
    %get3A_277 = arith.constant 288 : index
    %get3A_278 = tpu.vector_load %arg7[%get3A_276, %get3A_277] {strides = array<i32>} : memref<2x400xf32, #tpu.memory_space<vmem>>, vector<16xf32>,
    %add3A_279 = arith.constant 288 : i32
    %add3A_280 = vector.broadcast %add3A_279 : i32 to vector<16xi32>
    %add3A_281 = arith.addi %iota3A, %add3A_280 : vector<16xi32>
    %scatter3A_282 = arith.constant 0 : i32
    %scatter3A_283 = arith.constant 0 : i32
    %scatter3A_284 = arith.constant 0 : i32
    %scatter3A_285 = tpu.memref_slice %arg8[%scatter3A_282, %scatter3A_283, %scatter3A_284] : memref<2x400x16xf32, #tpu.memory_space<vmem>> -> memref<1x400x16xf32, #tpu.memory_space<vmem>>
    %scatter3A_286 = tpu.memref_squeeze %scatter3A_285 : memref<1x400x16xf32, #tpu.memory_space<vmem>> -> memref<400x16xf32, #tpu.memory_space<vmem>>
    tpu.vector_store_idx %scatter3A_286[%add3A_281, %broadcast_in_dim3A_12], %get3A_278 : memref<400x16xf32, #tpu.memory_space<vmem>>[vector<16xi32>, vector<16xi32>], vector<16xf32>,
    %get3A_287 = arith.constant 0 : i32
    %get3A_288 = arith.index_cast %get3A_287 : i32 to index
    %get3A_289 = arith.constant 304 : index
    %get3A_290 = tpu.vector_load %arg7[%get3A_288, %get3A_289] {strides = array<i32>} : memref<2x400xf32, #tpu.memory_space<vmem>>, vector<16xf32>,
    %add3A_291 = arith.constant 304 : i32
    %add3A_292 = vector.broadcast %add3A_291 : i32 to vector<16xi32>
    %add3A_293 = arith.addi %iota3A, %add3A_292 : vector<16xi32>
    %scatter3A_294 = arith.constant 0 : i32
    %scatter3A_295 = arith.constant 0 : i32
    %scatter3A_296 = arith.constant 0 : i32
    %scatter3A_297 = tpu.memref_slice %arg8[%scatter3A_294, %scatter3A_295, %scatter3A_296] : memref<2x400x16xf32, #tpu.memory_space<vmem>> -> memref<1x400x16xf32, #tpu.memory_space<vmem>>
    %scatter3A_298 = tpu.memref_squeeze %scatter3A_297 : memref<1x400x16xf32, #tpu.memory_space<vmem>> -> memref<400x16xf32, #tpu.memory_space<vmem>>
    tpu.vector_store_idx %scatter3A_298[%add3A_293, %broadcast_in_dim3A_12], %get3A_290 : memref<400x16xf32, #tpu.memory_space<vmem>>[vector<16xi32>, vector<16xi32>], vector<16xf32>,
    %get3A_299 = arith.constant 0 : i32
    %get3A_300 = arith.index_cast %get3A_299 : i32 to index
    %get3A_301 = arith.constant 320 : index
    %get3A_302 = tpu.vector_load %arg7[%get3A_300, %get3A_301] {strides = array<i32>} : memref<2x400xf32, #tpu.memory_space<vmem>>, vector<16xf32>,
    %add3A_303 = arith.constant 320 : i32
    %add3A_304 = vector.broadcast %add3A_303 : i32 to vector<16xi32>
    %add3A_305 = arith.addi %iota3A, %add3A_304 : vector<16xi32>
    %scatter3A_306 = arith.constant 0 : i32
    %scatter3A_307 = arith.constant 0 : i32
    %scatter3A_308 = arith.constant 0 : i32
    %scatter3A_309 = tpu.memref_slice %arg8[%scatter3A_306, %scatter3A_307, %scatter3A_308] : memref<2x400x16xf32, #tpu.memory_space<vmem>> -> memref<1x400x16xf32, #tpu.memory_space<vmem>>
    %scatter3A_310 = tpu.memref_squeeze %scatter3A_309 : memref<1x400x16xf32, #tpu.memory_space<vmem>> -> memref<400x16xf32, #tpu.memory_space<vmem>>
    tpu.vector_store_idx %scatter3A_310[%add3A_305, %broadcast_in_dim3A_12], %get3A_302 : memref<400x16xf32, #tpu.memory_space<vmem>>[vector<16xi32>, vector<16xi32>], vector<16xf32>,
    %get3A_311 = arith.constant 0 : i32
    %get3A_312 = arith.index_cast %get3A_311 : i32 to index
    %get3A_313 = arith.constant 336 : index
    %get3A_314 = tpu.vector_load %arg7[%get3A_312, %get3A_313] {strides = array<i32>} : memref<2x400xf32, #tpu.memory_space<vmem>>, vector<16xf32>,
    %add3A_315 = arith.constant 336 : i32
    %add3A_316 = vector.broadcast %add3A_315 : i32 to vector<16xi32>
    %add3A_317 = arith.addi %iota3A, %add3A_316 : vector<16xi32>
    %scatter3A_318 = arith.constant 0 : i32
    %scatter3A_319 = arith.constant 0 : i32
    %scatter3A_320 = arith.constant 0 : i32
    %scatter3A_321 = tpu.memref_slice %arg8[%scatter3A_318, %scatter3A_319, %scatter3A_320] : memref<2x400x16xf32, #tpu.memory_space<vmem>> -> memref<1x400x16xf32, #tpu.memory_space<vmem>>
    %scatter3A_322 = tpu.memref_squeeze %scatter3A_321 : memref<1x400x16xf32, #tpu.memory_space<vmem>> -> memref<400x16xf32, #tpu.memory_space<vmem>>
    tpu.vector_store_idx %scatter3A_322[%add3A_317, %broadcast_in_dim3A_12], %get3A_314 : memref<400x16xf32, #tpu.memory_space<vmem>>[vector<16xi32>, vector<16xi32>], vector<16xf32>,
    %get3A_323 = arith.constant 0 : i32
    %get3A_324 = arith.index_cast %get3A_323 : i32 to index
    %get3A_325 = arith.constant 352 : index
    %get3A_326 = tpu.vector_load %arg7[%get3A_324, %get3A_325] {strides = array<i32>} : memref<2x400xf32, #tpu.memory_space<vmem>>, vector<16xf32>,
    %add3A_327 = arith.constant 352 : i32
    %add3A_328 = vector.broadcast %add3A_327 : i32 to vector<16xi32>
    %add3A_329 = arith.addi %iota3A, %add3A_328 : vector<16xi32>
    %scatter3A_330 = arith.constant 0 : i32
    %scatter3A_331 = arith.constant 0 : i32
    %scatter3A_332 = arith.constant 0 : i32
    %scatter3A_333 = tpu.memref_slice %arg8[%scatter3A_330, %scatter3A_331, %scatter3A_332] : memref<2x400x16xf32, #tpu.memory_space<vmem>> -> memref<1x400x16xf32, #tpu.memory_space<vmem>>
    %scatter3A_334 = tpu.memref_squeeze %scatter3A_333 : memref<1x400x16xf32, #tpu.memory_space<vmem>> -> memref<400x16xf32, #tpu.memory_space<vmem>>
    tpu.vector_store_idx %scatter3A_334[%add3A_329, %broadcast_in_dim3A_12], %get3A_326 : memref<400x16xf32, #tpu.memory_space<vmem>>[vector<16xi32>, vector<16xi32>], vector<16xf32>,
    %get3A_335 = arith.constant 0 : i32
    %get3A_336 = arith.index_cast %get3A_335 : i32 to index
    %get3A_337 = arith.constant 368 : index
    %get3A_338 = tpu.vector_load %arg7[%get3A_336, %get3A_337] {strides = array<i32>} : memref<2x400xf32, #tpu.memory_space<vmem>>, vector<16xf32>,
    %add3A_339 = arith.constant 368 : i32
    %add3A_340 = vector.broadcast %add3A_339 : i32 to vector<16xi32>
    %add3A_341 = arith.addi %iota3A, %add3A_340 : vector<16xi32>
    %scatter3A_342 = arith.constant 0 : i32
    %scatter3A_343 = arith.constant 0 : i32
    %scatter3A_344 = arith.constant 0 : i32
    %scatter3A_345 = tpu.memref_slice %arg8[%scatter3A_342, %scatter3A_343, %scatter3A_344] : memref<2x400x16xf32, #tpu.memory_space<vmem>> -> memref<1x400x16xf32, #tpu.memory_space<vmem>>
    %scatter3A_346 = tpu.memref_squeeze %scatter3A_345 : memref<1x400x16xf32, #tpu.memory_space<vmem>> -> memref<400x16xf32, #tpu.memory_space<vmem>>
    tpu.vector_store_idx %scatter3A_346[%add3A_341, %broadcast_in_dim3A_12], %get3A_338 : memref<400x16xf32, #tpu.memory_space<vmem>>[vector<16xi32>, vector<16xi32>], vector<16xf32>,
    %get3A_347 = arith.constant 0 : i32
    %get3A_348 = arith.index_cast %get3A_347 : i32 to index
    %get3A_349 = arith.constant 384 : index
    %get3A_350 = tpu.vector_load %arg7[%get3A_348, %get3A_349] {strides = array<i32>} : memref<2x400xf32, #tpu.memory_space<vmem>>, vector<16xf32>,
    %add3A_351 = arith.constant 384 : i32
    %add3A_352 = vector.broadcast %add3A_351 : i32 to vector<16xi32>
    %add3A_353 = arith.addi %iota3A, %add3A_352 : vector<16xi32>
    %scatter3A_354 = arith.constant 0 : i32
    %scatter3A_355 = arith.constant 0 : i32
    %scatter3A_356 = arith.constant 0 : i32
    %scatter3A_357 = tpu.memref_slice %arg8[%scatter3A_354, %scatter3A_355, %scatter3A_356] : memref<2x400x16xf32, #tpu.memory_space<vmem>> -> memref<1x400x16xf32, #tpu.memory_space<vmem>>
    %scatter3A_358 = tpu.memref_squeeze %scatter3A_357 : memref<1x400x16xf32, #tpu.memory_space<vmem>> -> memref<400x16xf32, #tpu.memory_space<vmem>>
    tpu.vector_store_idx %scatter3A_358[%add3A_353, %broadcast_in_dim3A_12], %get3A_350 : memref<400x16xf32, #tpu.memory_space<vmem>>[vector<16xi32>, vector<16xi32>], vector<16xf32>,
    %add3A_359 = arith.constant 32 : i32
    %add3A_360 = arith.addi %add3A_359, %add3A : i32
    %mul3A_361 = arith.constant 400 : i32
    %mul3A_362 = arith.muli %add3A_360, %mul3A_361 : i32
    %dma_start3A_363 = arith.constant 1 : i32
    %dma_start3A_364 = arith.constant 1 : i32
    %dma_start3A_365 = arith.constant 0 : i32
    %dma_start3A_366 = tpu.memref_slice %arg6[%dma_start3A_364, %dma_start3A_365] : memref<3x400xi32, #tpu.memory_space<vmem>> -> memref<1x400xi32, #tpu.memory_space<vmem>>
    %dma_start3A_367 = tpu.memref_squeeze %dma_start3A_366 : memref<1x400xi32, #tpu.memory_space<vmem>> -> memref<400xi32, #tpu.memory_space<vmem>>
    %dma_start3A_368 = tpu.memref_slice %arg2[%dma_start3A_363, %mul3A_362] : memref<2x1600000xi32, #tpu.memory_space<hbm>> -> memref<1x400xi32, #tpu.memory_space<hbm>>
    %dma_start3A_369 = tpu.memref_squeeze %dma_start3A_368 : memref<1x400xi32, #tpu.memory_space<hbm>> -> memref<400xi32, #tpu.memory_space<hbm>>
    %dma_start3A_370 = arith.constant 0 : i32
    %dma_start3A_371 = tpu.memref_slice %arg6[%dma_start3A_364, %dma_start3A_370] : memref<3x400xi32, #tpu.memory_space<vmem>> -> memref<1x400xi32, #tpu.memory_space<vmem>>
    %dma_start3A_372 = tpu.memref_squeeze %dma_start3A_371 : memref<1x400xi32, #tpu.memory_space<vmem>> -> memref<400xi32, #tpu.memory_space<vmem>>
    %dma_start3A_373 = tpu.memref_slice %arg2[%dma_start3A_363, %mul3A_362] : memref<2x1600000xi32, #tpu.memory_space<hbm>> -> memref<1x400xi32, #tpu.memory_space<hbm>>
    %dma_start3A_374 = tpu.memref_squeeze %dma_start3A_373 : memref<1x400xi32, #tpu.memory_space<hbm>> -> memref<400xi32, #tpu.memory_space<hbm>>
    tpu.enqueue_dma source(%dma_start3A_374 : memref<400xi32, #tpu.memory_space<hbm>>) target(%dma_start3A_372 : memref<400xi32, #tpu.memory_space<vmem>>) target_semaphore(%arg10 : memref<!tpu.dma_semaphore, #tpu.memory_space<semaphore_mem>>)
    %dma_start3A_375 = arith.constant 1 : i32
    %dma_start3A_376 = arith.constant 0 : i32
    %dma_start3A_377 = tpu.memref_slice %arg7[%dma_start3A_375, %dma_start3A_376] : memref<2x400xf32, #tpu.memory_space<vmem>> -> memref<1x400xf32, #tpu.memory_space<vmem>>
    %dma_start3A_378 = tpu.memref_squeeze %dma_start3A_377 : memref<1x400xf32, #tpu.memory_space<vmem>> -> memref<400xf32, #tpu.memory_space<vmem>>
    %dma_start3A_379 = tpu.memref_slice %arg3[%mul3A_362] : memref<1600000xf32, #tpu.memory_space<hbm>> -> memref<400xf32, #tpu.memory_space<hbm>>
    %dma_start3A_380 = arith.constant 0 : i32
    %dma_start3A_381 = tpu.memref_slice %arg7[%dma_start3A_375, %dma_start3A_380] : memref<2x400xf32, #tpu.memory_space<vmem>> -> memref<1x400xf32, #tpu.memory_space<vmem>>
    %dma_start3A_382 = tpu.memref_squeeze %dma_start3A_381 : memref<1x400xf32, #tpu.memory_space<vmem>> -> memref<400xf32, #tpu.memory_space<vmem>>
    %dma_start3A_383 = tpu.memref_slice %arg3[%mul3A_362] : memref<1600000xf32, #tpu.memory_space<hbm>> -> memref<400xf32, #tpu.memory_space<hbm>>
    tpu.enqueue_dma source(%dma_start3A_383 : memref<400xf32, #tpu.memory_space<hbm>>) target(%dma_start3A_382 : memref<400xf32, #tpu.memory_space<vmem>>) target_semaphore(%arg10 : memref<!tpu.dma_semaphore, #tpu.memory_space<semaphore_mem>>)
    %scan3A_384 = arith.constant 0 : i32
    %scan3A_385 = arith.constant 0 : i32
    %scan3A_386 = arith.constant 124 : i32
    %scan3A_387 = arith.addi %scan3A_385, %scan3A_386 : i32
    %scan3A_388 = arith.constant 1 : i32
    scf.for %scan3A_431 = %scan3A_385 to %scan3A_387 step %scan3A_388  : i32 {
      %rem3A = arith.constant 2 : i32
      %rem3A_432 = arith.remsi %scan3A_431, %rem3A : i32
      %add3A_433 = arith.constant 1 : i32
      %add3A_434 = arith.addi %scan3A_431, %add3A_433 : i32
      %rem3A_435 = arith.constant 2 : i32
      %rem3A_436 = arith.remsi %add3A_434, %rem3A_435 : i32
      %rem3A_437 = arith.constant 3 : i32
      %rem3A_438 = arith.remsi %scan3A_431, %rem3A_437 : i32
      %add3A_439 = arith.constant 1 : i32
      %add3A_440 = arith.addi %scan3A_431, %add3A_439 : i32
      %rem3A_441 = arith.constant 3 : i32
      %rem3A_442 = arith.remsi %add3A_440, %rem3A_441 : i32
      %add3A_443 = arith.constant 2 : i32
      %add3A_444 = arith.addi %scan3A_431, %add3A_443 : i32
      %rem3A_445 = arith.constant 3 : i32
      %rem3A_446 = arith.remsi %add3A_444, %rem3A_445 : i32
      %ge3A = arith.constant 1 : i32
      %ge3A_447 = arith.cmpi sge, %scan3A_431, %ge3A : i32
      %convert_element_type3A = arith.extui %ge3A_447 : i1 to i32
      %cond3A = arith.constant 0 : i32
      %cond3A_448 = arith.cmpi ne, %convert_element_type3A, %cond3A : i32
      scf.if %cond3A_448 {
        %dma_wait3A_738 = arith.constant 0 : i32
        %dma_wait3A_739 = arith.constant 0 : i32
        %dma_wait3A_740 = tpu.memref_slice %arg8[%rem3A_436, %dma_wait3A_738, %dma_wait3A_739] : memref<2x400x16xf32, #tpu.memory_space<vmem>> -> memref<1x400x16xf32, #tpu.memory_space<vmem>>
        %dma_wait3A_741 = tpu.memref_squeeze %dma_wait3A_740 : memref<1x400x16xf32, #tpu.memory_space<vmem>> -> memref<400x16xf32, #tpu.memory_space<vmem>>
        %dma_wait3A_742 = arith.constant 0 : i32
        %dma_wait3A_743 = tpu.memref_slice %arg6[%rem3A_446, %dma_wait3A_742] : memref<3x400xi32, #tpu.memory_space<vmem>> -> memref<1x400xi32, #tpu.memory_space<vmem>>
        %dma_wait3A_744 = tpu.memref_squeeze %dma_wait3A_743 : memref<1x400xi32, #tpu.memory_space<vmem>> -> memref<400xi32, #tpu.memory_space<vmem>>
        %dma_wait3A_745 = arith.constant 0 : i32
        %dma_wait3A_746 = arith.constant 0 : i32
        %dma_wait3A_747 = tpu.memref_slice %arg9[%dma_wait3A_745, %dma_wait3A_746] : memref<50048x16xf32, #tpu.memory_space<vmem_shared>> -> memref<50048x16xf32, #tpu.memory_space<vmem_shared>>
        tpu.wait_indirect_dma semaphore(%arg11 : memref<!tpu.dma_semaphore, #tpu.memory_space<semaphore_mem>>) src(%dma_wait3A_741 : memref<400x16xf32, #tpu.memory_space<vmem>>) dst(%dma_wait3A_747 : memref<50048x16xf32, #tpu.memory_space<vmem_shared>>)
      } else {
      }
      %dma_start3A_449 = arith.constant 0 : i32
      %dma_start3A_450 = arith.constant 0 : i32
      %dma_start3A_451 = tpu.memref_slice %arg8[%rem3A_432, %dma_start3A_449, %dma_start3A_450] : memref<2x400x16xf32, #tpu.memory_space<vmem>> -> memref<1x400x16xf32, #tpu.memory_space<vmem>>
      %dma_start3A_452 = tpu.memref_squeeze %dma_start3A_451 : memref<1x400x16xf32, #tpu.memory_space<vmem>> -> memref<400x16xf32, #tpu.memory_space<vmem>>
      %dma_start3A_453 = arith.constant 0 : i32
      %dma_start3A_454 = tpu.memref_slice %arg6[%rem3A_438, %dma_start3A_453] : memref<3x400xi32, #tpu.memory_space<vmem>> -> memref<1x400xi32, #tpu.memory_space<vmem>>
      %dma_start3A_455 = tpu.memref_squeeze %dma_start3A_454 : memref<1x400xi32, #tpu.memory_space<vmem>> -> memref<400xi32, #tpu.memory_space<vmem>>
      %dma_start3A_456 = arith.constant 0 : i32
      %dma_start3A_457 = arith.constant 0 : i32
      %dma_start3A_458 = tpu.memref_slice %arg9[%dma_start3A_456, %dma_start3A_457] : memref<50048x16xf32, #tpu.memory_space<vmem_shared>> -> memref<50048x16xf32, #tpu.memory_space<vmem_shared>>
      tpu.enqueue_indirect_dma source(%dma_start3A_452 : memref<400x16xf32, #tpu.memory_space<vmem>>) target(%dma_start3A_458 : memref<50048x16xf32, #tpu.memory_space<vmem_shared>>) offsets(%dma_start3A_455 : memref<400xi32, #tpu.memory_space<vmem>>) semaphore(%arg11 : memref<!tpu.dma_semaphore, #tpu.memory_space<semaphore_mem>>) {add = true}
      %dma_wait3A_459 = arith.constant 1 : i32
      %dma_wait3A_460 = arith.constant 0 : i32
      %dma_wait3A_461 = tpu.memref_slice %arg6[%rem3A_442, %dma_wait3A_460] : memref<3x400xi32, #tpu.memory_space<vmem>> -> memref<1x400xi32, #tpu.memory_space<vmem>>
      %dma_wait3A_462 = tpu.memref_squeeze %dma_wait3A_461 : memref<1x400xi32, #tpu.memory_space<vmem>> -> memref<400xi32, #tpu.memory_space<vmem>>
      %dma_wait3A_463 = arith.constant 0 : i32
      %dma_wait3A_464 = tpu.memref_slice %arg2[%dma_wait3A_459, %dma_wait3A_463] : memref<2x1600000xi32, #tpu.memory_space<hbm>> -> memref<1x400xi32, #tpu.memory_space<hbm>>
      %dma_wait3A_465 = tpu.memref_squeeze %dma_wait3A_464 : memref<1x400xi32, #tpu.memory_space<hbm>> -> memref<400xi32, #tpu.memory_space<hbm>>
      %dma_wait3A_466 = arith.constant 0 : i32
      %dma_wait3A_467 = tpu.memref_slice %arg6[%rem3A_442, %dma_wait3A_466] : memref<3x400xi32, #tpu.memory_space<vmem>> -> memref<1x400xi32, #tpu.memory_space<vmem>>
      %dma_wait3A_468 = tpu.memref_squeeze %dma_wait3A_467 : memref<1x400xi32, #tpu.memory_space<vmem>> -> memref<400xi32, #tpu.memory_space<vmem>>
      %dma_wait3A_469 = arith.constant 0 : i32
      %dma_wait3A_470 = tpu.memref_slice %arg2[%dma_wait3A_459, %dma_wait3A_469] : memref<2x1600000xi32, #tpu.memory_space<hbm>> -> memref<1x400xi32, #tpu.memory_space<hbm>>
      %dma_wait3A_471 = tpu.memref_squeeze %dma_wait3A_470 : memref<1x400xi32, #tpu.memory_space<hbm>> -> memref<400xi32, #tpu.memory_space<hbm>>
      tpu.wait_dma2 semaphore(%arg10 : memref<!tpu.dma_semaphore, #tpu.memory_space<semaphore_mem>>) src(%dma_wait3A_471 : memref<400xi32, #tpu.memory_space<hbm>>) dst(%dma_wait3A_468 : memref<400xi32, #tpu.memory_space<vmem>>)
      %dma_wait3A_472 = arith.constant 0 : i32
      %dma_wait3A_473 = tpu.memref_slice %arg7[%rem3A_436, %dma_wait3A_472] : memref<2x400xf32, #tpu.memory_space<vmem>> -> memref<1x400xf32, #tpu.memory_space<vmem>>
      %dma_wait3A_474 = tpu.memref_squeeze %dma_wait3A_473 : memref<1x400xf32, #tpu.memory_space<vmem>> -> memref<400xf32, #tpu.memory_space<vmem>>
      %dma_wait3A_475 = arith.constant 0 : i32
      %dma_wait3A_476 = tpu.memref_slice %arg3[%dma_wait3A_475] : memref<1600000xf32, #tpu.memory_space<hbm>> -> memref<400xf32, #tpu.memory_space<hbm>>
      %dma_wait3A_477 = arith.constant 0 : i32
      %dma_wait3A_478 = tpu.memref_slice %arg7[%rem3A_436, %dma_wait3A_477] : memref<2x400xf32, #tpu.memory_space<vmem>> -> memref<1x400xf32, #tpu.memory_space<vmem>>
      %dma_wait3A_479 = tpu.memref_squeeze %dma_wait3A_478 : memref<1x400xf32, #tpu.memory_space<vmem>> -> memref<400xf32, #tpu.memory_space<vmem>>
      %dma_wait3A_480 = arith.constant 0 : i32
      %dma_wait3A_481 = tpu.memref_slice %arg3[%dma_wait3A_480] : memref<1600000xf32, #tpu.memory_space<hbm>> -> memref<400xf32, #tpu.memory_space<hbm>>
      tpu.wait_dma2 semaphore(%arg10 : memref<!tpu.dma_semaphore, #tpu.memory_space<semaphore_mem>>) src(%dma_wait3A_481 : memref<400xf32, #tpu.memory_space<hbm>>) dst(%dma_wait3A_479 : memref<400xf32, #tpu.memory_space<vmem>>)
      %get3A_482 = arith.index_cast %rem3A_436 : i32 to index
      %get3A_483 = arith.constant 0 : index
      %get3A_484 = tpu.vector_load %arg7[%get3A_482, %get3A_483] {strides = array<i32>} : memref<2x400xf32, #tpu.memory_space<vmem>>, vector<16xf32>,
      %add3A_485 = arith.constant 0 : i32
      %add3A_486 = vector.broadcast %add3A_485 : i32 to vector<16xi32>
      %add3A_487 = arith.addi %iota3A, %add3A_486 : vector<16xi32>
      %scatter3A_488 = arith.constant 0 : i32
      %scatter3A_489 = arith.constant 0 : i32
      %scatter3A_490 = tpu.memref_slice %arg8[%rem3A_436, %scatter3A_488, %scatter3A_489] : memref<2x400x16xf32, #tpu.memory_space<vmem>> -> memref<1x400x16xf32, #tpu.memory_space<vmem>>
      %scatter3A_491 = tpu.memref_squeeze %scatter3A_490 : memref<1x400x16xf32, #tpu.memory_space<vmem>> -> memref<400x16xf32, #tpu.memory_space<vmem>>
      tpu.vector_store_idx %scatter3A_491[%add3A_487, %broadcast_in_dim3A_12], %get3A_484 : memref<400x16xf32, #tpu.memory_space<vmem>>[vector<16xi32>, vector<16xi32>], vector<16xf32>,
      %get3A_492 = arith.index_cast %rem3A_436 : i32 to index
      %get3A_493 = arith.constant 16 : index
      %get3A_494 = tpu.vector_load %arg7[%get3A_492, %get3A_493] {strides = array<i32>} : memref<2x400xf32, #tpu.memory_space<vmem>>, vector<16xf32>,
      %add3A_495 = arith.constant 16 : i32
      %add3A_496 = vector.broadcast %add3A_495 : i32 to vector<16xi32>
      %add3A_497 = arith.addi %iota3A, %add3A_496 : vector<16xi32>
      %scatter3A_498 = arith.constant 0 : i32
      %scatter3A_499 = arith.constant 0 : i32
      %scatter3A_500 = tpu.memref_slice %arg8[%rem3A_436, %scatter3A_498, %scatter3A_499] : memref<2x400x16xf32, #tpu.memory_space<vmem>> -> memref<1x400x16xf32, #tpu.memory_space<vmem>>
      %scatter3A_501 = tpu.memref_squeeze %scatter3A_500 : memref<1x400x16xf32, #tpu.memory_space<vmem>> -> memref<400x16xf32, #tpu.memory_space<vmem>>
      tpu.vector_store_idx %scatter3A_501[%add3A_497, %broadcast_in_dim3A_12], %get3A_494 : memref<400x16xf32, #tpu.memory_space<vmem>>[vector<16xi32>, vector<16xi32>], vector<16xf32>,
      %get3A_502 = arith.index_cast %rem3A_436 : i32 to index
      %get3A_503 = arith.constant 32 : index
      %get3A_504 = tpu.vector_load %arg7[%get3A_502, %get3A_503] {strides = array<i32>} : memref<2x400xf32, #tpu.memory_space<vmem>>, vector<16xf32>,
      %add3A_505 = arith.constant 32 : i32
      %add3A_506 = vector.broadcast %add3A_505 : i32 to vector<16xi32>
      %add3A_507 = arith.addi %iota3A, %add3A_506 : vector<16xi32>
      %scatter3A_508 = arith.constant 0 : i32
      %scatter3A_509 = arith.constant 0 : i32
      %scatter3A_510 = tpu.memref_slice %arg8[%rem3A_436, %scatter3A_508, %scatter3A_509] : memref<2x400x16xf32, #tpu.memory_space<vmem>> -> memref<1x400x16xf32, #tpu.memory_space<vmem>>
      %scatter3A_511 = tpu.memref_squeeze %scatter3A_510 : memref<1x400x16xf32, #tpu.memory_space<vmem>> -> memref<400x16xf32, #tpu.memory_space<vmem>>
      tpu.vector_store_idx %scatter3A_511[%add3A_507, %broadcast_in_dim3A_12], %get3A_504 : memref<400x16xf32, #tpu.memory_space<vmem>>[vector<16xi32>, vector<16xi32>], vector<16xf32>,
      %get3A_512 = arith.index_cast %rem3A_436 : i32 to index
      %get3A_513 = arith.constant 48 : index
      %get3A_514 = tpu.vector_load %arg7[%get3A_512, %get3A_513] {strides = array<i32>} : memref<2x400xf32, #tpu.memory_space<vmem>>, vector<16xf32>,
      %add3A_515 = arith.constant 48 : i32
      %add3A_516 = vector.broadcast %add3A_515 : i32 to vector<16xi32>
      %add3A_517 = arith.addi %iota3A, %add3A_516 : vector<16xi32>
      %scatter3A_518 = arith.constant 0 : i32
      %scatter3A_519 = arith.constant 0 : i32
      %scatter3A_520 = tpu.memref_slice %arg8[%rem3A_436, %scatter3A_518, %scatter3A_519] : memref<2x400x16xf32, #tpu.memory_space<vmem>> -> memref<1x400x16xf32, #tpu.memory_space<vmem>>
      %scatter3A_521 = tpu.memref_squeeze %scatter3A_520 : memref<1x400x16xf32, #tpu.memory_space<vmem>> -> memref<400x16xf32, #tpu.memory_space<vmem>>
      tpu.vector_store_idx %scatter3A_521[%add3A_517, %broadcast_in_dim3A_12], %get3A_514 : memref<400x16xf32, #tpu.memory_space<vmem>>[vector<16xi32>, vector<16xi32>], vector<16xf32>,
      %get3A_522 = arith.index_cast %rem3A_436 : i32 to index
      %get3A_523 = arith.constant 64 : index
      %get3A_524 = tpu.vector_load %arg7[%get3A_522, %get3A_523] {strides = array<i32>} : memref<2x400xf32, #tpu.memory_space<vmem>>, vector<16xf32>,
      %add3A_525 = arith.constant 64 : i32
      %add3A_526 = vector.broadcast %add3A_525 : i32 to vector<16xi32>
      %add3A_527 = arith.addi %iota3A, %add3A_526 : vector<16xi32>
      %scatter3A_528 = arith.constant 0 : i32
      %scatter3A_529 = arith.constant 0 : i32
      %scatter3A_530 = tpu.memref_slice %arg8[%rem3A_436, %scatter3A_528, %scatter3A_529] : memref<2x400x16xf32, #tpu.memory_space<vmem>> -> memref<1x400x16xf32, #tpu.memory_space<vmem>>
      %scatter3A_531 = tpu.memref_squeeze %scatter3A_530 : memref<1x400x16xf32, #tpu.memory_space<vmem>> -> memref<400x16xf32, #tpu.memory_space<vmem>>
      tpu.vector_store_idx %scatter3A_531[%add3A_527, %broadcast_in_dim3A_12], %get3A_524 : memref<400x16xf32, #tpu.memory_space<vmem>>[vector<16xi32>, vector<16xi32>], vector<16xf32>,
      %get3A_532 = arith.index_cast %rem3A_436 : i32 to index
      %get3A_533 = arith.constant 80 : index
      %get3A_534 = tpu.vector_load %arg7[%get3A_532, %get3A_533] {strides = array<i32>} : memref<2x400xf32, #tpu.memory_space<vmem>>, vector<16xf32>,
      %add3A_535 = arith.constant 80 : i32
      %add3A_536 = vector.broadcast %add3A_535 : i32 to vector<16xi32>
      %add3A_537 = arith.addi %iota3A, %add3A_536 : vector<16xi32>
      %scatter3A_538 = arith.constant 0 : i32
      %scatter3A_539 = arith.constant 0 : i32
      %scatter3A_540 = tpu.memref_slice %arg8[%rem3A_436, %scatter3A_538, %scatter3A_539] : memref<2x400x16xf32, #tpu.memory_space<vmem>> -> memref<1x400x16xf32, #tpu.memory_space<vmem>>
      %scatter3A_541 = tpu.memref_squeeze %scatter3A_540 : memref<1x400x16xf32, #tpu.memory_space<vmem>> -> memref<400x16xf32, #tpu.memory_space<vmem>>
      tpu.vector_store_idx %scatter3A_541[%add3A_537, %broadcast_in_dim3A_12], %get3A_534 : memref<400x16xf32, #tpu.memory_space<vmem>>[vector<16xi32>, vector<16xi32>], vector<16xf32>,
      %get3A_542 = arith.index_cast %rem3A_436 : i32 to index
      %get3A_543 = arith.constant 96 : index
      %get3A_544 = tpu.vector_load %arg7[%get3A_542, %get3A_543] {strides = array<i32>} : memref<2x400xf32, #tpu.memory_space<vmem>>, vector<16xf32>,
      %add3A_545 = arith.constant 96 : i32
      %add3A_546 = vector.broadcast %add3A_545 : i32 to vector<16xi32>
      %add3A_547 = arith.addi %iota3A, %add3A_546 : vector<16xi32>
      %scatter3A_548 = arith.constant 0 : i32
      %scatter3A_549 = arith.constant 0 : i32
      %scatter3A_550 = tpu.memref_slice %arg8[%rem3A_436, %scatter3A_548, %scatter3A_549] : memref<2x400x16xf32, #tpu.memory_space<vmem>> -> memref<1x400x16xf32, #tpu.memory_space<vmem>>
      %scatter3A_551 = tpu.memref_squeeze %scatter3A_550 : memref<1x400x16xf32, #tpu.memory_space<vmem>> -> memref<400x16xf32, #tpu.memory_space<vmem>>
      tpu.vector_store_idx %scatter3A_551[%add3A_547, %broadcast_in_dim3A_12], %get3A_544 : memref<400x16xf32, #tpu.memory_space<vmem>>[vector<16xi32>, vector<16xi32>], vector<16xf32>,
      %get3A_552 = arith.index_cast %rem3A_436 : i32 to index
      %get3A_553 = arith.constant 112 : index
      %get3A_554 = tpu.vector_load %arg7[%get3A_552, %get3A_553] {strides = array<i32>} : memref<2x400xf32, #tpu.memory_space<vmem>>, vector<16xf32>,
      %add3A_555 = arith.constant 112 : i32
      %add3A_556 = vector.broadcast %add3A_555 : i32 to vector<16xi32>
      %add3A_557 = arith.addi %iota3A, %add3A_556 : vector<16xi32>
      %scatter3A_558 = arith.constant 0 : i32
      %scatter3A_559 = arith.constant 0 : i32
      %scatter3A_560 = tpu.memref_slice %arg8[%rem3A_436, %scatter3A_558, %scatter3A_559] : memref<2x400x16xf32, #tpu.memory_space<vmem>> -> memref<1x400x16xf32, #tpu.memory_space<vmem>>
      %scatter3A_561 = tpu.memref_squeeze %scatter3A_560 : memref<1x400x16xf32, #tpu.memory_space<vmem>> -> memref<400x16xf32, #tpu.memory_space<vmem>>
      tpu.vector_store_idx %scatter3A_561[%add3A_557, %broadcast_in_dim3A_12], %get3A_554 : memref<400x16xf32, #tpu.memory_space<vmem>>[vector<16xi32>, vector<16xi32>], vector<16xf32>,
      %get3A_562 = arith.index_cast %rem3A_436 : i32 to index
      %get3A_563 = arith.constant 128 : index
      %get3A_564 = tpu.vector_load %arg7[%get3A_562, %get3A_563] {strides = array<i32>} : memref<2x400xf32, #tpu.memory_space<vmem>>, vector<16xf32>,
      %add3A_565 = arith.constant 128 : i32
      %add3A_566 = vector.broadcast %add3A_565 : i32 to vector<16xi32>
      %add3A_567 = arith.addi %iota3A, %add3A_566 : vector<16xi32>
      %scatter3A_568 = arith.constant 0 : i32
      %scatter3A_569 = arith.constant 0 : i32
      %scatter3A_570 = tpu.memref_slice %arg8[%rem3A_436, %scatter3A_568, %scatter3A_569] : memref<2x400x16xf32, #tpu.memory_space<vmem>> -> memref<1x400x16xf32, #tpu.memory_space<vmem>>
      %scatter3A_571 = tpu.memref_squeeze %scatter3A_570 : memref<1x400x16xf32, #tpu.memory_space<vmem>> -> memref<400x16xf32, #tpu.memory_space<vmem>>
      tpu.vector_store_idx %scatter3A_571[%add3A_567, %broadcast_in_dim3A_12], %get3A_564 : memref<400x16xf32, #tpu.memory_space<vmem>>[vector<16xi32>, vector<16xi32>], vector<16xf32>,
      %get3A_572 = arith.index_cast %rem3A_436 : i32 to index
      %get3A_573 = arith.constant 144 : index
      %get3A_574 = tpu.vector_load %arg7[%get3A_572, %get3A_573] {strides = array<i32>} : memref<2x400xf32, #tpu.memory_space<vmem>>, vector<16xf32>,
      %add3A_575 = arith.constant 144 : i32
      %add3A_576 = vector.broadcast %add3A_575 : i32 to vector<16xi32>
      %add3A_577 = arith.addi %iota3A, %add3A_576 : vector<16xi32>
      %scatter3A_578 = arith.constant 0 : i32
      %scatter3A_579 = arith.constant 0 : i32
      %scatter3A_580 = tpu.memref_slice %arg8[%rem3A_436, %scatter3A_578, %scatter3A_579] : memref<2x400x16xf32, #tpu.memory_space<vmem>> -> memref<1x400x16xf32, #tpu.memory_space<vmem>>
      %scatter3A_581 = tpu.memref_squeeze %scatter3A_580 : memref<1x400x16xf32, #tpu.memory_space<vmem>> -> memref<400x16xf32, #tpu.memory_space<vmem>>
      tpu.vector_store_idx %scatter3A_581[%add3A_577, %broadcast_in_dim3A_12], %get3A_574 : memref<400x16xf32, #tpu.memory_space<vmem>>[vector<16xi32>, vector<16xi32>], vector<16xf32>,
      %get3A_582 = arith.index_cast %rem3A_436 : i32 to index
      %get3A_583 = arith.constant 160 : index
      %get3A_584 = tpu.vector_load %arg7[%get3A_582, %get3A_583] {strides = array<i32>} : memref<2x400xf32, #tpu.memory_space<vmem>>, vector<16xf32>,
      %add3A_585 = arith.constant 160 : i32
      %add3A_586 = vector.broadcast %add3A_585 : i32 to vector<16xi32>
      %add3A_587 = arith.addi %iota3A, %add3A_586 : vector<16xi32>
      %scatter3A_588 = arith.constant 0 : i32
      %scatter3A_589 = arith.constant 0 : i32
      %scatter3A_590 = tpu.memref_slice %arg8[%rem3A_436, %scatter3A_588, %scatter3A_589] : memref<2x400x16xf32, #tpu.memory_space<vmem>> -> memref<1x400x16xf32, #tpu.memory_space<vmem>>
      %scatter3A_591 = tpu.memref_squeeze %scatter3A_590 : memref<1x400x16xf32, #tpu.memory_space<vmem>> -> memref<400x16xf32, #tpu.memory_space<vmem>>
      tpu.vector_store_idx %scatter3A_591[%add3A_587, %broadcast_in_dim3A_12], %get3A_584 : memref<400x16xf32, #tpu.memory_space<vmem>>[vector<16xi32>, vector<16xi32>], vector<16xf32>,
      %get3A_592 = arith.index_cast %rem3A_436 : i32 to index
      %get3A_593 = arith.constant 176 : index
      %get3A_594 = tpu.vector_load %arg7[%get3A_592, %get3A_593] {strides = array<i32>} : memref<2x400xf32, #tpu.memory_space<vmem>>, vector<16xf32>,
      %add3A_595 = arith.constant 176 : i32
      %add3A_596 = vector.broadcast %add3A_595 : i32 to vector<16xi32>
      %add3A_597 = arith.addi %iota3A, %add3A_596 : vector<16xi32>
      %scatter3A_598 = arith.constant 0 : i32
      %scatter3A_599 = arith.constant 0 : i32
      %scatter3A_600 = tpu.memref_slice %arg8[%rem3A_436, %scatter3A_598, %scatter3A_599] : memref<2x400x16xf32, #tpu.memory_space<vmem>> -> memref<1x400x16xf32, #tpu.memory_space<vmem>>
      %scatter3A_601 = tpu.memref_squeeze %scatter3A_600 : memref<1x400x16xf32, #tpu.memory_space<vmem>> -> memref<400x16xf32, #tpu.memory_space<vmem>>
      tpu.vector_store_idx %scatter3A_601[%add3A_597, %broadcast_in_dim3A_12], %get3A_594 : memref<400x16xf32, #tpu.memory_space<vmem>>[vector<16xi32>, vector<16xi32>], vector<16xf32>,
      %get3A_602 = arith.index_cast %rem3A_436 : i32 to index
      %get3A_603 = arith.constant 192 : index
      %get3A_604 = tpu.vector_load %arg7[%get3A_602, %get3A_603] {strides = array<i32>} : memref<2x400xf32, #tpu.memory_space<vmem>>, vector<16xf32>,
      %add3A_605 = arith.constant 192 : i32
      %add3A_606 = vector.broadcast %add3A_605 : i32 to vector<16xi32>
      %add3A_607 = arith.addi %iota3A, %add3A_606 : vector<16xi32>
      %scatter3A_608 = arith.constant 0 : i32
      %scatter3A_609 = arith.constant 0 : i32
      %scatter3A_610 = tpu.memref_slice %arg8[%rem3A_436, %scatter3A_608, %scatter3A_609] : memref<2x400x16xf32, #tpu.memory_space<vmem>> -> memref<1x400x16xf32, #tpu.memory_space<vmem>>
      %scatter3A_611 = tpu.memref_squeeze %scatter3A_610 : memref<1x400x16xf32, #tpu.memory_space<vmem>> -> memref<400x16xf32, #tpu.memory_space<vmem>>
      tpu.vector_store_idx %scatter3A_611[%add3A_607, %broadcast_in_dim3A_12], %get3A_604 : memref<400x16xf32, #tpu.memory_space<vmem>>[vector<16xi32>, vector<16xi32>], vector<16xf32>,
      %get3A_612 = arith.index_cast %rem3A_436 : i32 to index
      %get3A_613 = arith.constant 208 : index
      %get3A_614 = tpu.vector_load %arg7[%get3A_612, %get3A_613] {strides = array<i32>} : memref<2x400xf32, #tpu.memory_space<vmem>>, vector<16xf32>,
      %add3A_615 = arith.constant 208 : i32
      %add3A_616 = vector.broadcast %add3A_615 : i32 to vector<16xi32>
      %add3A_617 = arith.addi %iota3A, %add3A_616 : vector<16xi32>
      %scatter3A_618 = arith.constant 0 : i32
      %scatter3A_619 = arith.constant 0 : i32
      %scatter3A_620 = tpu.memref_slice %arg8[%rem3A_436, %scatter3A_618, %scatter3A_619] : memref<2x400x16xf32, #tpu.memory_space<vmem>> -> memref<1x400x16xf32, #tpu.memory_space<vmem>>
      %scatter3A_621 = tpu.memref_squeeze %scatter3A_620 : memref<1x400x16xf32, #tpu.memory_space<vmem>> -> memref<400x16xf32, #tpu.memory_space<vmem>>
      tpu.vector_store_idx %scatter3A_621[%add3A_617, %broadcast_in_dim3A_12], %get3A_614 : memref<400x16xf32, #tpu.memory_space<vmem>>[vector<16xi32>, vector<16xi32>], vector<16xf32>,
      %get3A_622 = arith.index_cast %rem3A_436 : i32 to index
      %get3A_623 = arith.constant 224 : index
      %get3A_624 = tpu.vector_load %arg7[%get3A_622, %get3A_623] {strides = array<i32>} : memref<2x400xf32, #tpu.memory_space<vmem>>, vector<16xf32>,
      %add3A_625 = arith.constant 224 : i32
      %add3A_626 = vector.broadcast %add3A_625 : i32 to vector<16xi32>
      %add3A_627 = arith.addi %iota3A, %add3A_626 : vector<16xi32>
      %scatter3A_628 = arith.constant 0 : i32
      %scatter3A_629 = arith.constant 0 : i32
      %scatter3A_630 = tpu.memref_slice %arg8[%rem3A_436, %scatter3A_628, %scatter3A_629] : memref<2x400x16xf32, #tpu.memory_space<vmem>> -> memref<1x400x16xf32, #tpu.memory_space<vmem>>
      %scatter3A_631 = tpu.memref_squeeze %scatter3A_630 : memref<1x400x16xf32, #tpu.memory_space<vmem>> -> memref<400x16xf32, #tpu.memory_space<vmem>>
      tpu.vector_store_idx %scatter3A_631[%add3A_627, %broadcast_in_dim3A_12], %get3A_624 : memref<400x16xf32, #tpu.memory_space<vmem>>[vector<16xi32>, vector<16xi32>], vector<16xf32>,
      %get3A_632 = arith.index_cast %rem3A_436 : i32 to index
      %get3A_633 = arith.constant 240 : index
      %get3A_634 = tpu.vector_load %arg7[%get3A_632, %get3A_633] {strides = array<i32>} : memref<2x400xf32, #tpu.memory_space<vmem>>, vector<16xf32>,
      %add3A_635 = arith.constant 240 : i32
      %add3A_636 = vector.broadcast %add3A_635 : i32 to vector<16xi32>
      %add3A_637 = arith.addi %iota3A, %add3A_636 : vector<16xi32>
      %scatter3A_638 = arith.constant 0 : i32
      %scatter3A_639 = arith.constant 0 : i32
      %scatter3A_640 = tpu.memref_slice %arg8[%rem3A_436, %scatter3A_638, %scatter3A_639] : memref<2x400x16xf32, #tpu.memory_space<vmem>> -> memref<1x400x16xf32, #tpu.memory_space<vmem>>
      %scatter3A_641 = tpu.memref_squeeze %scatter3A_640 : memref<1x400x16xf32, #tpu.memory_space<vmem>> -> memref<400x16xf32, #tpu.memory_space<vmem>>
      tpu.vector_store_idx %scatter3A_641[%add3A_637, %broadcast_in_dim3A_12], %get3A_634 : memref<400x16xf32, #tpu.memory_space<vmem>>[vector<16xi32>, vector<16xi32>], vector<16xf32>,
      %get3A_642 = arith.index_cast %rem3A_436 : i32 to index
      %get3A_643 = arith.constant 256 : index
      %get3A_644 = tpu.vector_load %arg7[%get3A_642, %get3A_643] {strides = array<i32>} : memref<2x400xf32, #tpu.memory_space<vmem>>, vector<16xf32>,
      %add3A_645 = arith.constant 256 : i32
      %add3A_646 = vector.broadcast %add3A_645 : i32 to vector<16xi32>
      %add3A_647 = arith.addi %iota3A, %add3A_646 : vector<16xi32>
      %scatter3A_648 = arith.constant 0 : i32
      %scatter3A_649 = arith.constant 0 : i32
      %scatter3A_650 = tpu.memref_slice %arg8[%rem3A_436, %scatter3A_648, %scatter3A_649] : memref<2x400x16xf32, #tpu.memory_space<vmem>> -> memref<1x400x16xf32, #tpu.memory_space<vmem>>
      %scatter3A_651 = tpu.memref_squeeze %scatter3A_650 : memref<1x400x16xf32, #tpu.memory_space<vmem>> -> memref<400x16xf32, #tpu.memory_space<vmem>>
      tpu.vector_store_idx %scatter3A_651[%add3A_647, %broadcast_in_dim3A_12], %get3A_644 : memref<400x16xf32, #tpu.memory_space<vmem>>[vector<16xi32>, vector<16xi32>], vector<16xf32>,
      %get3A_652 = arith.index_cast %rem3A_436 : i32 to index
      %get3A_653 = arith.constant 272 : index
      %get3A_654 = tpu.vector_load %arg7[%get3A_652, %get3A_653] {strides = array<i32>} : memref<2x400xf32, #tpu.memory_space<vmem>>, vector<16xf32>,
      %add3A_655 = arith.constant 272 : i32
      %add3A_656 = vector.broadcast %add3A_655 : i32 to vector<16xi32>
      %add3A_657 = arith.addi %iota3A, %add3A_656 : vector<16xi32>
      %scatter3A_658 = arith.constant 0 : i32
      %scatter3A_659 = arith.constant 0 : i32
      %scatter3A_660 = tpu.memref_slice %arg8[%rem3A_436, %scatter3A_658, %scatter3A_659] : memref<2x400x16xf32, #tpu.memory_space<vmem>> -> memref<1x400x16xf32, #tpu.memory_space<vmem>>
      %scatter3A_661 = tpu.memref_squeeze %scatter3A_660 : memref<1x400x16xf32, #tpu.memory_space<vmem>> -> memref<400x16xf32, #tpu.memory_space<vmem>>
      tpu.vector_store_idx %scatter3A_661[%add3A_657, %broadcast_in_dim3A_12], %get3A_654 : memref<400x16xf32, #tpu.memory_space<vmem>>[vector<16xi32>, vector<16xi32>], vector<16xf32>,
      %get3A_662 = arith.index_cast %rem3A_436 : i32 to index
      %get3A_663 = arith.constant 288 : index
      %get3A_664 = tpu.vector_load %arg7[%get3A_662, %get3A_663] {strides = array<i32>} : memref<2x400xf32, #tpu.memory_space<vmem>>, vector<16xf32>,
      %add3A_665 = arith.constant 288 : i32
      %add3A_666 = vector.broadcast %add3A_665 : i32 to vector<16xi32>
      %add3A_667 = arith.addi %iota3A, %add3A_666 : vector<16xi32>
      %scatter3A_668 = arith.constant 0 : i32
      %scatter3A_669 = arith.constant 0 : i32
      %scatter3A_670 = tpu.memref_slice %arg8[%rem3A_436, %scatter3A_668, %scatter3A_669] : memref<2x400x16xf32, #tpu.memory_space<vmem>> -> memref<1x400x16xf32, #tpu.memory_space<vmem>>
      %scatter3A_671 = tpu.memref_squeeze %scatter3A_670 : memref<1x400x16xf32, #tpu.memory_space<vmem>> -> memref<400x16xf32, #tpu.memory_space<vmem>>
      tpu.vector_store_idx %scatter3A_671[%add3A_667, %broadcast_in_dim3A_12], %get3A_664 : memref<400x16xf32, #tpu.memory_space<vmem>>[vector<16xi32>, vector<16xi32>], vector<16xf32>,
      %get3A_672 = arith.index_cast %rem3A_436 : i32 to index
      %get3A_673 = arith.constant 304 : index
      %get3A_674 = tpu.vector_load %arg7[%get3A_672, %get3A_673] {strides = array<i32>} : memref<2x400xf32, #tpu.memory_space<vmem>>, vector<16xf32>,
      %add3A_675 = arith.constant 304 : i32
      %add3A_676 = vector.broadcast %add3A_675 : i32 to vector<16xi32>
      %add3A_677 = arith.addi %iota3A, %add3A_676 : vector<16xi32>
      %scatter3A_678 = arith.constant 0 : i32
      %scatter3A_679 = arith.constant 0 : i32
      %scatter3A_680 = tpu.memref_slice %arg8[%rem3A_436, %scatter3A_678, %scatter3A_679] : memref<2x400x16xf32, #tpu.memory_space<vmem>> -> memref<1x400x16xf32, #tpu.memory_space<vmem>>
      %scatter3A_681 = tpu.memref_squeeze %scatter3A_680 : memref<1x400x16xf32, #tpu.memory_space<vmem>> -> memref<400x16xf32, #tpu.memory_space<vmem>>
      tpu.vector_store_idx %scatter3A_681[%add3A_677, %broadcast_in_dim3A_12], %get3A_674 : memref<400x16xf32, #tpu.memory_space<vmem>>[vector<16xi32>, vector<16xi32>], vector<16xf32>,
      %get3A_682 = arith.index_cast %rem3A_436 : i32 to index
      %get3A_683 = arith.constant 320 : index
      %get3A_684 = tpu.vector_load %arg7[%get3A_682, %get3A_683] {strides = array<i32>} : memref<2x400xf32, #tpu.memory_space<vmem>>, vector<16xf32>,
      %add3A_685 = arith.constant 320 : i32
      %add3A_686 = vector.broadcast %add3A_685 : i32 to vector<16xi32>
      %add3A_687 = arith.addi %iota3A, %add3A_686 : vector<16xi32>
      %scatter3A_688 = arith.constant 0 : i32
      %scatter3A_689 = arith.constant 0 : i32
      %scatter3A_690 = tpu.memref_slice %arg8[%rem3A_436, %scatter3A_688, %scatter3A_689] : memref<2x400x16xf32, #tpu.memory_space<vmem>> -> memref<1x400x16xf32, #tpu.memory_space<vmem>>
      %scatter3A_691 = tpu.memref_squeeze %scatter3A_690 : memref<1x400x16xf32, #tpu.memory_space<vmem>> -> memref<400x16xf32, #tpu.memory_space<vmem>>
      tpu.vector_store_idx %scatter3A_691[%add3A_687, %broadcast_in_dim3A_12], %get3A_684 : memref<400x16xf32, #tpu.memory_space<vmem>>[vector<16xi32>, vector<16xi32>], vector<16xf32>,
      %get3A_692 = arith.index_cast %rem3A_436 : i32 to index
      %get3A_693 = arith.constant 336 : index
      %get3A_694 = tpu.vector_load %arg7[%get3A_692, %get3A_693] {strides = array<i32>} : memref<2x400xf32, #tpu.memory_space<vmem>>, vector<16xf32>,
      %add3A_695 = arith.constant 336 : i32
      %add3A_696 = vector.broadcast %add3A_695 : i32 to vector<16xi32>
      %add3A_697 = arith.addi %iota3A, %add3A_696 : vector<16xi32>
      %scatter3A_698 = arith.constant 0 : i32
      %scatter3A_699 = arith.constant 0 : i32
      %scatter3A_700 = tpu.memref_slice %arg8[%rem3A_436, %scatter3A_698, %scatter3A_699] : memref<2x400x16xf32, #tpu.memory_space<vmem>> -> memref<1x400x16xf32, #tpu.memory_space<vmem>>
      %scatter3A_701 = tpu.memref_squeeze %scatter3A_700 : memref<1x400x16xf32, #tpu.memory_space<vmem>> -> memref<400x16xf32, #tpu.memory_space<vmem>>
      tpu.vector_store_idx %scatter3A_701[%add3A_697, %broadcast_in_dim3A_12], %get3A_694 : memref<400x16xf32, #tpu.memory_space<vmem>>[vector<16xi32>, vector<16xi32>], vector<16xf32>,
      %get3A_702 = arith.index_cast %rem3A_436 : i32 to index
      %get3A_703 = arith.constant 352 : index
      %get3A_704 = tpu.vector_load %arg7[%get3A_702, %get3A_703] {strides = array<i32>} : memref<2x400xf32, #tpu.memory_space<vmem>>, vector<16xf32>,
      %add3A_705 = arith.constant 352 : i32
      %add3A_706 = vector.broadcast %add3A_705 : i32 to vector<16xi32>
      %add3A_707 = arith.addi %iota3A, %add3A_706 : vector<16xi32>
      %scatter3A_708 = arith.constant 0 : i32
      %scatter3A_709 = arith.constant 0 : i32
      %scatter3A_710 = tpu.memref_slice %arg8[%rem3A_436, %scatter3A_708, %scatter3A_709] : memref<2x400x16xf32, #tpu.memory_space<vmem>> -> memref<1x400x16xf32, #tpu.memory_space<vmem>>
      %scatter3A_711 = tpu.memref_squeeze %scatter3A_710 : memref<1x400x16xf32, #tpu.memory_space<vmem>> -> memref<400x16xf32, #tpu.memory_space<vmem>>
      tpu.vector_store_idx %scatter3A_711[%add3A_707, %broadcast_in_dim3A_12], %get3A_704 : memref<400x16xf32, #tpu.memory_space<vmem>>[vector<16xi32>, vector<16xi32>], vector<16xf32>,
      %get3A_712 = arith.index_cast %rem3A_436 : i32 to index
      %get3A_713 = arith.constant 368 : index
      %get3A_714 = tpu.vector_load %arg7[%get3A_712, %get3A_713] {strides = array<i32>} : memref<2x400xf32, #tpu.memory_space<vmem>>, vector<16xf32>,
      %add3A_715 = arith.constant 368 : i32
      %add3A_716 = vector.broadcast %add3A_715 : i32 to vector<16xi32>
      %add3A_717 = arith.addi %iota3A, %add3A_716 : vector<16xi32>
      %scatter3A_718 = arith.constant 0 : i32
      %scatter3A_719 = arith.constant 0 : i32
      %scatter3A_720 = tpu.memref_slice %arg8[%rem3A_436, %scatter3A_718, %scatter3A_719] : memref<2x400x16xf32, #tpu.memory_space<vmem>> -> memref<1x400x16xf32, #tpu.memory_space<vmem>>
      %scatter3A_721 = tpu.memref_squeeze %scatter3A_720 : memref<1x400x16xf32, #tpu.memory_space<vmem>> -> memref<400x16xf32, #tpu.memory_space<vmem>>
      tpu.vector_store_idx %scatter3A_721[%add3A_717, %broadcast_in_dim3A_12], %get3A_714 : memref<400x16xf32, #tpu.memory_space<vmem>>[vector<16xi32>, vector<16xi32>], vector<16xf32>,
      %get3A_722 = arith.index_cast %rem3A_436 : i32 to index
      %get3A_723 = arith.constant 384 : index
      %get3A_724 = tpu.vector_load %arg7[%get3A_722, %get3A_723] {strides = array<i32>} : memref<2x400xf32, #tpu.memory_space<vmem>>, vector<16xf32>,
      %add3A_725 = arith.constant 384 : i32
      %add3A_726 = vector.broadcast %add3A_725 : i32 to vector<16xi32>
      %add3A_727 = arith.addi %iota3A, %add3A_726 : vector<16xi32>
      %scatter3A_728 = arith.constant 0 : i32
      %scatter3A_729 = arith.constant 0 : i32
      %scatter3A_730 = tpu.memref_slice %arg8[%rem3A_436, %scatter3A_728, %scatter3A_729] : memref<2x400x16xf32, #tpu.memory_space<vmem>> -> memref<1x400x16xf32, #tpu.memory_space<vmem>>
      %scatter3A_731 = tpu.memref_squeeze %scatter3A_730 : memref<1x400x16xf32, #tpu.memory_space<vmem>> -> memref<400x16xf32, #tpu.memory_space<vmem>>
      tpu.vector_store_idx %scatter3A_731[%add3A_727, %broadcast_in_dim3A_12], %get3A_724 : memref<400x16xf32, #tpu.memory_space<vmem>>[vector<16xi32>, vector<16xi32>], vector<16xf32>,
      %add3A_732 = arith.constant 2 : i32
      %add3A_733 = arith.addi %scan3A_431, %add3A_732 : i32
      %le3A = arith.constant 124 : i32
      %le3A_734 = arith.cmpi sle, %add3A_733, %le3A : i32
      %convert_element_type3A_735 = arith.extui %le3A_734 : i1 to i32
      %cond3A_736 = arith.constant 0 : i32
      %cond3A_737 = arith.cmpi ne, %convert_element_type3A_735, %cond3A_736 : i32
      scf.if %cond3A_737 {
        %add3A_738 = arith.constant 2 : i32
        %add3A_739 = arith.addi %scan3A_431, %add3A_738 : i32
        %mul3A_740 = arith.constant 32 : i32
        %mul3A_741 = arith.muli %add3A_739, %mul3A_740 : i32
        %add3A_742 = arith.addi %mul3A_741, %add3A : i32
        %mul3A_743 = arith.constant 400 : i32
        %mul3A_744 = arith.muli %add3A_742, %mul3A_743 : i32
        %dma_start3A_745 = arith.constant 1 : i32
        %dma_start3A_746 = arith.constant 0 : i32
        %dma_start3A_747 = tpu.memref_slice %arg6[%rem3A_446, %dma_start3A_746] : memref<3x400xi32, #tpu.memory_space<vmem>> -> memref<1x400xi32, #tpu.memory_space<vmem>>
        %dma_start3A_748 = tpu.memref_squeeze %dma_start3A_747 : memref<1x400xi32, #tpu.memory_space<vmem>> -> memref<400xi32, #tpu.memory_space<vmem>>
        %dma_start3A_749 = tpu.memref_slice %arg2[%dma_start3A_745, %mul3A_744] : memref<2x1600000xi32, #tpu.memory_space<hbm>> -> memref<1x400xi32, #tpu.memory_space<hbm>>
        %dma_start3A_750 = tpu.memref_squeeze %dma_start3A_749 : memref<1x400xi32, #tpu.memory_space<hbm>> -> memref<400xi32, #tpu.memory_space<hbm>>
        %dma_start3A_751 = arith.constant 0 : i32
        %dma_start3A_752 = tpu.memref_slice %arg6[%rem3A_446, %dma_start3A_751] : memref<3x400xi32, #tpu.memory_space<vmem>> -> memref<1x400xi32, #tpu.memory_space<vmem>>
        %dma_start3A_753 = tpu.memref_squeeze %dma_start3A_752 : memref<1x400xi32, #tpu.memory_space<vmem>> -> memref<400xi32, #tpu.memory_space<vmem>>
        %dma_start3A_754 = tpu.memref_slice %arg2[%dma_start3A_745, %mul3A_744] : memref<2x1600000xi32, #tpu.memory_space<hbm>> -> memref<1x400xi32, #tpu.memory_space<hbm>>
        %dma_start3A_755 = tpu.memref_squeeze %dma_start3A_754 : memref<1x400xi32, #tpu.memory_space<hbm>> -> memref<400xi32, #tpu.memory_space<hbm>>
        tpu.enqueue_dma source(%dma_start3A_755 : memref<400xi32, #tpu.memory_space<hbm>>) target(%dma_start3A_753 : memref<400xi32, #tpu.memory_space<vmem>>) target_semaphore(%arg10 : memref<!tpu.dma_semaphore, #tpu.memory_space<semaphore_mem>>)
        %dma_start3A_756 = arith.constant 0 : i32
        %dma_start3A_757 = tpu.memref_slice %arg7[%rem3A_432, %dma_start3A_756] : memref<2x400xf32, #tpu.memory_space<vmem>> -> memref<1x400xf32, #tpu.memory_space<vmem>>
        %dma_start3A_758 = tpu.memref_squeeze %dma_start3A_757 : memref<1x400xf32, #tpu.memory_space<vmem>> -> memref<400xf32, #tpu.memory_space<vmem>>
        %dma_start3A_759 = tpu.memref_slice %arg3[%mul3A_744] : memref<1600000xf32, #tpu.memory_space<hbm>> -> memref<400xf32, #tpu.memory_space<hbm>>
        %dma_start3A_760 = arith.constant 0 : i32
        %dma_start3A_761 = tpu.memref_slice %arg7[%rem3A_432, %dma_start3A_760] : memref<2x400xf32, #tpu.memory_space<vmem>> -> memref<1x400xf32, #tpu.memory_space<vmem>>
        %dma_start3A_762 = tpu.memref_squeeze %dma_start3A_761 : memref<1x400xf32, #tpu.memory_space<vmem>> -> memref<400xf32, #tpu.memory_space<vmem>>
        %dma_start3A_763 = tpu.memref_slice %arg3[%mul3A_744] : memref<1600000xf32, #tpu.memory_space<hbm>> -> memref<400xf32, #tpu.memory_space<hbm>>
        tpu.enqueue_dma source(%dma_start3A_763 : memref<400xf32, #tpu.memory_space<hbm>>) target(%dma_start3A_762 : memref<400xf32, #tpu.memory_space<vmem>>) target_semaphore(%arg10 : memref<!tpu.dma_semaphore, #tpu.memory_space<semaphore_mem>>)
      } else {
      }
    }
    %scan3A_389 = arith.constant 124 : i32
    %dma_wait3A_390 = arith.constant 1 : i32
    %dma_wait3A_391 = arith.constant 0 : i32
    %dma_wait3A_392 = arith.constant 0 : i32
    %dma_wait3A_393 = arith.constant 0 : i32
    %dma_wait3A_394 = tpu.memref_slice %arg8[%dma_wait3A_390, %dma_wait3A_392, %dma_wait3A_393] : memref<2x400x16xf32, #tpu.memory_space<vmem>> -> memref<1x400x16xf32, #tpu.memory_space<vmem>>
    %dma_wait3A_395 = tpu.memref_squeeze %dma_wait3A_394 : memref<1x400x16xf32, #tpu.memory_space<vmem>> -> memref<400x16xf32, #tpu.memory_space<vmem>>
    %dma_wait3A_396 = arith.constant 0 : i32
    %dma_wait3A_397 = tpu.memref_slice %arg6[%dma_wait3A_391, %dma_wait3A_396] : memref<3x400xi32, #tpu.memory_space<vmem>> -> memref<1x400xi32, #tpu.memory_space<vmem>>
    %dma_wait3A_398 = tpu.memref_squeeze %dma_wait3A_397 : memref<1x400xi32, #tpu.memory_space<vmem>> -> memref<400xi32, #tpu.memory_space<vmem>>
    %dma_wait3A_399 = arith.constant 0 : i32
    %dma_wait3A_400 = arith.constant 0 : i32
    %dma_wait3A_401 = tpu.memref_slice %arg9[%dma_wait3A_399, %dma_wait3A_400] : memref<50048x16xf32, #tpu.memory_space<vmem_shared>> -> memref<50048x16xf32, #tpu.memory_space<vmem_shared>>
    tpu.wait_indirect_dma semaphore(%arg11 : memref<!tpu.dma_semaphore, #tpu.memory_space<semaphore_mem>>) src(%dma_wait3A_395 : memref<400x16xf32, #tpu.memory_space<vmem>>) dst(%dma_wait3A_401 : memref<50048x16xf32, #tpu.memory_space<vmem_shared>>)
    %dma_start3A_402 = arith.constant 0 : i32
    %dma_start3A_403 = arith.constant 1 : i32
    %dma_start3A_404 = arith.constant 0 : i32
    %dma_start3A_405 = arith.constant 0 : i32
    %dma_start3A_406 = tpu.memref_slice %arg8[%dma_start3A_402, %dma_start3A_404, %dma_start3A_405] : memref<2x400x16xf32, #tpu.memory_space<vmem>> -> memref<1x400x16xf32, #tpu.memory_space<vmem>>
    %dma_start3A_407 = tpu.memref_squeeze %dma_start3A_406 : memref<1x400x16xf32, #tpu.memory_space<vmem>> -> memref<400x16xf32, #tpu.memory_space<vmem>>
    %dma_start3A_408 = arith.constant 0 : i32
    %dma_start3A_409 = tpu.memref_slice %arg6[%dma_start3A_403, %dma_start3A_408] : memref<3x400xi32, #tpu.memory_space<vmem>> -> memref<1x400xi32, #tpu.memory_space<vmem>>
    %dma_start3A_410 = tpu.memref_squeeze %dma_start3A_409 : memref<1x400xi32, #tpu.memory_space<vmem>> -> memref<400xi32, #tpu.memory_space<vmem>>
    %dma_start3A_411 = arith.constant 0 : i32
    %dma_start3A_412 = arith.constant 0 : i32
    %dma_start3A_413 = tpu.memref_slice %arg9[%dma_start3A_411, %dma_start3A_412] : memref<50048x16xf32, #tpu.memory_space<vmem_shared>> -> memref<50048x16xf32, #tpu.memory_space<vmem_shared>>
    tpu.enqueue_indirect_dma source(%dma_start3A_407 : memref<400x16xf32, #tpu.memory_space<vmem>>) target(%dma_start3A_413 : memref<50048x16xf32, #tpu.memory_space<vmem_shared>>) offsets(%dma_start3A_410 : memref<400xi32, #tpu.memory_space<vmem>>) semaphore(%arg11 : memref<!tpu.dma_semaphore, #tpu.memory_space<semaphore_mem>>) {add = true}
    %dma_wait3A_414 = arith.constant 0 : i32
    %dma_wait3A_415 = arith.constant 1 : i32
    %dma_wait3A_416 = arith.constant 0 : i32
    %dma_wait3A_417 = arith.constant 0 : i32
    %dma_wait3A_418 = tpu.memref_slice %arg8[%dma_wait3A_414, %dma_wait3A_416, %dma_wait3A_417] : memref<2x400x16xf32, #tpu.memory_space<vmem>> -> memref<1x400x16xf32, #tpu.memory_space<vmem>>
    %dma_wait3A_419 = tpu.memref_squeeze %dma_wait3A_418 : memref<1x400x16xf32, #tpu.memory_space<vmem>> -> memref<400x16xf32, #tpu.memory_space<vmem>>
    %dma_wait3A_420 = arith.constant 0 : i32
    %dma_wait3A_421 = tpu.memref_slice %arg6[%dma_wait3A_415, %dma_wait3A_420] : memref<3x400xi32, #tpu.memory_space<vmem>> -> memref<1x400xi32, #tpu.memory_space<vmem>>
    %dma_wait3A_422 = tpu.memref_squeeze %dma_wait3A_421 : memref<1x400xi32, #tpu.memory_space<vmem>> -> memref<400xi32, #tpu.memory_space<vmem>>
    %dma_wait3A_423 = arith.constant 0 : i32
    %dma_wait3A_424 = arith.constant 0 : i32
    %dma_wait3A_425 = tpu.memref_slice %arg9[%dma_wait3A_423, %dma_wait3A_424] : memref<50048x16xf32, #tpu.memory_space<vmem_shared>> -> memref<50048x16xf32, #tpu.memory_space<vmem_shared>>
    tpu.wait_indirect_dma semaphore(%arg11 : memref<!tpu.dma_semaphore, #tpu.memory_space<semaphore_mem>>) src(%dma_wait3A_419 : memref<400x16xf32, #tpu.memory_space<vmem>>) dst(%dma_wait3A_425 : memref<50048x16xf32, #tpu.memory_space<vmem_shared>>)
    %barrier3A_426 = arith.constant 0 : index
    tpu.barrier barrier_id(%barrier3A_426)
    %mul3A_427 = arith.constant 3128 : i32
    %mul3A_428 = arith.muli %arg1, %mul3A_427 : i32
    %mul3A_429 = arith.constant 3128 : i32
    %mul3A_430 = arith.muli %arg1, %mul3A_429 : i32
    "tpu.region"() ({
      %run_scoped3A = tpu.sem_alloc : memref<!tpu.dma_semaphore, #tpu.memory_space<semaphore_mem>>
      %dma_start3A_431 = arith.constant 0 : i32
      %dma_start3A_432 = tpu.memref_slice %arg5[%arg0, %mul3A_430, %dma_start3A_431] : memref<2x50048x16xf32, #tpu.memory_space<hbm>> -> memref<1x3128x16xf32, #tpu.memory_space<hbm>>
      %dma_start3A_433 = tpu.memref_squeeze %dma_start3A_432 : memref<1x3128x16xf32, #tpu.memory_space<hbm>> -> memref<3128x16xf32, #tpu.memory_space<hbm>>
      %dma_start3A_434 = arith.constant 0 : i32
      %dma_start3A_435 = tpu.memref_slice %arg9[%mul3A_428, %dma_start3A_434] : memref<50048x16xf32, #tpu.memory_space<vmem_shared>> -> memref<3128x16xf32, #tpu.memory_space<vmem_shared>>
      tpu.enqueue_dma source(%dma_start3A_435 : memref<3128x16xf32, #tpu.memory_space<vmem_shared>>) target(%dma_start3A_433 : memref<3128x16xf32, #tpu.memory_space<hbm>>) target_semaphore(%run_scoped3A : memref<!tpu.dma_semaphore, #tpu.memory_space<semaphore_mem>>)
      %dma_wait3A_436 = arith.constant 0 : i32
      %dma_wait3A_437 = tpu.memref_slice %arg5[%arg0, %mul3A_430, %dma_wait3A_436] : memref<2x50048x16xf32, #tpu.memory_space<hbm>> -> memref<1x3128x16xf32, #tpu.memory_space<hbm>>
      %dma_wait3A_438 = tpu.memref_squeeze %dma_wait3A_437 : memref<1x3128x16xf32, #tpu.memory_space<hbm>> -> memref<3128x16xf32, #tpu.memory_space<hbm>>
      %dma_wait3A_439 = arith.constant 0 : i32
      %dma_wait3A_440 = tpu.memref_slice %arg9[%mul3A_428, %dma_wait3A_439] : memref<50048x16xf32, #tpu.memory_space<vmem_shared>> -> memref<3128x16xf32, #tpu.memory_space<vmem_shared>>
      tpu.wait_dma2 semaphore(%run_scoped3A : memref<!tpu.dma_semaphore, #tpu.memory_space<semaphore_mem>>) src(%dma_wait3A_440 : memref<3128x16xf32, #tpu.memory_space<vmem_shared>>) dst(%dma_wait3A_438 : memref<3128x16xf32, #tpu.memory_space<hbm>>)
      tpu.yield
    }) : () -> ()
    return
  }
}

#map = affine_map<(d0, d1) -> (0, 0)>
#map1 = affine_map<(d0, d1) -> (0, 0, 0)>
module attributes {stable_mosaic.version = 14 : i64} {
  func.func @body(%arg0: i32, %arg1: i32, %arg2: memref<2x1600000xi32, #tpu.memory_space<hbm>>, %arg3: memref<50048x32xf32, #tpu.memory_space<hbm>>, %arg4: memref<50048x32xf32, #tpu.memory_space<hbm>>, %arg5: memref<2x50048x32xf32, #tpu.memory_space<hbm>>, %arg6: memref<2x400xi32, #tpu.memory_space<vmem>>, %arg7: memref<3x400xi32, #tpu.memory_space<vmem>>, %arg8: memref<2x400x32xf32, #tpu.memory_space<vmem>>, %arg9: memref<50048x32xf32, #tpu.memory_space<vmem_shared>>, %arg10: memref<!tpu.dma_semaphore, #tpu.memory_space<semaphore_mem>>, %arg11: memref<!tpu.dma_semaphore, #tpu.memory_space<semaphore_mem>>, %arg12: memref<!tpu.dma_semaphore, #tpu.memory_space<semaphore_mem>>) attributes {dimension_semantics = [#tpu.dimension_semantics<core_parallel>, #tpu.dimension_semantics<subcore_parallel>], iteration_bounds = array<i64: 2, 16>, scalar_prefetch = 0 : i64, scratch_operands = 7 : i64, tpu.core_type = #tpu.core_type<sc_vector_subcore>, window_params = [{transform_indices = #map}, {transform_indices = #map}, {transform_indices = #map}, {transform_indices = #map1}]} {
    %mul3A = arith.constant 16 : i32
    %mul3A_0 = arith.muli %arg0, %mul3A : i32
    %add3A = arith.addi %mul3A_0, %arg1 : i32
    %mul3A_1 = arith.constant 3128 : i32
    %mul3A_2 = arith.muli %arg1, %mul3A_1 : i32
    %mul3A_3 = arith.constant 3128 : i32
    %mul3A_4 = arith.muli %arg1, %mul3A_3 : i32
    "tpu.region"() ({
      %run_scoped3A = tpu.sem_alloc : memref<!tpu.dma_semaphore, #tpu.memory_space<semaphore_mem>>
      %dma_start3A_157 = arith.constant 0 : i32
      %dma_start3A_158 = tpu.memref_slice %arg9[%mul3A_4, %dma_start3A_157] : memref<50048x32xf32, #tpu.memory_space<vmem_shared>> -> memref<3128x32xf32, #tpu.memory_space<vmem_shared>>
      %dma_start3A_159 = arith.constant 0 : i32
      %dma_start3A_160 = tpu.memref_slice %arg4[%mul3A_2, %dma_start3A_159] : memref<50048x32xf32, #tpu.memory_space<hbm>> -> memref<3128x32xf32, #tpu.memory_space<hbm>>
      tpu.enqueue_dma source(%dma_start3A_160 : memref<3128x32xf32, #tpu.memory_space<hbm>>) target(%dma_start3A_158 : memref<3128x32xf32, #tpu.memory_space<vmem_shared>>) target_semaphore(%run_scoped3A : memref<!tpu.dma_semaphore, #tpu.memory_space<semaphore_mem>>)
      %dma_wait3A_161 = arith.constant 0 : i32
      %dma_wait3A_162 = tpu.memref_slice %arg9[%mul3A_4, %dma_wait3A_161] : memref<50048x32xf32, #tpu.memory_space<vmem_shared>> -> memref<3128x32xf32, #tpu.memory_space<vmem_shared>>
      %dma_wait3A_163 = arith.constant 0 : i32
      %dma_wait3A_164 = tpu.memref_slice %arg4[%mul3A_2, %dma_wait3A_163] : memref<50048x32xf32, #tpu.memory_space<hbm>> -> memref<3128x32xf32, #tpu.memory_space<hbm>>
      tpu.wait_dma2 semaphore(%run_scoped3A : memref<!tpu.dma_semaphore, #tpu.memory_space<semaphore_mem>>) src(%dma_wait3A_164 : memref<3128x32xf32, #tpu.memory_space<hbm>>) dst(%dma_wait3A_162 : memref<3128x32xf32, #tpu.memory_space<vmem_shared>>)
      tpu.yield
    }) : () -> ()
    %barrier3A = arith.constant 0 : index
    tpu.barrier barrier_id(%barrier3A)
    %add3A_5 = arith.constant 0 : i32
    %add3A_6 = arith.addi %add3A_5, %add3A : i32
    %mul3A_7 = arith.constant 400 : i32
    %mul3A_8 = arith.muli %add3A_6, %mul3A_7 : i32
    %dma_start3A = arith.constant 0 : i32
    %dma_start3A_9 = arith.constant 0 : i32
    %dma_start3A_10 = arith.constant 0 : i32
    %dma_start3A_11 = tpu.memref_slice %arg6[%dma_start3A_9, %dma_start3A_10] : memref<2x400xi32, #tpu.memory_space<vmem>> -> memref<1x400xi32, #tpu.memory_space<vmem>>
    %dma_start3A_12 = tpu.memref_squeeze %dma_start3A_11 : memref<1x400xi32, #tpu.memory_space<vmem>> -> memref<400xi32, #tpu.memory_space<vmem>>
    %dma_start3A_13 = tpu.memref_slice %arg2[%dma_start3A, %mul3A_8] : memref<2x1600000xi32, #tpu.memory_space<hbm>> -> memref<1x400xi32, #tpu.memory_space<hbm>>
    %dma_start3A_14 = tpu.memref_squeeze %dma_start3A_13 : memref<1x400xi32, #tpu.memory_space<hbm>> -> memref<400xi32, #tpu.memory_space<hbm>>
    %dma_start3A_15 = arith.constant 0 : i32
    %dma_start3A_16 = tpu.memref_slice %arg6[%dma_start3A_9, %dma_start3A_15] : memref<2x400xi32, #tpu.memory_space<vmem>> -> memref<1x400xi32, #tpu.memory_space<vmem>>
    %dma_start3A_17 = tpu.memref_squeeze %dma_start3A_16 : memref<1x400xi32, #tpu.memory_space<vmem>> -> memref<400xi32, #tpu.memory_space<vmem>>
    %dma_start3A_18 = tpu.memref_slice %arg2[%dma_start3A, %mul3A_8] : memref<2x1600000xi32, #tpu.memory_space<hbm>> -> memref<1x400xi32, #tpu.memory_space<hbm>>
    %dma_start3A_19 = tpu.memref_squeeze %dma_start3A_18 : memref<1x400xi32, #tpu.memory_space<hbm>> -> memref<400xi32, #tpu.memory_space<hbm>>
    tpu.enqueue_dma source(%dma_start3A_19 : memref<400xi32, #tpu.memory_space<hbm>>) target(%dma_start3A_17 : memref<400xi32, #tpu.memory_space<vmem>>) target_semaphore(%arg10 : memref<!tpu.dma_semaphore, #tpu.memory_space<semaphore_mem>>)
    %dma_start3A_20 = arith.constant 1 : i32
    %dma_start3A_21 = arith.constant 0 : i32
    %dma_start3A_22 = arith.constant 0 : i32
    %dma_start3A_23 = tpu.memref_slice %arg7[%dma_start3A_21, %dma_start3A_22] : memref<3x400xi32, #tpu.memory_space<vmem>> -> memref<1x400xi32, #tpu.memory_space<vmem>>
    %dma_start3A_24 = tpu.memref_squeeze %dma_start3A_23 : memref<1x400xi32, #tpu.memory_space<vmem>> -> memref<400xi32, #tpu.memory_space<vmem>>
    %dma_start3A_25 = tpu.memref_slice %arg2[%dma_start3A_20, %mul3A_8] : memref<2x1600000xi32, #tpu.memory_space<hbm>> -> memref<1x400xi32, #tpu.memory_space<hbm>>
    %dma_start3A_26 = tpu.memref_squeeze %dma_start3A_25 : memref<1x400xi32, #tpu.memory_space<hbm>> -> memref<400xi32, #tpu.memory_space<hbm>>
    %dma_start3A_27 = arith.constant 0 : i32
    %dma_start3A_28 = tpu.memref_slice %arg7[%dma_start3A_21, %dma_start3A_27] : memref<3x400xi32, #tpu.memory_space<vmem>> -> memref<1x400xi32, #tpu.memory_space<vmem>>
    %dma_start3A_29 = tpu.memref_squeeze %dma_start3A_28 : memref<1x400xi32, #tpu.memory_space<vmem>> -> memref<400xi32, #tpu.memory_space<vmem>>
    %dma_start3A_30 = tpu.memref_slice %arg2[%dma_start3A_20, %mul3A_8] : memref<2x1600000xi32, #tpu.memory_space<hbm>> -> memref<1x400xi32, #tpu.memory_space<hbm>>
    %dma_start3A_31 = tpu.memref_squeeze %dma_start3A_30 : memref<1x400xi32, #tpu.memory_space<hbm>> -> memref<400xi32, #tpu.memory_space<hbm>>
    tpu.enqueue_dma source(%dma_start3A_31 : memref<400xi32, #tpu.memory_space<hbm>>) target(%dma_start3A_29 : memref<400xi32, #tpu.memory_space<vmem>>) target_semaphore(%arg10 : memref<!tpu.dma_semaphore, #tpu.memory_space<semaphore_mem>>)
    %dma_wait3A = arith.constant 0 : i32
    %dma_wait3A_32 = arith.constant 0 : i32
    %dma_wait3A_33 = arith.constant 0 : i32
    %dma_wait3A_34 = tpu.memref_slice %arg6[%dma_wait3A_32, %dma_wait3A_33] : memref<2x400xi32, #tpu.memory_space<vmem>> -> memref<1x400xi32, #tpu.memory_space<vmem>>
    %dma_wait3A_35 = tpu.memref_squeeze %dma_wait3A_34 : memref<1x400xi32, #tpu.memory_space<vmem>> -> memref<400xi32, #tpu.memory_space<vmem>>
    %dma_wait3A_36 = arith.constant 0 : i32
    %dma_wait3A_37 = tpu.memref_slice %arg2[%dma_wait3A, %dma_wait3A_36] : memref<2x1600000xi32, #tpu.memory_space<hbm>> -> memref<1x400xi32, #tpu.memory_space<hbm>>
    %dma_wait3A_38 = tpu.memref_squeeze %dma_wait3A_37 : memref<1x400xi32, #tpu.memory_space<hbm>> -> memref<400xi32, #tpu.memory_space<hbm>>
    %dma_wait3A_39 = arith.constant 0 : i32
    %dma_wait3A_40 = tpu.memref_slice %arg6[%dma_wait3A_32, %dma_wait3A_39] : memref<2x400xi32, #tpu.memory_space<vmem>> -> memref<1x400xi32, #tpu.memory_space<vmem>>
    %dma_wait3A_41 = tpu.memref_squeeze %dma_wait3A_40 : memref<1x400xi32, #tpu.memory_space<vmem>> -> memref<400xi32, #tpu.memory_space<vmem>>
    %dma_wait3A_42 = arith.constant 0 : i32
    %dma_wait3A_43 = tpu.memref_slice %arg2[%dma_wait3A, %dma_wait3A_42] : memref<2x1600000xi32, #tpu.memory_space<hbm>> -> memref<1x400xi32, #tpu.memory_space<hbm>>
    %dma_wait3A_44 = tpu.memref_squeeze %dma_wait3A_43 : memref<1x400xi32, #tpu.memory_space<hbm>> -> memref<400xi32, #tpu.memory_space<hbm>>
    tpu.wait_dma2 semaphore(%arg10 : memref<!tpu.dma_semaphore, #tpu.memory_space<semaphore_mem>>) src(%dma_wait3A_44 : memref<400xi32, #tpu.memory_space<hbm>>) dst(%dma_wait3A_41 : memref<400xi32, #tpu.memory_space<vmem>>)
    %dma_wait3A_45 = arith.constant 1 : i32
    %dma_wait3A_46 = arith.constant 0 : i32
    %dma_wait3A_47 = arith.constant 0 : i32
    %dma_wait3A_48 = tpu.memref_slice %arg7[%dma_wait3A_46, %dma_wait3A_47] : memref<3x400xi32, #tpu.memory_space<vmem>> -> memref<1x400xi32, #tpu.memory_space<vmem>>
    %dma_wait3A_49 = tpu.memref_squeeze %dma_wait3A_48 : memref<1x400xi32, #tpu.memory_space<vmem>> -> memref<400xi32, #tpu.memory_space<vmem>>
    %dma_wait3A_50 = arith.constant 0 : i32
    %dma_wait3A_51 = tpu.memref_slice %arg2[%dma_wait3A_45, %dma_wait3A_50] : memref<2x1600000xi32, #tpu.memory_space<hbm>> -> memref<1x400xi32, #tpu.memory_space<hbm>>
    %dma_wait3A_52 = tpu.memref_squeeze %dma_wait3A_51 : memref<1x400xi32, #tpu.memory_space<hbm>> -> memref<400xi32, #tpu.memory_space<hbm>>
    %dma_wait3A_53 = arith.constant 0 : i32
    %dma_wait3A_54 = tpu.memref_slice %arg7[%dma_wait3A_46, %dma_wait3A_53] : memref<3x400xi32, #tpu.memory_space<vmem>> -> memref<1x400xi32, #tpu.memory_space<vmem>>
    %dma_wait3A_55 = tpu.memref_squeeze %dma_wait3A_54 : memref<1x400xi32, #tpu.memory_space<vmem>> -> memref<400xi32, #tpu.memory_space<vmem>>
    %dma_wait3A_56 = arith.constant 0 : i32
    %dma_wait3A_57 = tpu.memref_slice %arg2[%dma_wait3A_45, %dma_wait3A_56] : memref<2x1600000xi32, #tpu.memory_space<hbm>> -> memref<1x400xi32, #tpu.memory_space<hbm>>
    %dma_wait3A_58 = tpu.memref_squeeze %dma_wait3A_57 : memref<1x400xi32, #tpu.memory_space<hbm>> -> memref<400xi32, #tpu.memory_space<hbm>>
    tpu.wait_dma2 semaphore(%arg10 : memref<!tpu.dma_semaphore, #tpu.memory_space<semaphore_mem>>) src(%dma_wait3A_58 : memref<400xi32, #tpu.memory_space<hbm>>) dst(%dma_wait3A_55 : memref<400xi32, #tpu.memory_space<vmem>>)
    %dma_start3A_59 = arith.constant 0 : i32
    %dma_start3A_60 = arith.constant 0 : i32
    %dma_start3A_61 = arith.constant 0 : i32
    %dma_start3A_62 = arith.constant 0 : i32
    %dma_start3A_63 = tpu.memref_slice %arg8[%dma_start3A_60, %dma_start3A_61, %dma_start3A_62] : memref<2x400x32xf32, #tpu.memory_space<vmem>> -> memref<1x400x32xf32, #tpu.memory_space<vmem>>
    %dma_start3A_64 = tpu.memref_squeeze %dma_start3A_63 : memref<1x400x32xf32, #tpu.memory_space<vmem>> -> memref<400x32xf32, #tpu.memory_space<vmem>>
    %dma_start3A_65 = arith.constant 0 : i32
    %dma_start3A_66 = tpu.memref_slice %arg6[%dma_start3A_59, %dma_start3A_65] : memref<2x400xi32, #tpu.memory_space<vmem>> -> memref<1x400xi32, #tpu.memory_space<vmem>>
    %dma_start3A_67 = tpu.memref_squeeze %dma_start3A_66 : memref<1x400xi32, #tpu.memory_space<vmem>> -> memref<400xi32, #tpu.memory_space<vmem>>
    %dma_start3A_68 = arith.constant 0 : i32
    %dma_start3A_69 = arith.constant 0 : i32
    %dma_start3A_70 = tpu.memref_slice %arg3[%dma_start3A_68, %dma_start3A_69] : memref<50048x32xf32, #tpu.memory_space<hbm>> -> memref<50048x32xf32, #tpu.memory_space<hbm>>
    tpu.enqueue_indirect_dma source(%dma_start3A_70 : memref<50048x32xf32, #tpu.memory_space<hbm>>) target(%dma_start3A_64 : memref<400x32xf32, #tpu.memory_space<vmem>>) offsets(%dma_start3A_67 : memref<400xi32, #tpu.memory_space<vmem>>) semaphore(%arg11 : memref<!tpu.dma_semaphore, #tpu.memory_space<semaphore_mem>>)
    %add3A_71 = arith.constant 32 : i32
    %add3A_72 = arith.addi %add3A_71, %add3A : i32
    %mul3A_73 = arith.constant 400 : i32
    %mul3A_74 = arith.muli %add3A_72, %mul3A_73 : i32
    %dma_start3A_75 = arith.constant 0 : i32
    %dma_start3A_76 = arith.constant 1 : i32
    %dma_start3A_77 = arith.constant 0 : i32
    %dma_start3A_78 = tpu.memref_slice %arg6[%dma_start3A_76, %dma_start3A_77] : memref<2x400xi32, #tpu.memory_space<vmem>> -> memref<1x400xi32, #tpu.memory_space<vmem>>
    %dma_start3A_79 = tpu.memref_squeeze %dma_start3A_78 : memref<1x400xi32, #tpu.memory_space<vmem>> -> memref<400xi32, #tpu.memory_space<vmem>>
    %dma_start3A_80 = tpu.memref_slice %arg2[%dma_start3A_75, %mul3A_74] : memref<2x1600000xi32, #tpu.memory_space<hbm>> -> memref<1x400xi32, #tpu.memory_space<hbm>>
    %dma_start3A_81 = tpu.memref_squeeze %dma_start3A_80 : memref<1x400xi32, #tpu.memory_space<hbm>> -> memref<400xi32, #tpu.memory_space<hbm>>
    %dma_start3A_82 = arith.constant 0 : i32
    %dma_start3A_83 = tpu.memref_slice %arg6[%dma_start3A_76, %dma_start3A_82] : memref<2x400xi32, #tpu.memory_space<vmem>> -> memref<1x400xi32, #tpu.memory_space<vmem>>
    %dma_start3A_84 = tpu.memref_squeeze %dma_start3A_83 : memref<1x400xi32, #tpu.memory_space<vmem>> -> memref<400xi32, #tpu.memory_space<vmem>>
    %dma_start3A_85 = tpu.memref_slice %arg2[%dma_start3A_75, %mul3A_74] : memref<2x1600000xi32, #tpu.memory_space<hbm>> -> memref<1x400xi32, #tpu.memory_space<hbm>>
    %dma_start3A_86 = tpu.memref_squeeze %dma_start3A_85 : memref<1x400xi32, #tpu.memory_space<hbm>> -> memref<400xi32, #tpu.memory_space<hbm>>
    tpu.enqueue_dma source(%dma_start3A_86 : memref<400xi32, #tpu.memory_space<hbm>>) target(%dma_start3A_84 : memref<400xi32, #tpu.memory_space<vmem>>) target_semaphore(%arg10 : memref<!tpu.dma_semaphore, #tpu.memory_space<semaphore_mem>>)
    %dma_start3A_87 = arith.constant 1 : i32
    %dma_start3A_88 = arith.constant 1 : i32
    %dma_start3A_89 = arith.constant 0 : i32
    %dma_start3A_90 = tpu.memref_slice %arg7[%dma_start3A_88, %dma_start3A_89] : memref<3x400xi32, #tpu.memory_space<vmem>> -> memref<1x400xi32, #tpu.memory_space<vmem>>
    %dma_start3A_91 = tpu.memref_squeeze %dma_start3A_90 : memref<1x400xi32, #tpu.memory_space<vmem>> -> memref<400xi32, #tpu.memory_space<vmem>>
    %dma_start3A_92 = tpu.memref_slice %arg2[%dma_start3A_87, %mul3A_74] : memref<2x1600000xi32, #tpu.memory_space<hbm>> -> memref<1x400xi32, #tpu.memory_space<hbm>>
    %dma_start3A_93 = tpu.memref_squeeze %dma_start3A_92 : memref<1x400xi32, #tpu.memory_space<hbm>> -> memref<400xi32, #tpu.memory_space<hbm>>
    %dma_start3A_94 = arith.constant 0 : i32
    %dma_start3A_95 = tpu.memref_slice %arg7[%dma_start3A_88, %dma_start3A_94] : memref<3x400xi32, #tpu.memory_space<vmem>> -> memref<1x400xi32, #tpu.memory_space<vmem>>
    %dma_start3A_96 = tpu.memref_squeeze %dma_start3A_95 : memref<1x400xi32, #tpu.memory_space<vmem>> -> memref<400xi32, #tpu.memory_space<vmem>>
    %dma_start3A_97 = tpu.memref_slice %arg2[%dma_start3A_87, %mul3A_74] : memref<2x1600000xi32, #tpu.memory_space<hbm>> -> memref<1x400xi32, #tpu.memory_space<hbm>>
    %dma_start3A_98 = tpu.memref_squeeze %dma_start3A_97 : memref<1x400xi32, #tpu.memory_space<hbm>> -> memref<400xi32, #tpu.memory_space<hbm>>
    tpu.enqueue_dma source(%dma_start3A_98 : memref<400xi32, #tpu.memory_space<hbm>>) target(%dma_start3A_96 : memref<400xi32, #tpu.memory_space<vmem>>) target_semaphore(%arg10 : memref<!tpu.dma_semaphore, #tpu.memory_space<semaphore_mem>>)
    %scan3A = arith.constant 0 : i32
    %scan3A_99 = arith.constant 0 : i32
    %scan3A_100 = arith.constant 124 : i32
    %scan3A_101 = arith.addi %scan3A_99, %scan3A_100 : i32
    %scan3A_102 = arith.constant 1 : i32
    scf.for %scan3A_157 = %scan3A_99 to %scan3A_101 step %scan3A_102  : i32 {
      %rem3A = arith.constant 2 : i32
      %rem3A_158 = arith.remsi %scan3A_157, %rem3A : i32
      %add3A_159 = arith.constant 1 : i32
      %add3A_160 = arith.addi %scan3A_157, %add3A_159 : i32
      %rem3A_161 = arith.constant 2 : i32
      %rem3A_162 = arith.remsi %add3A_160, %rem3A_161 : i32
      %rem3A_163 = arith.constant 3 : i32
      %rem3A_164 = arith.remsi %scan3A_157, %rem3A_163 : i32
      %add3A_165 = arith.constant 1 : i32
      %add3A_166 = arith.addi %scan3A_157, %add3A_165 : i32
      %rem3A_167 = arith.constant 3 : i32
      %rem3A_168 = arith.remsi %add3A_166, %rem3A_167 : i32
      %add3A_169 = arith.constant 2 : i32
      %add3A_170 = arith.addi %scan3A_157, %add3A_169 : i32
      %rem3A_171 = arith.constant 3 : i32
      %rem3A_172 = arith.remsi %add3A_170, %rem3A_171 : i32
      %dma_wait3A_173 = arith.constant 0 : i32
      %dma_wait3A_174 = arith.constant 0 : i32
      %dma_wait3A_175 = tpu.memref_slice %arg8[%rem3A_158, %dma_wait3A_173, %dma_wait3A_174] : memref<2x400x32xf32, #tpu.memory_space<vmem>> -> memref<1x400x32xf32, #tpu.memory_space<vmem>>
      %dma_wait3A_176 = tpu.memref_squeeze %dma_wait3A_175 : memref<1x400x32xf32, #tpu.memory_space<vmem>> -> memref<400x32xf32, #tpu.memory_space<vmem>>
      %dma_wait3A_177 = arith.constant 0 : i32
      %dma_wait3A_178 = tpu.memref_slice %arg6[%rem3A_158, %dma_wait3A_177] : memref<2x400xi32, #tpu.memory_space<vmem>> -> memref<1x400xi32, #tpu.memory_space<vmem>>
      %dma_wait3A_179 = tpu.memref_squeeze %dma_wait3A_178 : memref<1x400xi32, #tpu.memory_space<vmem>> -> memref<400xi32, #tpu.memory_space<vmem>>
      %dma_wait3A_180 = arith.constant 0 : i32
      %dma_wait3A_181 = arith.constant 0 : i32
      %dma_wait3A_182 = tpu.memref_slice %arg3[%dma_wait3A_180, %dma_wait3A_181] : memref<50048x32xf32, #tpu.memory_space<hbm>> -> memref<50048x32xf32, #tpu.memory_space<hbm>>
      tpu.wait_indirect_dma semaphore(%arg11 : memref<!tpu.dma_semaphore, #tpu.memory_space<semaphore_mem>>) src(%dma_wait3A_182 : memref<50048x32xf32, #tpu.memory_space<hbm>>) dst(%dma_wait3A_176 : memref<400x32xf32, #tpu.memory_space<vmem>>)
      %ge3A = arith.constant 1 : i32
      %ge3A_183 = arith.cmpi sge, %scan3A_157, %ge3A : i32
      %convert_element_type3A = arith.extui %ge3A_183 : i1 to i32
      %cond3A = arith.constant 0 : i32
      %cond3A_184 = arith.cmpi ne, %convert_element_type3A, %cond3A : i32
      scf.if %cond3A_184 {
        %dma_wait3A_237 = arith.constant 0 : i32
        %dma_wait3A_238 = arith.constant 0 : i32
        %dma_wait3A_239 = tpu.memref_slice %arg8[%rem3A_162, %dma_wait3A_237, %dma_wait3A_238] : memref<2x400x32xf32, #tpu.memory_space<vmem>> -> memref<1x400x32xf32, #tpu.memory_space<vmem>>
        %dma_wait3A_240 = tpu.memref_squeeze %dma_wait3A_239 : memref<1x400x32xf32, #tpu.memory_space<vmem>> -> memref<400x32xf32, #tpu.memory_space<vmem>>
        %dma_wait3A_241 = arith.constant 0 : i32
        %dma_wait3A_242 = tpu.memref_slice %arg7[%rem3A_172, %dma_wait3A_241] : memref<3x400xi32, #tpu.memory_space<vmem>> -> memref<1x400xi32, #tpu.memory_space<vmem>>
        %dma_wait3A_243 = tpu.memref_squeeze %dma_wait3A_242 : memref<1x400xi32, #tpu.memory_space<vmem>> -> memref<400xi32, #tpu.memory_space<vmem>>
        %dma_wait3A_244 = arith.constant 0 : i32
        %dma_wait3A_245 = arith.constant 0 : i32
        %dma_wait3A_246 = tpu.memref_slice %arg9[%dma_wait3A_244, %dma_wait3A_245] : memref<50048x32xf32, #tpu.memory_space<vmem_shared>> -> memref<50048x32xf32, #tpu.memory_space<vmem_shared>>
        tpu.wait_indirect_dma semaphore(%arg12 : memref<!tpu.dma_semaphore, #tpu.memory_space<semaphore_mem>>) src(%dma_wait3A_240 : memref<400x32xf32, #tpu.memory_space<vmem>>) dst(%dma_wait3A_246 : memref<50048x32xf32, #tpu.memory_space<vmem_shared>>)
      } else {
      }
      %dma_start3A_185 = arith.constant 0 : i32
      %dma_start3A_186 = arith.constant 0 : i32
      %dma_start3A_187 = tpu.memref_slice %arg8[%rem3A_158, %dma_start3A_185, %dma_start3A_186] : memref<2x400x32xf32, #tpu.memory_space<vmem>> -> memref<1x400x32xf32, #tpu.memory_space<vmem>>
      %dma_start3A_188 = tpu.memref_squeeze %dma_start3A_187 : memref<1x400x32xf32, #tpu.memory_space<vmem>> -> memref<400x32xf32, #tpu.memory_space<vmem>>
      %dma_start3A_189 = arith.constant 0 : i32
      %dma_start3A_190 = tpu.memref_slice %arg7[%rem3A_164, %dma_start3A_189] : memref<3x400xi32, #tpu.memory_space<vmem>> -> memref<1x400xi32, #tpu.memory_space<vmem>>
      %dma_start3A_191 = tpu.memref_squeeze %dma_start3A_190 : memref<1x400xi32, #tpu.memory_space<vmem>> -> memref<400xi32, #tpu.memory_space<vmem>>
      %dma_start3A_192 = arith.constant 0 : i32
      %dma_start3A_193 = arith.constant 0 : i32
      %dma_start3A_194 = tpu.memref_slice %arg9[%dma_start3A_192, %dma_start3A_193] : memref<50048x32xf32, #tpu.memory_space<vmem_shared>> -> memref<50048x32xf32, #tpu.memory_space<vmem_shared>>
      tpu.enqueue_indirect_dma source(%dma_start3A_188 : memref<400x32xf32, #tpu.memory_space<vmem>>) target(%dma_start3A_194 : memref<50048x32xf32, #tpu.memory_space<vmem_shared>>) offsets(%dma_start3A_191 : memref<400xi32, #tpu.memory_space<vmem>>) semaphore(%arg12 : memref<!tpu.dma_semaphore, #tpu.memory_space<semaphore_mem>>) {add = true}
      %dma_wait3A_195 = arith.constant 0 : i32
      %dma_wait3A_196 = arith.constant 0 : i32
      %dma_wait3A_197 = tpu.memref_slice %arg6[%rem3A_162, %dma_wait3A_196] : memref<2x400xi32, #tpu.memory_space<vmem>> -> memref<1x400xi32, #tpu.memory_space<vmem>>
      %dma_wait3A_198 = tpu.memref_squeeze %dma_wait3A_197 : memref<1x400xi32, #tpu.memory_space<vmem>> -> memref<400xi32, #tpu.memory_space<vmem>>
      %dma_wait3A_199 = arith.constant 0 : i32
      %dma_wait3A_200 = tpu.memref_slice %arg2[%dma_wait3A_195, %dma_wait3A_199] : memref<2x1600000xi32, #tpu.memory_space<hbm>> -> memref<1x400xi32, #tpu.memory_space<hbm>>
      %dma_wait3A_201 = tpu.memref_squeeze %dma_wait3A_200 : memref<1x400xi32, #tpu.memory_space<hbm>> -> memref<400xi32, #tpu.memory_space<hbm>>
      %dma_wait3A_202 = arith.constant 0 : i32
      %dma_wait3A_203 = tpu.memref_slice %arg6[%rem3A_162, %dma_wait3A_202] : memref<2x400xi32, #tpu.memory_space<vmem>> -> memref<1x400xi32, #tpu.memory_space<vmem>>
      %dma_wait3A_204 = tpu.memref_squeeze %dma_wait3A_203 : memref<1x400xi32, #tpu.memory_space<vmem>> -> memref<400xi32, #tpu.memory_space<vmem>>
      %dma_wait3A_205 = arith.constant 0 : i32
      %dma_wait3A_206 = tpu.memref_slice %arg2[%dma_wait3A_195, %dma_wait3A_205] : memref<2x1600000xi32, #tpu.memory_space<hbm>> -> memref<1x400xi32, #tpu.memory_space<hbm>>
      %dma_wait3A_207 = tpu.memref_squeeze %dma_wait3A_206 : memref<1x400xi32, #tpu.memory_space<hbm>> -> memref<400xi32, #tpu.memory_space<hbm>>
      tpu.wait_dma2 semaphore(%arg10 : memref<!tpu.dma_semaphore, #tpu.memory_space<semaphore_mem>>) src(%dma_wait3A_207 : memref<400xi32, #tpu.memory_space<hbm>>) dst(%dma_wait3A_204 : memref<400xi32, #tpu.memory_space<vmem>>)
      %dma_wait3A_208 = arith.constant 1 : i32
      %dma_wait3A_209 = arith.constant 0 : i32
      %dma_wait3A_210 = tpu.memref_slice %arg7[%rem3A_168, %dma_wait3A_209] : memref<3x400xi32, #tpu.memory_space<vmem>> -> memref<1x400xi32, #tpu.memory_space<vmem>>
      %dma_wait3A_211 = tpu.memref_squeeze %dma_wait3A_210 : memref<1x400xi32, #tpu.memory_space<vmem>> -> memref<400xi32, #tpu.memory_space<vmem>>
      %dma_wait3A_212 = arith.constant 0 : i32
      %dma_wait3A_213 = tpu.memref_slice %arg2[%dma_wait3A_208, %dma_wait3A_212] : memref<2x1600000xi32, #tpu.memory_space<hbm>> -> memref<1x400xi32, #tpu.memory_space<hbm>>
      %dma_wait3A_214 = tpu.memref_squeeze %dma_wait3A_213 : memref<1x400xi32, #tpu.memory_space<hbm>> -> memref<400xi32, #tpu.memory_space<hbm>>
      %dma_wait3A_215 = arith.constant 0 : i32
      %dma_wait3A_216 = tpu.memref_slice %arg7[%rem3A_168, %dma_wait3A_215] : memref<3x400xi32, #tpu.memory_space<vmem>> -> memref<1x400xi32, #tpu.memory_space<vmem>>
      %dma_wait3A_217 = tpu.memref_squeeze %dma_wait3A_216 : memref<1x400xi32, #tpu.memory_space<vmem>> -> memref<400xi32, #tpu.memory_space<vmem>>
      %dma_wait3A_218 = arith.constant 0 : i32
      %dma_wait3A_219 = tpu.memref_slice %arg2[%dma_wait3A_208, %dma_wait3A_218] : memref<2x1600000xi32, #tpu.memory_space<hbm>> -> memref<1x400xi32, #tpu.memory_space<hbm>>
      %dma_wait3A_220 = tpu.memref_squeeze %dma_wait3A_219 : memref<1x400xi32, #tpu.memory_space<hbm>> -> memref<400xi32, #tpu.memory_space<hbm>>
      tpu.wait_dma2 semaphore(%arg10 : memref<!tpu.dma_semaphore, #tpu.memory_space<semaphore_mem>>) src(%dma_wait3A_220 : memref<400xi32, #tpu.memory_space<hbm>>) dst(%dma_wait3A_217 : memref<400xi32, #tpu.memory_space<vmem>>)
      %dma_start3A_221 = arith.constant 0 : i32
      %dma_start3A_222 = arith.constant 0 : i32
      %dma_start3A_223 = tpu.memref_slice %arg8[%rem3A_162, %dma_start3A_221, %dma_start3A_222] : memref<2x400x32xf32, #tpu.memory_space<vmem>> -> memref<1x400x32xf32, #tpu.memory_space<vmem>>
      %dma_start3A_224 = tpu.memref_squeeze %dma_start3A_223 : memref<1x400x32xf32, #tpu.memory_space<vmem>> -> memref<400x32xf32, #tpu.memory_space<vmem>>
      %dma_start3A_225 = arith.constant 0 : i32
      %dma_start3A_226 = tpu.memref_slice %arg6[%rem3A_162, %dma_start3A_225] : memref<2x400xi32, #tpu.memory_space<vmem>> -> memref<1x400xi32, #tpu.memory_space<vmem>>
      %dma_start3A_227 = tpu.memref_squeeze %dma_start3A_226 : memref<1x400xi32, #tpu.memory_space<vmem>> -> memref<400xi32, #tpu.memory_space<vmem>>
      %dma_start3A_228 = arith.constant 0 : i32
      %dma_start3A_229 = arith.constant 0 : i32
      %dma_start3A_230 = tpu.memref_slice %arg3[%dma_start3A_228, %dma_start3A_229] : memref<50048x32xf32, #tpu.memory_space<hbm>> -> memref<50048x32xf32, #tpu.memory_space<hbm>>
      tpu.enqueue_indirect_dma source(%dma_start3A_230 : memref<50048x32xf32, #tpu.memory_space<hbm>>) target(%dma_start3A_224 : memref<400x32xf32, #tpu.memory_space<vmem>>) offsets(%dma_start3A_227 : memref<400xi32, #tpu.memory_space<vmem>>) semaphore(%arg11 : memref<!tpu.dma_semaphore, #tpu.memory_space<semaphore_mem>>)
      %add3A_231 = arith.constant 2 : i32
      %add3A_232 = arith.addi %scan3A_157, %add3A_231 : i32
      %le3A = arith.constant 124 : i32
      %le3A_233 = arith.cmpi sle, %add3A_232, %le3A : i32
      %convert_element_type3A_234 = arith.extui %le3A_233 : i1 to i32
      %cond3A_235 = arith.constant 0 : i32
      %cond3A_236 = arith.cmpi ne, %convert_element_type3A_234, %cond3A_235 : i32
      scf.if %cond3A_236 {
        %add3A_237 = arith.constant 2 : i32
        %add3A_238 = arith.addi %scan3A_157, %add3A_237 : i32
        %mul3A_239 = arith.constant 32 : i32
        %mul3A_240 = arith.muli %add3A_238, %mul3A_239 : i32
        %add3A_241 = arith.addi %mul3A_240, %add3A : i32
        %mul3A_242 = arith.constant 400 : i32
        %mul3A_243 = arith.muli %add3A_241, %mul3A_242 : i32
        %dma_start3A_244 = arith.constant 0 : i32
        %dma_start3A_245 = arith.constant 0 : i32
        %dma_start3A_246 = tpu.memref_slice %arg6[%rem3A_158, %dma_start3A_245] : memref<2x400xi32, #tpu.memory_space<vmem>> -> memref<1x400xi32, #tpu.memory_space<vmem>>
        %dma_start3A_247 = tpu.memref_squeeze %dma_start3A_246 : memref<1x400xi32, #tpu.memory_space<vmem>> -> memref<400xi32, #tpu.memory_space<vmem>>
        %dma_start3A_248 = tpu.memref_slice %arg2[%dma_start3A_244, %mul3A_243] : memref<2x1600000xi32, #tpu.memory_space<hbm>> -> memref<1x400xi32, #tpu.memory_space<hbm>>
        %dma_start3A_249 = tpu.memref_squeeze %dma_start3A_248 : memref<1x400xi32, #tpu.memory_space<hbm>> -> memref<400xi32, #tpu.memory_space<hbm>>
        %dma_start3A_250 = arith.constant 0 : i32
        %dma_start3A_251 = tpu.memref_slice %arg6[%rem3A_158, %dma_start3A_250] : memref<2x400xi32, #tpu.memory_space<vmem>> -> memref<1x400xi32, #tpu.memory_space<vmem>>
        %dma_start3A_252 = tpu.memref_squeeze %dma_start3A_251 : memref<1x400xi32, #tpu.memory_space<vmem>> -> memref<400xi32, #tpu.memory_space<vmem>>
        %dma_start3A_253 = tpu.memref_slice %arg2[%dma_start3A_244, %mul3A_243] : memref<2x1600000xi32, #tpu.memory_space<hbm>> -> memref<1x400xi32, #tpu.memory_space<hbm>>
        %dma_start3A_254 = tpu.memref_squeeze %dma_start3A_253 : memref<1x400xi32, #tpu.memory_space<hbm>> -> memref<400xi32, #tpu.memory_space<hbm>>
        tpu.enqueue_dma source(%dma_start3A_254 : memref<400xi32, #tpu.memory_space<hbm>>) target(%dma_start3A_252 : memref<400xi32, #tpu.memory_space<vmem>>) target_semaphore(%arg10 : memref<!tpu.dma_semaphore, #tpu.memory_space<semaphore_mem>>)
        %dma_start3A_255 = arith.constant 1 : i32
        %dma_start3A_256 = arith.constant 0 : i32
        %dma_start3A_257 = tpu.memref_slice %arg7[%rem3A_172, %dma_start3A_256] : memref<3x400xi32, #tpu.memory_space<vmem>> -> memref<1x400xi32, #tpu.memory_space<vmem>>
        %dma_start3A_258 = tpu.memref_squeeze %dma_start3A_257 : memref<1x400xi32, #tpu.memory_space<vmem>> -> memref<400xi32, #tpu.memory_space<vmem>>
        %dma_start3A_259 = tpu.memref_slice %arg2[%dma_start3A_255, %mul3A_243] : memref<2x1600000xi32, #tpu.memory_space<hbm>> -> memref<1x400xi32, #tpu.memory_space<hbm>>
        %dma_start3A_260 = tpu.memref_squeeze %dma_start3A_259 : memref<1x400xi32, #tpu.memory_space<hbm>> -> memref<400xi32, #tpu.memory_space<hbm>>
        %dma_start3A_261 = arith.constant 0 : i32
        %dma_start3A_262 = tpu.memref_slice %arg7[%rem3A_172, %dma_start3A_261] : memref<3x400xi32, #tpu.memory_space<vmem>> -> memref<1x400xi32, #tpu.memory_space<vmem>>
        %dma_start3A_263 = tpu.memref_squeeze %dma_start3A_262 : memref<1x400xi32, #tpu.memory_space<vmem>> -> memref<400xi32, #tpu.memory_space<vmem>>
        %dma_start3A_264 = tpu.memref_slice %arg2[%dma_start3A_255, %mul3A_243] : memref<2x1600000xi32, #tpu.memory_space<hbm>> -> memref<1x400xi32, #tpu.memory_space<hbm>>
        %dma_start3A_265 = tpu.memref_squeeze %dma_start3A_264 : memref<1x400xi32, #tpu.memory_space<hbm>> -> memref<400xi32, #tpu.memory_space<hbm>>
        tpu.enqueue_dma source(%dma_start3A_265 : memref<400xi32, #tpu.memory_space<hbm>>) target(%dma_start3A_263 : memref<400xi32, #tpu.memory_space<vmem>>) target_semaphore(%arg10 : memref<!tpu.dma_semaphore, #tpu.memory_space<semaphore_mem>>)
      } else {
      }
    }
    %scan3A_103 = arith.constant 124 : i32
    %dma_wait3A_104 = arith.constant 0 : i32
    %dma_wait3A_105 = arith.constant 0 : i32
    %dma_wait3A_106 = arith.constant 0 : i32
    %dma_wait3A_107 = arith.constant 0 : i32
    %dma_wait3A_108 = tpu.memref_slice %arg8[%dma_wait3A_105, %dma_wait3A_106, %dma_wait3A_107] : memref<2x400x32xf32, #tpu.memory_space<vmem>> -> memref<1x400x32xf32, #tpu.memory_space<vmem>>
    %dma_wait3A_109 = tpu.memref_squeeze %dma_wait3A_108 : memref<1x400x32xf32, #tpu.memory_space<vmem>> -> memref<400x32xf32, #tpu.memory_space<vmem>>
    %dma_wait3A_110 = arith.constant 0 : i32
    %dma_wait3A_111 = tpu.memref_slice %arg6[%dma_wait3A_104, %dma_wait3A_110] : memref<2x400xi32, #tpu.memory_space<vmem>> -> memref<1x400xi32, #tpu.memory_space<vmem>>
    %dma_wait3A_112 = tpu.memref_squeeze %dma_wait3A_111 : memref<1x400xi32, #tpu.memory_space<vmem>> -> memref<400xi32, #tpu.memory_space<vmem>>
    %dma_wait3A_113 = arith.constant 0 : i32
    %dma_wait3A_114 = arith.constant 0 : i32
    %dma_wait3A_115 = tpu.memref_slice %arg3[%dma_wait3A_113, %dma_wait3A_114] : memref<50048x32xf32, #tpu.memory_space<hbm>> -> memref<50048x32xf32, #tpu.memory_space<hbm>>
    tpu.wait_indirect_dma semaphore(%arg11 : memref<!tpu.dma_semaphore, #tpu.memory_space<semaphore_mem>>) src(%dma_wait3A_115 : memref<50048x32xf32, #tpu.memory_space<hbm>>) dst(%dma_wait3A_109 : memref<400x32xf32, #tpu.memory_space<vmem>>)
    %dma_wait3A_116 = arith.constant 1 : i32
    %dma_wait3A_117 = arith.constant 0 : i32
    %dma_wait3A_118 = arith.constant 0 : i32
    %dma_wait3A_119 = arith.constant 0 : i32
    %dma_wait3A_120 = tpu.memref_slice %arg8[%dma_wait3A_116, %dma_wait3A_118, %dma_wait3A_119] : memref<2x400x32xf32, #tpu.memory_space<vmem>> -> memref<1x400x32xf32, #tpu.memory_space<vmem>>
    %dma_wait3A_121 = tpu.memref_squeeze %dma_wait3A_120 : memref<1x400x32xf32, #tpu.memory_space<vmem>> -> memref<400x32xf32, #tpu.memory_space<vmem>>
    %dma_wait3A_122 = arith.constant 0 : i32
    %dma_wait3A_123 = tpu.memref_slice %arg7[%dma_wait3A_117, %dma_wait3A_122] : memref<3x400xi32, #tpu.memory_space<vmem>> -> memref<1x400xi32, #tpu.memory_space<vmem>>
    %dma_wait3A_124 = tpu.memref_squeeze %dma_wait3A_123 : memref<1x400xi32, #tpu.memory_space<vmem>> -> memref<400xi32, #tpu.memory_space<vmem>>
    %dma_wait3A_125 = arith.constant 0 : i32
    %dma_wait3A_126 = arith.constant 0 : i32
    %dma_wait3A_127 = tpu.memref_slice %arg9[%dma_wait3A_125, %dma_wait3A_126] : memref<50048x32xf32, #tpu.memory_space<vmem_shared>> -> memref<50048x32xf32, #tpu.memory_space<vmem_shared>>
    tpu.wait_indirect_dma semaphore(%arg12 : memref<!tpu.dma_semaphore, #tpu.memory_space<semaphore_mem>>) src(%dma_wait3A_121 : memref<400x32xf32, #tpu.memory_space<vmem>>) dst(%dma_wait3A_127 : memref<50048x32xf32, #tpu.memory_space<vmem_shared>>)
    %dma_start3A_128 = arith.constant 0 : i32
    %dma_start3A_129 = arith.constant 1 : i32
    %dma_start3A_130 = arith.constant 0 : i32
    %dma_start3A_131 = arith.constant 0 : i32
    %dma_start3A_132 = tpu.memref_slice %arg8[%dma_start3A_128, %dma_start3A_130, %dma_start3A_131] : memref<2x400x32xf32, #tpu.memory_space<vmem>> -> memref<1x400x32xf32, #tpu.memory_space<vmem>>
    %dma_start3A_133 = tpu.memref_squeeze %dma_start3A_132 : memref<1x400x32xf32, #tpu.memory_space<vmem>> -> memref<400x32xf32, #tpu.memory_space<vmem>>
    %dma_start3A_134 = arith.constant 0 : i32
    %dma_start3A_135 = tpu.memref_slice %arg7[%dma_start3A_129, %dma_start3A_134] : memref<3x400xi32, #tpu.memory_space<vmem>> -> memref<1x400xi32, #tpu.memory_space<vmem>>
    %dma_start3A_136 = tpu.memref_squeeze %dma_start3A_135 : memref<1x400xi32, #tpu.memory_space<vmem>> -> memref<400xi32, #tpu.memory_space<vmem>>
    %dma_start3A_137 = arith.constant 0 : i32
    %dma_start3A_138 = arith.constant 0 : i32
    %dma_start3A_139 = tpu.memref_slice %arg9[%dma_start3A_137, %dma_start3A_138] : memref<50048x32xf32, #tpu.memory_space<vmem_shared>> -> memref<50048x32xf32, #tpu.memory_space<vmem_shared>>
    tpu.enqueue_indirect_dma source(%dma_start3A_133 : memref<400x32xf32, #tpu.memory_space<vmem>>) target(%dma_start3A_139 : memref<50048x32xf32, #tpu.memory_space<vmem_shared>>) offsets(%dma_start3A_136 : memref<400xi32, #tpu.memory_space<vmem>>) semaphore(%arg12 : memref<!tpu.dma_semaphore, #tpu.memory_space<semaphore_mem>>) {add = true}
    %dma_wait3A_140 = arith.constant 0 : i32
    %dma_wait3A_141 = arith.constant 1 : i32
    %dma_wait3A_142 = arith.constant 0 : i32
    %dma_wait3A_143 = arith.constant 0 : i32
    %dma_wait3A_144 = tpu.memref_slice %arg8[%dma_wait3A_140, %dma_wait3A_142, %dma_wait3A_143] : memref<2x400x32xf32, #tpu.memory_space<vmem>> -> memref<1x400x32xf32, #tpu.memory_space<vmem>>
    %dma_wait3A_145 = tpu.memref_squeeze %dma_wait3A_144 : memref<1x400x32xf32, #tpu.memory_space<vmem>> -> memref<400x32xf32, #tpu.memory_space<vmem>>
    %dma_wait3A_146 = arith.constant 0 : i32
    %dma_wait3A_147 = tpu.memref_slice %arg7[%dma_wait3A_141, %dma_wait3A_146] : memref<3x400xi32, #tpu.memory_space<vmem>> -> memref<1x400xi32, #tpu.memory_space<vmem>>
    %dma_wait3A_148 = tpu.memref_squeeze %dma_wait3A_147 : memref<1x400xi32, #tpu.memory_space<vmem>> -> memref<400xi32, #tpu.memory_space<vmem>>
    %dma_wait3A_149 = arith.constant 0 : i32
    %dma_wait3A_150 = arith.constant 0 : i32
    %dma_wait3A_151 = tpu.memref_slice %arg9[%dma_wait3A_149, %dma_wait3A_150] : memref<50048x32xf32, #tpu.memory_space<vmem_shared>> -> memref<50048x32xf32, #tpu.memory_space<vmem_shared>>
    tpu.wait_indirect_dma semaphore(%arg12 : memref<!tpu.dma_semaphore, #tpu.memory_space<semaphore_mem>>) src(%dma_wait3A_145 : memref<400x32xf32, #tpu.memory_space<vmem>>) dst(%dma_wait3A_151 : memref<50048x32xf32, #tpu.memory_space<vmem_shared>>)
    %barrier3A_152 = arith.constant 0 : index
    tpu.barrier barrier_id(%barrier3A_152)
    %mul3A_153 = arith.constant 3128 : i32
    %mul3A_154 = arith.muli %arg1, %mul3A_153 : i32
    %mul3A_155 = arith.constant 3128 : i32
    %mul3A_156 = arith.muli %arg1, %mul3A_155 : i32
    "tpu.region"() ({
      %run_scoped3A = tpu.sem_alloc : memref<!tpu.dma_semaphore, #tpu.memory_space<semaphore_mem>>
      %dma_start3A_157 = arith.constant 0 : i32
      %dma_start3A_158 = tpu.memref_slice %arg5[%arg0, %mul3A_156, %dma_start3A_157] : memref<2x50048x32xf32, #tpu.memory_space<hbm>> -> memref<1x3128x32xf32, #tpu.memory_space<hbm>>
      %dma_start3A_159 = tpu.memref_squeeze %dma_start3A_158 : memref<1x3128x32xf32, #tpu.memory_space<hbm>> -> memref<3128x32xf32, #tpu.memory_space<hbm>>
      %dma_start3A_160 = arith.constant 0 : i32
      %dma_start3A_161 = tpu.memref_slice %arg9[%mul3A_154, %dma_start3A_160] : memref<50048x32xf32, #tpu.memory_space<vmem_shared>> -> memref<3128x32xf32, #tpu.memory_space<vmem_shared>>
      tpu.enqueue_dma source(%dma_start3A_161 : memref<3128x32xf32, #tpu.memory_space<vmem_shared>>) target(%dma_start3A_159 : memref<3128x32xf32, #tpu.memory_space<hbm>>) target_semaphore(%run_scoped3A : memref<!tpu.dma_semaphore, #tpu.memory_space<semaphore_mem>>)
      %dma_wait3A_162 = arith.constant 0 : i32
      %dma_wait3A_163 = tpu.memref_slice %arg5[%arg0, %mul3A_156, %dma_wait3A_162] : memref<2x50048x32xf32, #tpu.memory_space<hbm>> -> memref<1x3128x32xf32, #tpu.memory_space<hbm>>
      %dma_wait3A_164 = tpu.memref_squeeze %dma_wait3A_163 : memref<1x3128x32xf32, #tpu.memory_space<hbm>> -> memref<3128x32xf32, #tpu.memory_space<hbm>>
      %dma_wait3A_165 = arith.constant 0 : i32
      %dma_wait3A_166 = tpu.memref_slice %arg9[%mul3A_154, %dma_wait3A_165] : memref<50048x32xf32, #tpu.memory_space<vmem_shared>> -> memref<3128x32xf32, #tpu.memory_space<vmem_shared>>
      tpu.wait_dma2 semaphore(%run_scoped3A : memref<!tpu.dma_semaphore, #tpu.memory_space<semaphore_mem>>) src(%dma_wait3A_166 : memref<3128x32xf32, #tpu.memory_space<vmem_shared>>) dst(%dma_wait3A_164 : memref<3128x32xf32, #tpu.memory_space<hbm>>)
      tpu.yield
    }) : () -> ()
    return
  }
}

module attributes {stable_mosaic.version = 14 : i64} {
  func.func @_pre_body(%arg0: i32, %arg1: memref<5000x25xf32, #tpu.memory_space<vmem>>, %arg2: memref<25x32xf32, #tpu.memory_space<vmem>>, %arg3: memref<1x32xf32, #tpu.memory_space<vmem>>, %arg4: memref<32x32xf32, #tpu.memory_space<vmem>>, %arg5: memref<5000x32xf32, #tpu.memory_space<vmem>>) attributes {dimension_semantics = [#tpu.dimension_semantics<arbitrary>], iteration_bounds = array<i64: 10>, scalar_prefetch = 0 : i64, scratch_operands = 0 : i64, tpu.core_type = #tpu.core_type<tc>, window_params = [{transform_indices = @transform_0, window_bounds = array<i64: 5000, 25>}, {pipeline_mode = #tpu.pipeline_mode<synchronous>, transform_indices = @transform_1, window_bounds = array<i64: 25, 32>}, {pipeline_mode = #tpu.pipeline_mode<synchronous>, transform_indices = @transform_2, window_bounds = array<i64: 1, 32>}, {pipeline_mode = #tpu.pipeline_mode<synchronous>, transform_indices = @transform_3, window_bounds = array<i64: 32, 32>}, {transform_indices = @transform_4, window_bounds = array<i64: 5000, 32>}]} {
    %get3A = arith.constant 0 : index
    %get3A_0 = arith.constant 0 : index
    %get3A_1 = vector.load %arg1[%get3A, %get3A_0] : memref<5000x25xf32, #tpu.memory_space<vmem>>, vector<5000x25xf32>
    %get3A_2 = arith.constant 0 : index
    %get3A_3 = arith.constant 0 : index
    %get3A_4 = vector.load %arg2[%get3A_2, %get3A_3] : memref<25x32xf32, #tpu.memory_space<vmem>>, vector<25x32xf32>
    %dot_general3A = arith.constant dense<0.000000e+00> : vector<5000x32xf32>
    %dot_general3A_5 = tpu.matmul %get3A_1, %get3A_4, %dot_general3A {dimension_numbers = #tpu.dot_dimension_numbers<[1], [0], [0], [1], [0, 0, 1, 1], [], []>, transpose_lhs_hint = false} : vector<5000x25xf32>, vector<25x32xf32>, vector<5000x32xf32> -> vector<5000x32xf32>
    %get3A_6 = arith.constant 0 : index
    %get3A_7 = arith.constant 0 : index
    %get3A_8 = vector.load %arg3[%get3A_6, %get3A_7] : memref<1x32xf32, #tpu.memory_space<vmem>>, vector<1x32xf32>
    %add3A = vector.broadcast %get3A_8 : vector<1x32xf32> to vector<5000x32xf32>
    %add3A_9 = arith.addf %dot_general3A_5, %add3A : vector<5000x32xf32>
    %max3A = arith.constant 0.000000e+00 : f32
    %max3A_10 = vector.broadcast %max3A : f32 to vector<5000x32xf32>
    %max3A_11 = arith.maximumf %add3A_9, %max3A_10 : vector<5000x32xf32>
    %get3A_12 = arith.constant 0 : index
    %get3A_13 = arith.constant 0 : index
    %get3A_14 = vector.load %arg4[%get3A_12, %get3A_13] : memref<32x32xf32, #tpu.memory_space<vmem>>, vector<32x32xf32>
    %dot_general3A_15 = arith.constant dense<0.000000e+00> : vector<5000x32xf32>
    %dot_general3A_16 = tpu.matmul %max3A_11, %get3A_14, %dot_general3A_15 {dimension_numbers = #tpu.dot_dimension_numbers<[1], [0], [0], [1], [0, 0, 1, 1], [], []>, transpose_lhs_hint = false} : vector<5000x32xf32>, vector<32x32xf32>, vector<5000x32xf32> -> vector<5000x32xf32>
    %swap3A = arith.constant 0 : index
    %swap3A_17 = arith.constant 0 : index
    %swap3A_18 = vector.load %arg5[%swap3A, %swap3A_17] : memref<5000x32xf32, #tpu.memory_space<vmem>>, vector<5000x32xf32>
    tpu.vector_store %arg5[%swap3A, %swap3A_17], %dot_general3A_16 {strides = array<i32>} : memref<5000x32xf32, #tpu.memory_space<vmem>>, vector<5000x32xf32>,
    return
  }
  func.func @transform_0(%arg0: i32) -> (i32, i32) {
    %c0_i32 = arith.constant 0 : i32
    %c0_i32_0 = arith.constant 0 : i32
    return %arg0, %c0_i32 : i32, i32
  }
  func.func @transform_1(%arg0: i32) -> (i32, i32) {
    %c0_i32 = arith.constant 0 : i32
    %c0_i32_0 = arith.constant 0 : i32
    %c0_i32_1 = arith.constant 0 : i32
    return %c0_i32, %c0_i32_0 : i32, i32
  }
  func.func @transform_2(%arg0: i32) -> (i32, i32) {
    %c0_i32 = arith.constant 0 : i32
    %c0_i32_0 = arith.constant 0 : i32
    %c0_i32_1 = arith.constant 0 : i32
    return %c0_i32, %c0_i32_0 : i32, i32
  }
  func.func @transform_3(%arg0: i32) -> (i32, i32) {
    %c0_i32 = arith.constant 0 : i32
    %c0_i32_0 = arith.constant 0 : i32
    %c0_i32_1 = arith.constant 0 : i32
    return %c0_i32, %c0_i32_0 : i32, i32
  }
  func.func @transform_4(%arg0: i32) -> (i32, i32) {
    %c0_i32 = arith.constant 0 : i32
    %c0_i32_0 = arith.constant 0 : i32
    return %arg0, %c0_i32 : i32, i32
  }
}

module attributes {stable_mosaic.version = 14 : i64} {
  func.func @_comb1_body(%arg0: i32, %arg1: memref<2x5000x32xf32, #tpu.memory_space<vmem>>, %arg2: memref<5000x32xf32, #tpu.memory_space<vmem>>, %arg3: memref<2x5000x1xf32, #tpu.memory_space<vmem>>, %arg4: memref<1x32xf32, #tpu.memory_space<vmem>>, %arg5: memref<1x32xf32, #tpu.memory_space<vmem>>, %arg6: memref<32x32xf32, #tpu.memory_space<vmem>>, %arg7: memref<5000x32xf32, #tpu.memory_space<vmem>>) attributes {dimension_semantics = [#tpu.dimension_semantics<arbitrary>], iteration_bounds = array<i64: 10>, scalar_prefetch = 0 : i64, scratch_operands = 0 : i64, tpu.core_type = #tpu.core_type<tc>, window_params = [{transform_indices = @transform_0, window_bounds = array<i64: 2, 5000, 32>}, {transform_indices = @transform_1, window_bounds = array<i64: 5000, 32>}, {transform_indices = @transform_2, window_bounds = array<i64: 2, 5000, 1>}, {pipeline_mode = #tpu.pipeline_mode<synchronous>, transform_indices = @transform_3, window_bounds = array<i64: 1, 32>}, {pipeline_mode = #tpu.pipeline_mode<synchronous>, transform_indices = @transform_4, window_bounds = array<i64: 1, 32>}, {pipeline_mode = #tpu.pipeline_mode<synchronous>, transform_indices = @transform_5, window_bounds = array<i64: 32, 32>}, {transform_indices = @transform_6, window_bounds = array<i64: 5000, 32>}]} {
    %get3A = arith.constant 0 : index
    %get3A_0 = arith.constant 0 : index
    %get3A_1 = arith.constant 0 : index
    %get3A_2 = vector.load %arg3[%get3A, %get3A_0, %get3A_1] : memref<2x5000x1xf32, #tpu.memory_space<vmem>>, vector<1x5000x1xf32>
    %get3A_3 = vector.shape_cast %get3A_2 : vector<1x5000x1xf32> to vector<5000xf32>
    %get3A_4 = arith.constant 1 : index
    %get3A_5 = arith.constant 0 : index
    %get3A_6 = arith.constant 0 : index
    %get3A_7 = vector.load %arg3[%get3A_4, %get3A_5, %get3A_6] : memref<2x5000x1xf32, #tpu.memory_space<vmem>>, vector<1x5000x1xf32>
    %get3A_8 = vector.shape_cast %get3A_7 : vector<1x5000x1xf32> to vector<5000xf32>
    %add3A = arith.addf %get3A_3, %get3A_8 : vector<5000xf32>
    %get3A_9 = arith.constant 0 : index
    %get3A_10 = arith.constant 0 : index
    %get3A_11 = arith.constant 0 : index
    %get3A_12 = vector.load %arg1[%get3A_9, %get3A_10, %get3A_11] : memref<2x5000x32xf32, #tpu.memory_space<vmem>>, vector<1x5000x32xf32>
    %get3A_13 = vector.shape_cast %get3A_12 : vector<1x5000x32xf32> to vector<5000x32xf32>
    %get3A_14 = arith.constant 1 : index
    %get3A_15 = arith.constant 0 : index
    %get3A_16 = arith.constant 0 : index
    %get3A_17 = vector.load %arg1[%get3A_14, %get3A_15, %get3A_16] : memref<2x5000x32xf32, #tpu.memory_space<vmem>>, vector<1x5000x32xf32>
    %get3A_18 = vector.shape_cast %get3A_17 : vector<1x5000x32xf32> to vector<5000x32xf32>
    %add3A_19 = arith.addf %get3A_13, %get3A_18 : vector<5000x32xf32>
    %get3A_20 = arith.constant 0 : index
    %get3A_21 = arith.constant 0 : index
    %get3A_22 = vector.load %arg2[%get3A_20, %get3A_21] : memref<5000x32xf32, #tpu.memory_space<vmem>>, vector<5000x32xf32>
    %add3A_23 = arith.addf %add3A_19, %get3A_22 : vector<5000x32xf32>
    %broadcast_in_dim3A = vector.shape_cast %add3A : vector<5000xf32> to vector<5000x1xf32>
    %get3A_24 = arith.constant 0 : index
    %get3A_25 = arith.constant 0 : index
    %get3A_26 = vector.load %arg4[%get3A_24, %get3A_25] : memref<1x32xf32, #tpu.memory_space<vmem>>, vector<1x32xf32>
    %mul3A = vector.broadcast %broadcast_in_dim3A : vector<5000x1xf32> to vector<5000x32xf32>
    %mul3A_27 = vector.broadcast %get3A_26 : vector<1x32xf32> to vector<5000x32xf32>
    %mul3A_28 = arith.mulf %mul3A, %mul3A_27 : vector<5000x32xf32>
    %add3A_29 = arith.addf %add3A_23, %mul3A_28 : vector<5000x32xf32>
    %get3A_30 = arith.constant 0 : index
    %get3A_31 = arith.constant 0 : index
    %get3A_32 = vector.load %arg5[%get3A_30, %get3A_31] : memref<1x32xf32, #tpu.memory_space<vmem>>, vector<1x32xf32>
    %add3A_33 = vector.broadcast %get3A_32 : vector<1x32xf32> to vector<5000x32xf32>
    %add3A_34 = arith.addf %add3A_29, %add3A_33 : vector<5000x32xf32>
    %max3A = arith.constant 0.000000e+00 : f32
    %max3A_35 = vector.broadcast %max3A : f32 to vector<5000x32xf32>
    %max3A_36 = arith.maximumf %add3A_34, %max3A_35 : vector<5000x32xf32>
    %get3A_37 = arith.constant 0 : index
    %get3A_38 = arith.constant 0 : index
    %get3A_39 = vector.load %arg6[%get3A_37, %get3A_38] : memref<32x32xf32, #tpu.memory_space<vmem>>, vector<32x32xf32>
    %dot_general3A = arith.constant dense<0.000000e+00> : vector<5000x32xf32>
    %dot_general3A_40 = tpu.matmul %max3A_36, %get3A_39, %dot_general3A {dimension_numbers = #tpu.dot_dimension_numbers<[1], [0], [0], [1], [0, 0, 1, 1], [], []>, transpose_lhs_hint = false} : vector<5000x32xf32>, vector<32x32xf32>, vector<5000x32xf32> -> vector<5000x32xf32>
    %swap3A = arith.constant 0 : index
    %swap3A_41 = arith.constant 0 : index
    %swap3A_42 = vector.load %arg7[%swap3A, %swap3A_41] : memref<5000x32xf32, #tpu.memory_space<vmem>>, vector<5000x32xf32>
    tpu.vector_store %arg7[%swap3A, %swap3A_41], %dot_general3A_40 {strides = array<i32>} : memref<5000x32xf32, #tpu.memory_space<vmem>>, vector<5000x32xf32>,
    return
  }
  func.func @transform_0(%arg0: i32) -> (i32, i32, i32) {
    %c0_i32 = arith.constant 0 : i32
    %c0_i32_0 = arith.constant 0 : i32
    %c0_i32_1 = arith.constant 0 : i32
    return %c0_i32, %arg0, %c0_i32_0 : i32, i32, i32
  }
  func.func @transform_1(%arg0: i32) -> (i32, i32) {
    %c0_i32 = arith.constant 0 : i32
    %c0_i32_0 = arith.constant 0 : i32
    return %arg0, %c0_i32 : i32, i32
  }
  func.func @transform_2(%arg0: i32) -> (i32, i32, i32) {
    %c0_i32 = arith.constant 0 : i32
    %c0_i32_0 = arith.constant 0 : i32
    %c0_i32_1 = arith.constant 0 : i32
    return %c0_i32, %arg0, %c0_i32_0 : i32, i32, i32
  }
  func.func @transform_3(%arg0: i32) -> (i32, i32) {
    %c0_i32 = arith.constant 0 : i32
    %c0_i32_0 = arith.constant 0 : i32
    %c0_i32_1 = arith.constant 0 : i32
    return %c0_i32, %c0_i32_0 : i32, i32
  }
  func.func @transform_4(%arg0: i32) -> (i32, i32) {
    %c0_i32 = arith.constant 0 : i32
    %c0_i32_0 = arith.constant 0 : i32
    %c0_i32_1 = arith.constant 0 : i32
    return %c0_i32, %c0_i32_0 : i32, i32
  }
  func.func @transform_5(%arg0: i32) -> (i32, i32) {
    %c0_i32 = arith.constant 0 : i32
    %c0_i32_0 = arith.constant 0 : i32
    %c0_i32_1 = arith.constant 0 : i32
    return %c0_i32, %c0_i32_0 : i32, i32
  }
  func.func @transform_6(%arg0: i32) -> (i32, i32) {
    %c0_i32 = arith.constant 0 : i32
    %c0_i32_0 = arith.constant 0 : i32
    return %arg0, %c0_i32 : i32, i32
  }
}

module attributes {stable_mosaic.version = 14 : i64} {
  func.func @_comb2_body(%arg0: i32, %arg1: memref<2x5000x32xf32, #tpu.memory_space<vmem>>, %arg2: memref<5000x32xf32, #tpu.memory_space<vmem>>, %arg3: memref<2x5000x1xf32, #tpu.memory_space<vmem>>, %arg4: memref<1x32xf32, #tpu.memory_space<vmem>>, %arg5: memref<1x32xf32, #tpu.memory_space<vmem>>, %arg6: memref<1x32xf32, #tpu.memory_space<vmem>>, %arg7: memref<1x1xf32, #tpu.memory_space<vmem>>, %arg8: memref<1x1xf32, #tpu.memory_space<vmem>>, %arg9: memref<1x32xf32, #tpu.memory_space<vmem>>) attributes {dimension_semantics = [#tpu.dimension_semantics<arbitrary>], iteration_bounds = array<i64: 10>, scalar_prefetch = 0 : i64, scratch_operands = 1 : i64, tpu.core_type = #tpu.core_type<tc>, window_params = [{transform_indices = @transform_0, window_bounds = array<i64: 2, 5000, 32>}, {transform_indices = @transform_1, window_bounds = array<i64: 5000, 32>}, {transform_indices = @transform_2, window_bounds = array<i64: 2, 5000, 1>}, {pipeline_mode = #tpu.pipeline_mode<synchronous>, transform_indices = @transform_3, window_bounds = array<i64: 1, 32>}, {pipeline_mode = #tpu.pipeline_mode<synchronous>, transform_indices = @transform_4, window_bounds = array<i64: 1, 32>}, {pipeline_mode = #tpu.pipeline_mode<synchronous>, transform_indices = @transform_5, window_bounds = array<i64: 1, 32>}, {pipeline_mode = #tpu.pipeline_mode<synchronous>, transform_indices = @transform_6, window_bounds = array<i64: 1, 1>}, {pipeline_mode = #tpu.pipeline_mode<synchronous>, transform_indices = @transform_7, window_bounds = array<i64: 1, 1>}]} {
    %eq3A = arith.constant 0 : i32
    %eq3A_0 = arith.cmpi eq, %arg0, %eq3A : i32
    %convert_element_type3A = arith.extui %eq3A_0 : i1 to i32
    %cond3A = arith.constant 0 : i32
    %cond3A_1 = arith.cmpi ne, %convert_element_type3A, %cond3A : i32
    scf.if %cond3A_1 {
      %broadcast_in_dim3A_52 = arith.constant 0.000000e+00 : f32
      %broadcast_in_dim3A_53 = vector.broadcast %broadcast_in_dim3A_52 : f32 to vector<1x32xf32>
      %swap3A_54 = arith.constant 0 : index
      %swap3A_55 = arith.constant 0 : index
      %swap3A_56 = vector.load %arg9[%swap3A_54, %swap3A_55] : memref<1x32xf32, #tpu.memory_space<vmem>>, vector<1x32xf32>
      tpu.vector_store %arg9[%swap3A_54, %swap3A_55], %broadcast_in_dim3A_53 {strides = array<i32>} : memref<1x32xf32, #tpu.memory_space<vmem>>, vector<1x32xf32>,
    } else {
    }
    %get3A = arith.constant 0 : index
    %get3A_2 = arith.constant 0 : index
    %get3A_3 = arith.constant 0 : index
    %get3A_4 = vector.load %arg3[%get3A, %get3A_2, %get3A_3] : memref<2x5000x1xf32, #tpu.memory_space<vmem>>, vector<1x5000x1xf32>
    %get3A_5 = vector.shape_cast %get3A_4 : vector<1x5000x1xf32> to vector<5000xf32>
    %get3A_6 = arith.constant 1 : index
    %get3A_7 = arith.constant 0 : index
    %get3A_8 = arith.constant 0 : index
    %get3A_9 = vector.load %arg3[%get3A_6, %get3A_7, %get3A_8] : memref<2x5000x1xf32, #tpu.memory_space<vmem>>, vector<1x5000x1xf32>
    %get3A_10 = vector.shape_cast %get3A_9 : vector<1x5000x1xf32> to vector<5000xf32>
    %add3A = arith.addf %get3A_5, %get3A_10 : vector<5000xf32>
    %get3A_11 = arith.constant 0 : index
    %get3A_12 = arith.constant 0 : index
    %get3A_13 = arith.constant 0 : index
    %get3A_14 = vector.load %arg1[%get3A_11, %get3A_12, %get3A_13] : memref<2x5000x32xf32, #tpu.memory_space<vmem>>, vector<1x5000x32xf32>
    %get3A_15 = vector.shape_cast %get3A_14 : vector<1x5000x32xf32> to vector<5000x32xf32>
    %get3A_16 = arith.constant 1 : index
    %get3A_17 = arith.constant 0 : index
    %get3A_18 = arith.constant 0 : index
    %get3A_19 = vector.load %arg1[%get3A_16, %get3A_17, %get3A_18] : memref<2x5000x32xf32, #tpu.memory_space<vmem>>, vector<1x5000x32xf32>
    %get3A_20 = vector.shape_cast %get3A_19 : vector<1x5000x32xf32> to vector<5000x32xf32>
    %add3A_21 = arith.addf %get3A_15, %get3A_20 : vector<5000x32xf32>
    %get3A_22 = arith.constant 0 : index
    %get3A_23 = arith.constant 0 : index
    %get3A_24 = vector.load %arg2[%get3A_22, %get3A_23] : memref<5000x32xf32, #tpu.memory_space<vmem>>, vector<5000x32xf32>
    %add3A_25 = arith.addf %add3A_21, %get3A_24 : vector<5000x32xf32>
    %broadcast_in_dim3A = vector.shape_cast %add3A : vector<5000xf32> to vector<5000x1xf32>
    %get3A_26 = arith.constant 0 : index
    %get3A_27 = arith.constant 0 : index
    %get3A_28 = vector.load %arg4[%get3A_26, %get3A_27] : memref<1x32xf32, #tpu.memory_space<vmem>>, vector<1x32xf32>
    %mul3A = vector.broadcast %broadcast_in_dim3A : vector<5000x1xf32> to vector<5000x32xf32>
    %mul3A_29 = vector.broadcast %get3A_28 : vector<1x32xf32> to vector<5000x32xf32>
    %mul3A_30 = arith.mulf %mul3A, %mul3A_29 : vector<5000x32xf32>
    %add3A_31 = arith.addf %add3A_25, %mul3A_30 : vector<5000x32xf32>
    %get3A_32 = arith.constant 0 : index
    %get3A_33 = arith.constant 0 : index
    %get3A_34 = vector.load %arg5[%get3A_32, %get3A_33] : memref<1x32xf32, #tpu.memory_space<vmem>>, vector<1x32xf32>
    %add3A_35 = vector.broadcast %get3A_34 : vector<1x32xf32> to vector<5000x32xf32>
    %add3A_36 = arith.addf %add3A_31, %add3A_35 : vector<5000x32xf32>
    %max3A = arith.constant 0.000000e+00 : f32
    %max3A_37 = vector.broadcast %max3A : f32 to vector<5000x32xf32>
    %max3A_38 = arith.maximumf %add3A_36, %max3A_37 : vector<5000x32xf32>
    %get3A_39 = arith.constant 0 : index
    %get3A_40 = arith.constant 0 : index
    %get3A_41 = vector.load %arg9[%get3A_39, %get3A_40] : memref<1x32xf32, #tpu.memory_space<vmem>>, vector<1x32xf32>
    %reduce_sum3A = arith.constant dense<0.000000e+00> : vector<32xf32>
    %reduce_sum3A_42 = vector.multi_reduction <add>, %max3A_38, %reduce_sum3A [0] : vector<5000x32xf32> to vector<32xf32>
    %broadcast_in_dim3A_43 = vector.shape_cast %reduce_sum3A_42 : vector<32xf32> to vector<1x32xf32>
    %add3A_44 = arith.addf %get3A_41, %broadcast_in_dim3A_43 : vector<1x32xf32>
    %swap3A = arith.constant 0 : index
    %swap3A_45 = arith.constant 0 : index
    %swap3A_46 = vector.load %arg9[%swap3A, %swap3A_45] : memref<1x32xf32, #tpu.memory_space<vmem>>, vector<1x32xf32>
    tpu.vector_store %arg9[%swap3A, %swap3A_45], %add3A_44 {strides = array<i32>} : memref<1x32xf32, #tpu.memory_space<vmem>>, vector<1x32xf32>,
    %eq3A_47 = arith.constant 9 : i32
    %eq3A_48 = arith.cmpi eq, %arg0, %eq3A_47 : i32
    %convert_element_type3A_49 = arith.extui %eq3A_48 : i1 to i32
    %cond3A_50 = arith.constant 0 : i32
    %cond3A_51 = arith.cmpi ne, %convert_element_type3A_49, %cond3A_50 : i32
    scf.if %cond3A_51 {
      %get3A_52 = arith.constant 0 : index
      %get3A_53 = arith.constant 0 : index
      %get3A_54 = vector.load %arg9[%get3A_52, %get3A_53] : memref<1x32xf32, #tpu.memory_space<vmem>>, vector<1x32xf32>
      %mul3A_55 = arith.constant 2.000000e-05 : f32
      %mul3A_56 = vector.broadcast %mul3A_55 : f32 to vector<1x32xf32>
      %mul3A_57 = arith.mulf %get3A_54, %mul3A_56 : vector<1x32xf32>
      %get3A_58 = arith.constant 0 : index
      %get3A_59 = arith.constant 0 : index
      %get3A_60 = vector.load %arg6[%get3A_58, %get3A_59] : memref<1x32xf32, #tpu.memory_space<vmem>>, vector<1x32xf32>
      %mul3A_61 = arith.mulf %mul3A_57, %get3A_60 : vector<1x32xf32>
      %reduce_sum3A_62 = arith.constant dense<0.000000e+00> : vector<1xf32>
      %reduce_sum3A_63 = vector.multi_reduction <add>, %mul3A_61, %reduce_sum3A_62 [1] : vector<1x32xf32> to vector<1xf32>
      %broadcast_in_dim3A_64 = vector.shape_cast %reduce_sum3A_63 : vector<1xf32> to vector<1x1xf32>
      %get3A_65 = arith.constant 0 : index
      %get3A_66 = arith.constant 0 : index
      %get3A_67 = vector.load %arg7[%get3A_65, %get3A_66] : memref<1x1xf32, #tpu.memory_space<vmem>>, vector<1x1xf32>
      %add3A_68 = arith.addf %broadcast_in_dim3A_64, %get3A_67 : vector<1x1xf32>
      %swap3A_69 = arith.constant 0 : index
      %swap3A_70 = arith.constant 0 : index
      %swap3A_71 = vector.load %arg8[%swap3A_69, %swap3A_70] : memref<1x1xf32, #tpu.memory_space<vmem>>, vector<1x1xf32>
      tpu.vector_store %arg8[%swap3A_69, %swap3A_70], %add3A_68 {strides = array<i32>} : memref<1x1xf32, #tpu.memory_space<vmem>>, vector<1x1xf32>,
    } else {
    }
    return
  }
  func.func @transform_0(%arg0: i32) -> (i32, i32, i32) {
    %c0_i32 = arith.constant 0 : i32
    %c0_i32_0 = arith.constant 0 : i32
    %c0_i32_1 = arith.constant 0 : i32
    return %c0_i32, %arg0, %c0_i32_0 : i32, i32, i32
  }
  func.func @transform_1(%arg0: i32) -> (i32, i32) {
    %c0_i32 = arith.constant 0 : i32
    %c0_i32_0 = arith.constant 0 : i32
    return %arg0, %c0_i32 : i32, i32
  }
  func.func @transform_2(%arg0: i32) -> (i32, i32, i32) {
    %c0_i32 = arith.constant 0 : i32
    %c0_i32_0 = arith.constant 0 : i32
    %c0_i32_1 = arith.constant 0 : i32
    return %c0_i32, %arg0, %c0_i32_0 : i32, i32, i32
  }
  func.func @transform_3(%arg0: i32) -> (i32, i32) {
    %c0_i32 = arith.constant 0 : i32
    %c0_i32_0 = arith.constant 0 : i32
    %c0_i32_1 = arith.constant 0 : i32
    return %c0_i32, %c0_i32_0 : i32, i32
  }
  func.func @transform_4(%arg0: i32) -> (i32, i32) {
    %c0_i32 = arith.constant 0 : i32
    %c0_i32_0 = arith.constant 0 : i32
    %c0_i32_1 = arith.constant 0 : i32
    return %c0_i32, %c0_i32_0 : i32, i32
  }
  func.func @transform_5(%arg0: i32) -> (i32, i32) {
    %c0_i32 = arith.constant 0 : i32
    %c0_i32_0 = arith.constant 0 : i32
    %c0_i32_1 = arith.constant 0 : i32
    return %c0_i32, %c0_i32_0 : i32, i32
  }
  func.func @transform_6(%arg0: i32) -> (i32, i32) {
    %c0_i32 = arith.constant 0 : i32
    %c0_i32_0 = arith.constant 0 : i32
    %c0_i32_1 = arith.constant 0 : i32
    return %c0_i32, %c0_i32_0 : i32, i32
  }
  func.func @transform_7(%arg0: i32) -> (i32, i32) {
    %c0_i32 = arith.constant 0 : i32
    %c0_i32_0 = arith.constant 0 : i32
    %c0_i32_1 = arith.constant 0 : i32
    return %c0_i32, %c0_i32_0 : i32, i32
  }
}

</mosaic_0001>

<sc_bundles>
// kernel: kernel.11.cloned.1.call-start
scs
__scs_entry_jumppad:
0x0: {  	(pc) =	sbr.rel $0x88, $3  }
0x1: {  	(tag) =	ssettag $0x0;
	lr =	simm.s32 $0x1  }
0x2: {  	[smem:$0x3F90] =	sst lr;
	_ =	strace $0xD0000000  }
0x3: {  	_ = 	snop  }
0x4: {  	_ = 	snop  }
0x5: {  	_ = 	snop  }
0x6: {  	_ = 	snop  }
0x7: {  	_ = 	snop  }
__scs_overlays_trampoline_lowered:
0x8: {  	[smem:$0x3F9F] =	sst s0  }
0x9: {  	[smem:$0x3FA0] =	sst s1  }
0xa: {  	[smem:$0x3FA1] =	sst s2  }
0xb: {  	[smem:$0x3FA2] =	sst s3  }
0xc: {  	[smem:$0x3FA3] =	sst s4  }
0xd: {  	[smem:$0x3FA4] =	sst s5  }
0xe: {  	[smem:$0x3FA5] =	sst s6  }
0xf: {  	[smem:$0x3FA6] =	sst s7  }
0x10: {  	[smem:$0x3FA7] =	sst s8  }
0x11: {  	[smem:$0x3FA8] =	sst s9;
	s0 =	simm.s32 @!p0 $0x0  }
0x12: {  	s1 =	sld [smem:$0x3F8E];
	s0 =	simm.s32 @p0 $0x1  }
0x13: {  	[smem:$0x3FA9] =	sst s0;
	s0 =	simm.s32 @!p1 $0x0  }
0x14: {  	s2 =	sld [smem:$0x3F8D];
	s0 =	simm.s32 @p1 $0x1  }
0x15: {  	[smem:$0x3FAA] =	sst s0;
	s0 =	simm.s32 @!p2 $0x0  }
0x16: {  	s3 =	sld [smem:$0x3FDB];
	s0 =	simm.s32 @p2 $0x1  }
0x17: {  	s4 =	simm.s32 $0x1BF5;
	[smem:$0x3FAC] =	sst s0  }
0x18: {  	s0 =	sld [smem:$0x3F8F];
	_ =	swait.ge [sflag:s4], $0x0  }
0x19: {  	s7 =	sld [smem:$0x3F90]  }
0x1a: {  	s8 =	sadd.s32 $0xFFFFE003, lr  }
0x1b: {  	s9 =	sadd.s32 $0xFFFFFEF7, lr;
	s5 =	simm.s32 $0xFFFFFFFF;
	p2 =	slt.u32 s8, $0xFFFFF086  }
0x1c: {  	p1 =	slt.u32 s9, $0xF7A;
	s5 =	simm.s32 @!p2 $0x0  }
0x1d: {  	s5 =	simm.s32 @p1 $0x1;
	p0 =	seq.s32 s7, s2  }
0x1e: {  	s7 =	smul.u32 @!p0 $0xF7A, s2;
	p2 =	seq.s32 @!p0 s5, $0x0  }
0x1f: {  	s9 =	smul.u32 $0xF7A, s1;
	s8 =	simm.s32 @!p0 $0x1BF5;
	p2 =	por !p2, p0  }
0x20: {  	[sflag:s8] =	ssyncset.s32 @!p0 $0xFFFFF086;
	s6 =	sadd.s32 @!p0 s3, s7;
	s7 =	simm.s32 @!p0 $0x108  }
0x21: {  	s3 =	sadd.s32 s3, s9;
	s6 =	sadd.s32 @!p0 $0x88, s6;
	s7 =	simm.s32 @p2 $0x1082  }
0x22: {  	[simem:s7], [sflag:s8] =	dma.local @!p0 [hbm:s6], $0xF7A  }
0x23: {  	s9 =	sor.u32 $0xD0000000, s2;
	s6 =	simm.s32 $0x108;
	_ =	swait.ge @!p0 [sflag:s8], $0x0  }
0x24: {  	s3 =	sadd.s32 $0x88, s3;
	s6 =	simm.s32 @!p1 $0x1082;
	[sflag:s4] =	ssyncset.s32 $0xFFFFF086  }
0x25: {  	[simem:s6], [sflag:s4] =	dma.local [hbm:s3], $0xF7A  }
0x26: {  	[smem:$0x3F90] =	sst s1;
	(tag) =	ssettag s2;
	_ =	strace s9  }
0x27: {  	s1 =	sld [smem:$0x3FA0]  }
0x28: {  	s2 =	sld [smem:$0x3FA1]  }
0x29: {  	s4 =	sld [smem:$0x3FA3]  }
0x2a: {  	p0 =	seq.s32 s5, $0x0;
	s5 =	sld [smem:$0x3FA4]  }
0x2b: {  	s6 =	sld [smem:$0x3FA5]  }
0x2c: {  	s7 =	sld [smem:$0x3FA6]  }
0x2d: {  	s3 =	simm.s32 $0x108;
	s8 =	sld [smem:$0x3FA7]  }
0x2e: {  	s3 =	simm.s32 @!p0 $0x1082;
	s9 =	sld [smem:$0x3FA8]  }
0x2f: {  	lr =	sadd.s32 s0, s3;
	s0 =	sld [smem:$0x3F9F]  }
0x30: {  	s3 =	sld [smem:$0x3FA2]  }
0x31: {  	[smem:$0x3FAB] =	sst s10  }
0x32: {  	s10 =	sld [smem:$0x3FA9];
	_ =	sdelay $0x3  }
0x33: {  	p0 =	seq.s32 s10, $0x1;
	s10 =	sld [smem:$0x3FAB];
	_ =	sdelay $0x3  }
0x34: {  	[smem:$0x3FAB] =	sst s10  }
0x35: {  	s10 =	sld [smem:$0x3FAA];
	_ =	sdelay $0x3  }
0x36: {  	p1 =	seq.s32 s10, $0x1;
	s10 =	sld [smem:$0x3FAB];
	_ =	sdelay $0x3  }
0x37: {  	[smem:$0x3FAB] =	sst s10  }
0x38: {  	s10 =	sld [smem:$0x3FAC]  }
0x39: {  	_ = 	snop;
	(pc) =	sbr.ind lr, $3  }
0x3a: {  	_ = 	snop  }
0x3b: {  	_ = 	snop  }
0x3c: {  	p2 =	seq.s32 s10, $0x1;
	s10 =	sld [smem:$0x3FAB]  }
0x3d: {  	_ =	shalt  }
0x3e: {  	_ =	shalt  }
0x3f: {  	_ =	shalt  }
0x40: {  	_ =	shalt  }
0x41: {  	_ =	shalt  }
0x42: {  	_ =	shalt  }
0x43: {  	_ =	shalt  }
0x44: {  	_ =	shalt  }
0x45: {  	_ =	shalt  }
0x46: {  	_ =	shalt  }
0x47: {  	_ =	shalt  }
0x48: {  	_ =	shalt  }
0x49: {  	_ =	shalt  }
0x4a: {  	_ =	shalt  }
0x4b: {  	_ =	shalt  }
0x4c: {  	_ =	shalt  }
0x4d: {  	_ =	shalt  }
0x4e: {  	_ =	shalt  }
0x4f: {  	_ =	shalt  }
0x50: {  	_ =	shalt  }
0x51: {  	_ =	shalt  }
0x52: {  	_ =	shalt  }
0x53: {  	_ =	shalt  }
0x54: {  	_ =	shalt  }
0x55: {  	_ =	shalt  }
0x56: {  	_ =	shalt  }
0x57: {  	_ =	shalt  }
0x58: {  	_ =	shalt  }
0x59: {  	_ =	shalt  }
0x5a: {  	_ =	shalt  }
0x5b: {  	_ =	shalt  }
0x5c: {  	_ =	shalt  }
0x5d: {  	_ =	shalt  }
0x5e: {  	_ =	shalt  }
0x5f: {  	_ =	shalt  }
0x60: {  	_ =	shalt  }
0x61: {  	_ =	shalt  }
0x62: {  	_ =	shalt  }
0x63: {  	_ =	shalt  }
0x64: {  	_ =	shalt  }
0x65: {  	_ =	shalt  }
0x66: {  	_ =	shalt  }
0x67: {  	_ =	shalt  }
0x68: {  	_ =	shalt  }
0x69: {  	_ =	shalt  }
0x6a: {  	_ =	shalt  }
0x6b: {  	_ =	shalt  }
0x6c: {  	_ =	shalt  }
0x6d: {  	_ =	shalt  }
0x6e: {  	_ =	shalt  }
0x6f: {  	_ =	shalt  }
0x70: {  	_ =	shalt  }
0x71: {  	_ =	shalt  }
0x72: {  	_ =	shalt  }
0x73: {  	_ =	shalt  }
0x74: {  	_ =	shalt  }
0x75: {  	_ =	shalt  }
0x76: {  	_ =	shalt  }
0x77: {  	_ =	shalt  }
0x78: {  	_ =	shalt  }
0x79: {  	_ =	shalt  }
0x7a: {  	_ =	shalt  }
0x7b: {  	_ =	shalt  }
0x7c: {  	_ =	shalt  }
0x7d: {  	_ =	shalt  }
0x7e: {  	_ =	shalt  }
0x7f: {  	_ =	shalt  }
0x80: {  	_ =	shalt  }
0x81: {  	_ =	shalt  }
0x82: {  	_ =	shalt  }
0x83: {  	_ =	shalt  }
0x84: {  	_ =	shalt  }
0x85: {  	_ =	shalt  }
0x86: {  	_ =	shalt  }
0x87: {  	_ =	shalt  }
.Lfunc_end0:
.L_simem_size_0:
called_computation.1_lowered:
.L_overlay_start_0:
0x88: {  	s2 =	sld [smem:$0x3FD9]  }
0x89: {  	s3 =	sld [smem:$0x3FFE];
	_ =	sdelay $0x1  }
0x8a: {  	s1 =	srdreg.scid  }
0x8b: {  	s0 =	sand.u32 $0x1, s1  }
0x8c: {  	s16 =	sshll.u32 s0, $0xA;
	s2 =	sadd.s32 s3, s2  }
0x8d: {  	s2 =	sadd.s32 s2, s16  }
0x8e: {  	[smem:$0x3FB7] =	sst s2  }
0x8f: {  	_ = 	snop  }
0x90: {  	(tm) =	ssettm $0x1  }
0x91: {  	s17 =	sld [smem:$0x3FFB];
	_ =	sdelay $0x3  }
0x92: {  	_ =	strace s17  }
0x93: {  	s2 =	sld [smem:$0x3FFC];
	_ =	sdelay $0x3  }
0x94: {  	_ =	strace s2  }
0x95: {  	s2 =	sld [smem:$0x3FFD];
	_ =	sdelay $0x3  }
0x96: {  	_ =	strace s2  }
0x97: {  	_ =	strace $0x8FFFFFFF  }
0x98: {  	s18 =	sld [smem:$0x3FDB];
	_ =	sdelay $0x1  }
0x99: {  	s19 =	simm.s32 $_scs_section_size  }
0x9a: {  	s4 =	simm.s32 $_size__tile_overlayer_lowered;
	s5 =	simm.s32 $_tile_overlayer_lowered  }
0x9b: {  	s22 =	simm.s32 $0x1BFF;
	s21 =	sshll.u32 s5, $0x1;
	s2 =	sadd.s32 s19, s18  }
0x9c: {  	s6 =	simm.s32 $0x0;
	s20 =	sshll.u32 s4, $0x1;
	s4 =	sadd.s32 s21, s2  }
0x9d: {  	[timem:s6], [sflag:s22] =	dma.local [hbm:s4], s20  }
0x9e: {  	_ =	swait.ge [sflag:s22], s20  }
0x9f: {  	s3 =	ssub.s32 $0x0, s20;
	[sflag:s22] =	ssyncset.done $0x0  }
0xa0: {  	[sflag:s22] =	ssyncadd.s32 s3;
	_ =	sdelay $0x1  }
0xa1: {  	s23 =	simm.s32 $0x1B8B  }
0xa2: {  	_ =	swait.ge [sflag:s23], $0x1  }
0xa3: {  	[sflag:s23] =	ssyncset.done $0x0  }
0xa4: {  	s25 =	simm.s32 $0x1B8E;
	s24 =	sld [smem:$0x3FFE];
	[sflag:s23] =	ssyncadd.s32 $0xFFFFFFFF  }
0xa5: {  	s26 =	simm.s32 $execute0_lowered;
	[smem:$0x3FD2] =	sst s25  }
0xa6: {  	s4 =	sshll.u32 s26, $0x1;
	_ =	strace $0x80000046;
	[dreg:$0x1] =	wrdreg $0xFFFFFFFF  }
0xa7: {  	s28 =	simm.s32 $_size_execute0_lowered;
	s2 =	sadd.s32 s2, s4;
	[dreg:$0x0] =	wrdreg $0x0  }
0xa8: {  	s4 =	sshll.u32 s28, $0x1;
	[dreg:$0x2] =	wrdreg s2  }
0xa9: {  	[dreg:$0x3] =	wrdreg s4  }
0xaa: {  	[dreg:$0x4] =	wrdreg $0xC0  }
0xab: {  	_ =	task [dreg:s6], $0x5FFFF  }
0xac: {  	[dreg:$0x1] =	wrdreg $0xFFFFFFFF  }
0xad: {  	[dreg:$0x0] =	wrdreg $0x60  }
0xae: {  	[dreg:$0x2] =	wrdreg s24  }
0xaf: {  	[dreg:$0x3] =	wrdreg $0x6BD00  }
0xb0: {  	[dreg:$0x4] =	wrdreg $0xA  }
0xb1: {  	_ =	task.clear_ibuf [dreg:s6], $0x5FFFF;
	_ =	strace $0x90000046  }
0xb2: {  	s29 =	simm.s32 $0xA;
	_ =	strace $0x80000048  }
0xb3: {  	_ =	swait.ge [sflag:s29], $0x1  }
0xb4: {  	[sflag:s29] =	ssyncadd.s32 $0xFFFFFFFF  }
0xb5: {  	_ =	strace $0x90000048  }
0xb6: {  	_ =	sfence  }
0xb7: {  	s30 =	sld [smem:$0x0];
	_ =	sdelay $0x2  }
0xb8: {  	s31 =	sshll.u32 s1, $0xD;
	s1 =	sshrl.u32 s1, $0x2  }
0xb9: {  	s3 =	sand.u32 $0x4000, s31;
	s1 =	sadd.s32 s1, s30  }
0xba: {  	s0 =	sor.u32 s3, s0;
	s1 =	sshll.u32 s1, $0x11  }
0xbb: {  	s0 =	sor.u32 s1, s0  }
0xbc: {  	s0 =	sadd.s32 $0x8F2B, s0  }
0xbd: {  	[sflag:s0] =	ssyncadd.remote.s32 $0x1  }
0xbe: {  	_ =	sfence.sel $0xFFFF  }
0xbf: {  	[dreg:$0x0] =	wrdreg $0xFFFFFFFF;
	(pc) =	sbr.abs _section_cstart, $3  }
0xc0: {  	[dreg:$0x1] =	wrdreg $0xFFFFFFFF  }
0xc1: {  	_ =	task.clear_ibuf [dreg:s6], $0x2FFFF;
	_ =	strace $0x9FFFFFFF  }
0xc2: {  	(tm) =	ssettm $0x7FFFFFFF  }
0xc3: {  	_ =	shalt  }
tec
execute0_lowered:
.L_overlay_start_1:
0x0: {  	(tag) =	ssettag $0x1  }
0x1: {  	s5 =	rddreg [dreg:$0x0]  }
0x2: {  	s2 =	rddreg [dreg:$0x1];
	s3 =	simm.s32 $0x0  }
0x3: {  	s0 =	stileid.u32;
	s4 =	srdreg.scid;
	s19 =	simm.s32 $0x190  }
0x4: {  	s20 =	simm.s32 $0x7D0;
	s21 =	simm.s32 $0x4B0;
	s22 =	simm.s32 $0x2  }
0x5: {  	s23 =	simm.s32 $0x3;
	s24 =	simm.s32 $0x0;
	s6 =	smul.u32 $0x18700, s0  }
0x6: {  	[smem:$0x7FF] =	sst s3;
	s10 =	sand.u32 $0x1, s4;
	s16 =	smul.u32 $0x190, s0  }
0x7: {  	s14 =	sadd.s32 $0x34800, s5;
	s4 =	sadd.s32 $0x3A00, s5;
	s18 =	smul.u32 $0x32, s0  }
0x8: {  	s29 =	sshll.u32 s0, $0x6;
	_ =	strace $0x80000047;
	s7 =	smul.u32 $0x187000, s10  }
0x9: {  	s9 =	sshll.u32 s10, $0x4;
	s11 =	ssub.s32 $0x2, s10;
	s30 =	smul.u32 $0x1900, s10  }
0xa: {  	s17 =	smul.u32 $0x320, s10;
	s8 =	sshrl.u32 s6, $0x3;
	s9 =	sor.u32 s0, s9  }
0xb: {  	s26 =	sshrl.u32 s11, $0x1;
	s15 =	sadd.s32 s6, s2;
	s8 =	sadd.s32 s8, s5  }
0xc: {  	s7 =	sadd.s32 s6, s7;
	s28 =	smul.u32 $0x190, s9;
	s13 =	ssub.s32 s11, s26  }
0xd: {  	s6 =	sor.u32 $0x1C04, s29;
	s16 =	sadd.s32 s16, s30;
	s17 =	sadd.s32 s17, s14  }
0xe: {  	s15 =	sshrl.u32 s15, $0x3;
	s7 =	sshrl.u32 s7, $0x3;
	s16 =	sadd.s32 $0x18CE00, s16  }
0xf: {  	s31 =	sadd.s32 s18, s17;
	s18 =	simm.s32 $0x1;
	s12 =	sadd.s32 s7, s5  }
0x10: {  	s5 =	sadd.s32 $0x18A800, s8;
	s7 =	sshrl.u32 s28, $0x3;
	s16 =	sshrl.u32 s16, $0x3  }
0x11: {  	s7 =	sadd.s32 s14, s7;
	s11 =	sadd.s32 $0x1BB600, s12;
	s12 =	smax.u32 s13, $0x1  }
0x12: {  	s13 =	sadd.s32 $0xC80, s31;
	s14 =	sadd.s32 s16, s14;
	s16 =	simm.s32 $0x4  }
0x13: {  	s8 =	sadd.s32 $0x30D40, s7;
	s9 =	sadd.s32 $0x640, s7;
	s10 =	sadd.s32 $0x31380, s7  }
.LBB2_1:
0x14: {  	[spmem:s15], [sflag:s6] =	dma.local [hbm:s5], $0x30E0  }
0x15: {  	_ =	swait.ge [sflag:s16], $0x30E0  }
0x16: {  	[sflag:s16] =	ssyncset.done $0x0  }
0x17: {  	[sflag:s16] =	ssyncadd.s32 $0xFFFFCF20  }
0x18: {  	[bflag:$0x0] =	sbarrier.arrive $0xFFFF  }
0x19: {  	[tilespmem:s3], [sflag:$0x1] =	stream.linear.gather [hbm4b:s7+s3], $0x190, $0x38;
	[tilespmem:$0x1F2D0] =	vst v63  }
0x1a: {  	s0 =	simm.s32 $0x320  }
0x1b: {  	[tilespmem:s0], [sflag:$0x1] =	stream.linear.gather [hbm4b:s8+s3], $0x190, $0x38;
	[tilespmem:$0x1F2D0] =	vst v63  }
0x1c: {  	_ =	swait.ge [sflag:s18], $0x190  }
0x1d: {  	[sflag:s18] =	ssyncset.done $0x0  }
0x1e: {  	[sflag:s18] =	ssyncadd.s32 $0xFFFFFE70  }
0x1f: {  	_ =	swait.ge [sflag:s18], $0x190  }
0x20: {  	[sflag:s18] =	ssyncset.done $0x0  }
0x21: {  	[sflag:s18] =	ssyncadd.s32 $0xFFFFFE70  }
0x22: {  	[tilespmem:s20], [sflag:$0x2] =	stream.indirect.gather [hbm4b:s4+s19], $0x20, s3, s19, $0xb8;
	[tilespmem:$0x1F2D0] =	vst v63  }
0x23: {  	_ = 	snop  }
0x24: {  	[tilespmem:s19], [sflag:$0x1] =	stream.linear.gather [hbm4b:s9+s3], $0x190, $0x38;
	[tilespmem:$0x1F2D0] =	vst v63  }
0x25: {  	s25 =	smov.u32 s14;
	s26 =	smov.u32 s13;
	s28 =	simm.s32 $0x2  }
0x26: {  	[tilespmem:s21], [sflag:$0x1] =	stream.linear.gather [hbm4b:s10+s3], $0x190, $0x38;
	[tilespmem:$0x1F2D0] =	vst v63  }
.LBB2_2:
0x27: {  	s29 =	smul.u32 $0xAB, s28;
	_ =	sdelay $0x1  }
0x28: {  	s30 =	sadd.s32 $0xFFFFFEAA, s29  }
0x29: {  	s30 =	sshrl.u32 s30, $0x9  }
0x2a: {  	s30 =	sand.u32 $0x7F, s30  }
0x2b: {  	s31 =	sadd.s32 $0xFFFFFFFE, s28;
	_ =	swait.ge [sflag:s22], $0x3200;
	s30 =	smul.u32 $0x3, s30  }
0x2c: {  	p0 =	seq.s32 s28, $0x2;
	s0 =	sand.u32 $0x1, s31;
	[sflag:s22] =	ssyncset.done $0x0  }
0x2d: {  	s1 =	simm.s32 @!p0 $0x3;
	[sflag:s22] =	ssyncadd.s32 $0xFFFFCE00;
	s30 =	ssub.s32 s31, s30  }
0x2e: {  	_ =	swait.ge @!p0 [sflag:s1], $0x3200;
	s31 =	smul.u32 $0xC800, s0;
	s30 =	sand.u32 $0xFF, s30  }
0x2f: {  	s29 =	sshrl.u32 s29, $0x9;
	[sflag:s1] =	ssyncset.done @!p0 $0x0;
	s30 =	smul.u32 $0x640, s30  }
0x30: {  	s17 =	sadd.s32 $0xFFFFFFFF, s28;
	s29 =	sand.u32 $0x7F, s29;
	[sflag:s1] =	ssyncadd.s32 @!p0 $0xFFFFCE00  }
0x31: {  	p0 =	seq.s32 s28, $0x7D;
	s31 =	sshrl.u32 s31, $0x2;
	s30 =	sshrl.u32 s30, $0x2  }
0x32: {  	s0 =	smul.u32 @!p0 $0x640, s0;
	s31 =	sadd.s32 $0x7D0, s31;
	s30 =	sadd.s32 $0x320, s30  }
0x33: {  	[spmem:s2] =	stream.indirect.scatter.add.f32 [tilespmem:s31], [sflag:$0x3], $0x20, s30, s19, $0xb8;
	[tilespmem:$0x1F2D0] =	vst v63  }
0x34: {  	s1 =	sand.u32 $0x1, s17;
	s30 =	smul.u32 $0x3, s29  }
0x35: {  	s31 =	smul.u32 $0x640, s1;
	_ =	swait.ge [sflag:s18], $0x190  }
0x36: {  	s1 =	smul.u32 $0xC800, s1;
	[sflag:s18] =	ssyncset.done $0x0  }
0x37: {  	s0 =	sshrl.u32 @!p0 s0, $0x2;
	s17 =	ssub.s32 s28, s30;
	[sflag:s18] =	ssyncadd.s32 $0xFFFFFE70  }
0x38: {  	s29 =	sshrl.u32 s31, $0x2;
	s1 =	sshrl.u32 s1, $0x2;
	_ =	swait.ge [sflag:s18], $0x190  }
0x39: {  	s28 =	sadd.s32 @!p0 $0x1, s28;
	s17 =	sand.u32 $0xFF, s17;
	[sflag:s18] =	ssyncset.done $0x0  }
0x3a: {  	s1 =	sadd.s32 $0x7D0, s1;
	p1 =	sne.s32 @!p0 s28, $0x7E;
	[sflag:s18] =	ssyncadd.s32 $0xFFFFFE70  }
0x3b: {  	[tilespmem:s1], [sflag:$0x2] =	stream.indirect.gather [hbm4b:s4+s19], $0x20, s29, s19, $0xb8;
	[tilespmem:$0x1F2D0] =	vst v63  }
0x3c: {  	s17 =	smul.u32 @!p0 $0x640, s17;
	p1 =	por p0, !p1;
	s1 =	simm.s32 @!p0 $0x0  }
0x3d: {  	[tilespmem:s0], [sflag:$0x1] =	stream.linear.gather @!p0 [hbm4b:s26+s1], $0x190, $0x38;
	[tilespmem:$0x1F2D0] =	vst v63  }
.Ltmp0:
0x3e: {  	_ = 	snop;
	(pc) =	sbr.rel @!p1 .LBB2_2-.Ltmp0, $4  }
0x3f: {  	s0 =	sshrl.u32 @!p0 s17, $0x2  }
0x40: {  	s0 =	sadd.s32 @!p0 $0x320, s0  }
0x41: {  	[tilespmem:s0], [sflag:$0x1] =	stream.linear.gather @!p0 [hbm4b:s25+s1], $0x190, $0x38;
	[tilespmem:$0x1F2D0] =	vst v63  }
0x42: {  	s26 =	sadd.s32 @!p0 $0x640, s26;
	s25 =	sadd.s32 @!p0 $0x640, s25  }
0x43: {  	_ =	swait.ge [sflag:s22], $0x3200  }
0x44: {  	[sflag:s22] =	ssyncset.done $0x0  }
0x45: {  	[sflag:s22] =	ssyncadd.s32 $0xFFFFCE00  }
0x46: {  	_ =	swait.ge [sflag:s23], $0x3200  }
0x47: {  	[sflag:s23] =	ssyncset.done $0x0  }
0x48: {  	[sflag:s23] =	ssyncadd.s32 $0xFFFFCE00  }
0x49: {  	[spmem:s2] =	stream.indirect.scatter.add.f32 [tilespmem:s20], [sflag:$0x3], $0x20, s21, s19, $0xb8;
	[tilespmem:$0x1F2D0] =	vst v63  }
0x4a: {  	_ =	swait.ge [sflag:s23], $0x3200  }
0x4b: {  	s24 =	sadd.s32 $0x1, s24;
	[sflag:s23] =	ssyncset.done $0x0  }
0x4c: {  	p0 =	sne.s32 s24, s12;
	[sflag:s23] =	ssyncadd.s32 $0xFFFFCE00  }
.Ltmp1:
0x4d: {  	[bflag:$0x0] =	sbarrier.arrive $0xFFFF;
	(pc) =	sbr.rel @p0 .LBB2_1-.Ltmp1, $4  }
0x4e: {  	[hbm:s11], [sflag:s6] =	dma.local [spmem:s15], $0x30E0  }
0x4f: {  	_ =	swait.ge [sflag:s16], $0x30E0  }
0x50: {  	[sflag:s16] =	ssyncset.done $0x0  }
0x51: {  	[sflag:s16] =	ssyncadd.s32 $0xFFFFCF20  }
0x52: {  	_ =	sfence.sel $0x180000  }
0x53: {  	[bflag:$0x0] =	sbarrier.arrive $0xFFFF  }
0x54: {  	_ =	strace $0x90000047  }
0x55: {  	s0 =	stileid.u32;
	[bflag:$0x2] =	sbarrier.arrive $0xFFFF  }
0x56: {  	p0 =	sne.s32 s0, $0x0;
	s0 =	rddreg [dreg:$0x2]  }
0x57: {  	s0 =	sadd.s32 @!p0 $0x100000, s0  }
0x58: {  	[sflag:s0] =	ssyncadd.tile.s32 @!p0 $0x1;
	_ =	shalt  }
.Lfunc_end2:
_tile_overlayer_lowered:
.L_overlay_start_2:
0x59: {  	(tag) =	ssettag $0x2  }
0x5a: {  	s0 =	rddreg [dreg:$0x0];
	s2 =	stileid.u32  }
0x5b: {  	s1 =	rddreg [dreg:$0x1];
	p0 =	sne.s32 s2, $0x0  }
0x5c: {  	s3 =	rddreg [dreg:$0x2];
	[bflag:$0x3] =	sbarrier.arrive $0xFFFF;
	s2 =	simm.s32 @!p0 $0x1C04  }
0x5d: {  	[timem:s3], [sflag:s2] =	dma.local @!p0 [hbm:s0], s1  }
0x5e: {  	s0 =	simm.s32 @!p0 $0x4  }
0x5f: {  	_ =	swait.ge @!p0 [sflag:s0], s1  }
0x60: {  	s1 =	ssub.s32 @!p0 $0x0, s1;
	[sflag:s0] =	ssyncset.done @!p0 $0x0  }
0x61: {  	[sflag:s0] =	ssyncadd.s32 @!p0 s1  }
0x62: {  	[bflag:$0x3] =	sbarrier.arrive $0xFFFF  }
0x63: {  	_ =	shalt  }

// kernel: kernel.14.cloned.1.call-start
scs
__scs_entry_jumppad:
0x0: {  	(pc) =	sbr.rel $0x88, $3  }
0x1: {  	(tag) =	ssettag $0x0;
	lr =	simm.s32 $0x1  }
0x2: {  	[smem:$0x3F90] =	sst lr;
	_ =	strace $0xD0000000  }
0x3: {  	_ = 	snop  }
0x4: {  	_ = 	snop  }
0x5: {  	_ = 	snop  }
0x6: {  	_ = 	snop  }
0x7: {  	_ = 	snop  }
__scs_overlays_trampoline_lowered:
0x8: {  	[smem:$0x3F9F] =	sst s0  }
0x9: {  	[smem:$0x3FA0] =	sst s1  }
0xa: {  	[smem:$0x3FA1] =	sst s2  }
0xb: {  	[smem:$0x3FA2] =	sst s3  }
0xc: {  	[smem:$0x3FA3] =	sst s4  }
0xd: {  	[smem:$0x3FA4] =	sst s5  }
0xe: {  	[smem:$0x3FA5] =	sst s6  }
0xf: {  	[smem:$0x3FA6] =	sst s7  }
0x10: {  	[smem:$0x3FA7] =	sst s8  }
0x11: {  	[smem:$0x3FA8] =	sst s9;
	s0 =	simm.s32 @!p0 $0x0  }
0x12: {  	s1 =	sld [smem:$0x3F8E];
	s0 =	simm.s32 @p0 $0x1  }
0x13: {  	[smem:$0x3FA9] =	sst s0;
	s0 =	simm.s32 @!p1 $0x0  }
0x14: {  	s2 =	sld [smem:$0x3F8D];
	s0 =	simm.s32 @p1 $0x1  }
0x15: {  	[smem:$0x3FAA] =	sst s0;
	s0 =	simm.s32 @!p2 $0x0  }
0x16: {  	s3 =	sld [smem:$0x3FDB];
	s0 =	simm.s32 @p2 $0x1  }
0x17: {  	s4 =	simm.s32 $0x1BF5;
	[smem:$0x3FAC] =	sst s0  }
0x18: {  	s0 =	sld [smem:$0x3F8F];
	_ =	swait.ge [sflag:s4], $0x0  }
0x19: {  	s7 =	sld [smem:$0x3F90]  }
0x1a: {  	s8 =	sadd.s32 $0xFFFFE003, lr  }
0x1b: {  	s9 =	sadd.s32 $0xFFFFFEF7, lr;
	s5 =	simm.s32 $0xFFFFFFFF;
	p2 =	slt.u32 s8, $0xFFFFF086  }
0x1c: {  	p1 =	slt.u32 s9, $0xF7A;
	s5 =	simm.s32 @!p2 $0x0  }
0x1d: {  	s5 =	simm.s32 @p1 $0x1;
	p0 =	seq.s32 s7, s2  }
0x1e: {  	s7 =	smul.u32 @!p0 $0xF7A, s2;
	p2 =	seq.s32 @!p0 s5, $0x0  }
0x1f: {  	s9 =	smul.u32 $0xF7A, s1;
	s8 =	simm.s32 @!p0 $0x1BF5;
	p2 =	por !p2, p0  }
0x20: {  	[sflag:s8] =	ssyncset.s32 @!p0 $0xFFFFF086;
	s6 =	sadd.s32 @!p0 s3, s7;
	s7 =	simm.s32 @!p0 $0x108  }
0x21: {  	s3 =	sadd.s32 s3, s9;
	s6 =	sadd.s32 @!p0 $0x88, s6;
	s7 =	simm.s32 @p2 $0x1082  }
0x22: {  	[simem:s7], [sflag:s8] =	dma.local @!p0 [hbm:s6], $0xF7A  }
0x23: {  	s9 =	sor.u32 $0xD0000000, s2;
	s6 =	simm.s32 $0x108;
	_ =	swait.ge @!p0 [sflag:s8], $0x0  }
0x24: {  	s3 =	sadd.s32 $0x88, s3;
	s6 =	simm.s32 @!p1 $0x1082;
	[sflag:s4] =	ssyncset.s32 $0xFFFFF086  }
0x25: {  	[simem:s6], [sflag:s4] =	dma.local [hbm:s3], $0xF7A  }
0x26: {  	[smem:$0x3F90] =	sst s1;
	(tag) =	ssettag s2;
	_ =	strace s9  }
0x27: {  	s1 =	sld [smem:$0x3FA0]  }
0x28: {  	s2 =	sld [smem:$0x3FA1]  }
0x29: {  	s4 =	sld [smem:$0x3FA3]  }
0x2a: {  	p0 =	seq.s32 s5, $0x0;
	s5 =	sld [smem:$0x3FA4]  }
0x2b: {  	s6 =	sld [smem:$0x3FA5]  }
0x2c: {  	s7 =	sld [smem:$0x3FA6]  }
0x2d: {  	s3 =	simm.s32 $0x108;
	s8 =	sld [smem:$0x3FA7]  }
0x2e: {  	s3 =	simm.s32 @!p0 $0x1082;
	s9 =	sld [smem:$0x3FA8]  }
0x2f: {  	lr =	sadd.s32 s0, s3;
	s0 =	sld [smem:$0x3F9F]  }
0x30: {  	s3 =	sld [smem:$0x3FA2]  }
0x31: {  	[smem:$0x3FAB] =	sst s10  }
0x32: {  	s10 =	sld [smem:$0x3FA9];
	_ =	sdelay $0x3  }
0x33: {  	p0 =	seq.s32 s10, $0x1;
	s10 =	sld [smem:$0x3FAB];
	_ =	sdelay $0x3  }
0x34: {  	[smem:$0x3FAB] =	sst s10  }
0x35: {  	s10 =	sld [smem:$0x3FAA];
	_ =	sdelay $0x3  }
0x36: {  	p1 =	seq.s32 s10, $0x1;
	s10 =	sld [smem:$0x3FAB];
	_ =	sdelay $0x3  }
0x37: {  	[smem:$0x3FAB] =	sst s10  }
0x38: {  	s10 =	sld [smem:$0x3FAC]  }
0x39: {  	_ = 	snop;
	(pc) =	sbr.ind lr, $3  }
0x3a: {  	_ = 	snop  }
0x3b: {  	_ = 	snop  }
0x3c: {  	p2 =	seq.s32 s10, $0x1;
	s10 =	sld [smem:$0x3FAB]  }
0x3d: {  	_ =	shalt  }
0x3e: {  	_ =	shalt  }
0x3f: {  	_ =	shalt  }
0x40: {  	_ =	shalt  }
0x41: {  	_ =	shalt  }
0x42: {  	_ =	shalt  }
0x43: {  	_ =	shalt  }
0x44: {  	_ =	shalt  }
0x45: {  	_ =	shalt  }
0x46: {  	_ =	shalt  }
0x47: {  	_ =	shalt  }
0x48: {  	_ =	shalt  }
0x49: {  	_ =	shalt  }
0x4a: {  	_ =	shalt  }
0x4b: {  	_ =	shalt  }
0x4c: {  	_ =	shalt  }
0x4d: {  	_ =	shalt  }
0x4e: {  	_ =	shalt  }
0x4f: {  	_ =	shalt  }
0x50: {  	_ =	shalt  }
0x51: {  	_ =	shalt  }
0x52: {  	_ =	shalt  }
0x53: {  	_ =	shalt  }
0x54: {  	_ =	shalt  }
0x55: {  	_ =	shalt  }
0x56: {  	_ =	shalt  }
0x57: {  	_ =	shalt  }
0x58: {  	_ =	shalt  }
0x59: {  	_ =	shalt  }
0x5a: {  	_ =	shalt  }
0x5b: {  	_ =	shalt  }
0x5c: {  	_ =	shalt  }
0x5d: {  	_ =	shalt  }
0x5e: {  	_ =	shalt  }
0x5f: {  	_ =	shalt  }
0x60: {  	_ =	shalt  }
0x61: {  	_ =	shalt  }
0x62: {  	_ =	shalt  }
0x63: {  	_ =	shalt  }
0x64: {  	_ =	shalt  }
0x65: {  	_ =	shalt  }
0x66: {  	_ =	shalt  }
0x67: {  	_ =	shalt  }
0x68: {  	_ =	shalt  }
0x69: {  	_ =	shalt  }
0x6a: {  	_ =	shalt  }
0x6b: {  	_ =	shalt  }
0x6c: {  	_ =	shalt  }
0x6d: {  	_ =	shalt  }
0x6e: {  	_ =	shalt  }
0x6f: {  	_ =	shalt  }
0x70: {  	_ =	shalt  }
0x71: {  	_ =	shalt  }
0x72: {  	_ =	shalt  }
0x73: {  	_ =	shalt  }
0x74: {  	_ =	shalt  }
0x75: {  	_ =	shalt  }
0x76: {  	_ =	shalt  }
0x77: {  	_ =	shalt  }
0x78: {  	_ =	shalt  }
0x79: {  	_ =	shalt  }
0x7a: {  	_ =	shalt  }
0x7b: {  	_ =	shalt  }
0x7c: {  	_ =	shalt  }
0x7d: {  	_ =	shalt  }
0x7e: {  	_ =	shalt  }
0x7f: {  	_ =	shalt  }
0x80: {  	_ =	shalt  }
0x81: {  	_ =	shalt  }
0x82: {  	_ =	shalt  }
0x83: {  	_ =	shalt  }
0x84: {  	_ =	shalt  }
0x85: {  	_ =	shalt  }
0x86: {  	_ =	shalt  }
0x87: {  	_ =	shalt  }
.Lfunc_end0:
.L_simem_size_0:
called_computation.2_lowered:
.L_overlay_start_0:
0x88: {  	s2 =	sld [smem:$0x3FD9]  }
0x89: {  	s3 =	sld [smem:$0x3FFE];
	_ =	sdelay $0x1  }
0x8a: {  	s1 =	srdreg.scid  }
0x8b: {  	s0 =	sand.u32 $0x1, s1  }
0x8c: {  	s16 =	sshll.u32 s0, $0xA;
	s2 =	sadd.s32 s3, s2  }
0x8d: {  	s2 =	sadd.s32 s2, s16  }
0x8e: {  	[smem:$0x3FB7] =	sst s2  }
0x8f: {  	_ = 	snop  }
0x90: {  	(tm) =	ssettm $0x1  }
0x91: {  	s17 =	sld [smem:$0x3FFB];
	_ =	sdelay $0x3  }
0x92: {  	_ =	strace s17  }
0x93: {  	s2 =	sld [smem:$0x3FFC];
	_ =	sdelay $0x3  }
0x94: {  	_ =	strace s2  }
0x95: {  	s2 =	sld [smem:$0x3FFD];
	_ =	sdelay $0x3  }
0x96: {  	_ =	strace s2  }
0x97: {  	_ =	strace $0x8FFFFFFF  }
0x98: {  	s18 =	sld [smem:$0x3FDB];
	_ =	sdelay $0x1  }
0x99: {  	s19 =	simm.s32 $_scs_section_size  }
0x9a: {  	s4 =	simm.s32 $_size__tile_overlayer_lowered;
	s5 =	simm.s32 $_tile_overlayer_lowered  }
0x9b: {  	s22 =	simm.s32 $0x1BFF;
	s21 =	sshll.u32 s5, $0x1;
	s2 =	sadd.s32 s19, s18  }
0x9c: {  	s6 =	simm.s32 $0x0;
	s20 =	sshll.u32 s4, $0x1;
	s4 =	sadd.s32 s21, s2  }
0x9d: {  	[timem:s6], [sflag:s22] =	dma.local [hbm:s4], s20  }
0x9e: {  	_ =	swait.ge [sflag:s22], s20  }
0x9f: {  	s3 =	ssub.s32 $0x0, s20;
	[sflag:s22] =	ssyncset.done $0x0  }
0xa0: {  	[sflag:s22] =	ssyncadd.s32 s3;
	_ =	sdelay $0x1  }
0xa1: {  	s23 =	simm.s32 $0x1B8B  }
0xa2: {  	_ =	swait.ge [sflag:s23], $0x1  }
0xa3: {  	[sflag:s23] =	ssyncset.done $0x0  }
0xa4: {  	s25 =	simm.s32 $0x1B8E;
	s24 =	sld [smem:$0x3FFE];
	[sflag:s23] =	ssyncadd.s32 $0xFFFFFFFF  }
0xa5: {  	s26 =	simm.s32 $execute0_lowered;
	[smem:$0x3FD2] =	sst s25  }
0xa6: {  	s4 =	sshll.u32 s26, $0x1;
	_ =	strace $0x8000004C;
	[dreg:$0x1] =	wrdreg $0xFFFFFFFF  }
0xa7: {  	s28 =	simm.s32 $_size_execute0_lowered;
	s2 =	sadd.s32 s2, s4;
	[dreg:$0x0] =	wrdreg $0x0  }
0xa8: {  	s4 =	sshll.u32 s28, $0x1;
	[dreg:$0x2] =	wrdreg s2  }
0xa9: {  	[dreg:$0x3] =	wrdreg s4  }
0xaa: {  	[dreg:$0x4] =	wrdreg $0xC0  }
0xab: {  	_ =	task [dreg:s6], $0x5FFFF  }
0xac: {  	[dreg:$0x1] =	wrdreg $0xFFFFFFFF  }
0xad: {  	[dreg:$0x0] =	wrdreg $0x60  }
0xae: {  	[dreg:$0x2] =	wrdreg s24  }
0xaf: {  	[dreg:$0x3] =	wrdreg $0x6BD00  }
0xb0: {  	[dreg:$0x4] =	wrdreg $0x9  }
0xb1: {  	_ =	task.clear_ibuf [dreg:s6], $0x5FFFF;
	_ =	strace $0x9000004C  }
0xb2: {  	s29 =	simm.s32 $0x9;
	_ =	strace $0x8000004E  }
0xb3: {  	_ =	swait.ge [sflag:s29], $0x1  }
0xb4: {  	[sflag:s29] =	ssyncadd.s32 $0xFFFFFFFF  }
0xb5: {  	_ =	strace $0x9000004E  }
0xb6: {  	_ =	sfence  }
0xb7: {  	s30 =	sld [smem:$0x0];
	_ =	sdelay $0x2  }
0xb8: {  	s31 =	sshll.u32 s1, $0xD;
	s1 =	sshrl.u32 s1, $0x2  }
0xb9: {  	s3 =	sand.u32 $0x4000, s31;
	s1 =	sadd.s32 s1, s30  }
0xba: {  	s0 =	sor.u32 s3, s0;
	s1 =	sshll.u32 s1, $0x11  }
0xbb: {  	s0 =	sor.u32 s1, s0  }
0xbc: {  	s0 =	sadd.s32 $0x8F2B, s0  }
0xbd: {  	[sflag:s0] =	ssyncadd.remote.s32 $0x1  }
0xbe: {  	_ =	sfence.sel $0xFFFF  }
0xbf: {  	[dreg:$0x0] =	wrdreg $0xFFFFFFFF;
	(pc) =	sbr.abs _section_cstart, $3  }
0xc0: {  	[dreg:$0x1] =	wrdreg $0xFFFFFFFF  }
0xc1: {  	_ =	task.clear_ibuf [dreg:s6], $0x2FFFF;
	_ =	strace $0x9FFFFFFF  }
0xc2: {  	(tm) =	ssettm $0x7FFFFFFF  }
0xc3: {  	_ =	shalt  }
tec
execute0_lowered:
.L_overlay_start_1:
0x0: {  	(tag) =	ssettag $0x1  }
0x1: {  	s5 =	rddreg [dreg:$0x0]  }
0x2: {  	s2 =	rddreg [dreg:$0x1];
	s3 =	simm.s32 $0x0  }
0x3: {  	s0 =	stileid.u32;
	s4 =	srdreg.scid;
	s19 =	simm.s32 $0x190  }
0x4: {  	s20 =	simm.s32 $0x7D0;
	s21 =	simm.s32 $0x4B0;
	s22 =	simm.s32 $0x2  }
0x5: {  	s23 =	simm.s32 $0x3;
	s24 =	simm.s32 $0x0;
	s6 =	smul.u32 $0x18700, s0  }
0x6: {  	[smem:$0x7FF] =	sst s3;
	s10 =	sand.u32 $0x1, s4;
	s16 =	smul.u32 $0x190, s0  }
0x7: {  	s14 =	sadd.s32 $0x34800, s5;
	s4 =	sadd.s32 $0x3A00, s5;
	s18 =	smul.u32 $0x32, s0  }
0x8: {  	s29 =	sshll.u32 s0, $0x6;
	_ =	strace $0x8000004D;
	s7 =	smul.u32 $0x187000, s10  }
0x9: {  	s9 =	sshll.u32 s10, $0x4;
	s11 =	ssub.s32 $0x2, s10;
	s30 =	smul.u32 $0x1900, s10  }
0xa: {  	s17 =	smul.u32 $0x320, s10;
	s8 =	sshrl.u32 s6, $0x3;
	s9 =	sor.u32 s0, s9  }
0xb: {  	s26 =	sshrl.u32 s11, $0x1;
	s15 =	sadd.s32 s6, s2;
	s8 =	sadd.s32 s8, s5  }
0xc: {  	s7 =	sadd.s32 s6, s7;
	s28 =	smul.u32 $0x190, s9;
	s13 =	ssub.s32 s11, s26  }
0xd: {  	s6 =	sor.u32 $0x1C04, s29;
	s16 =	sadd.s32 s16, s30;
	s17 =	sadd.s32 s17, s14  }
0xe: {  	s15 =	sshrl.u32 s15, $0x3;
	s7 =	sshrl.u32 s7, $0x3;
	s16 =	sadd.s32 $0x18CE00, s16  }
0xf: {  	s31 =	sadd.s32 s18, s17;
	s18 =	simm.s32 $0x1;
	s12 =	sadd.s32 s7, s5  }
0x10: {  	s5 =	sadd.s32 $0x18A800, s8;
	s7 =	sshrl.u32 s28, $0x3;
	s16 =	sshrl.u32 s16, $0x3  }
0x11: {  	s7 =	sadd.s32 s14, s7;
	s11 =	sadd.s32 $0x96400, s12;
	s12 =	smax.u32 s13, $0x1  }
0x12: {  	s13 =	sadd.s32 $0xC80, s31;
	s14 =	sadd.s32 s16, s14;
	s16 =	simm.s32 $0x4  }
0x13: {  	s8 =	sadd.s32 $0x30D40, s7;
	s9 =	sadd.s32 $0x640, s7;
	s10 =	sadd.s32 $0x31380, s7  }
.LBB2_1:
0x14: {  	[spmem:s15], [sflag:s6] =	dma.local [hbm:s5], $0x30E0  }
0x15: {  	_ =	swait.ge [sflag:s16], $0x30E0  }
0x16: {  	[sflag:s16] =	ssyncset.done $0x0  }
0x17: {  	[sflag:s16] =	ssyncadd.s32 $0xFFFFCF20  }
0x18: {  	[bflag:$0x0] =	sbarrier.arrive $0xFFFF  }
0x19: {  	[tilespmem:s3], [sflag:$0x1] =	stream.linear.gather [hbm4b:s7+s3], $0x190, $0x38;
	[tilespmem:$0x1F2D0] =	vst v63  }
0x1a: {  	s0 =	simm.s32 $0x320  }
0x1b: {  	[tilespmem:s0], [sflag:$0x1] =	stream.linear.gather [hbm4b:s8+s3], $0x190, $0x38;
	[tilespmem:$0x1F2D0] =	vst v63  }
0x1c: {  	_ =	swait.ge [sflag:s18], $0x190  }
0x1d: {  	[sflag:s18] =	ssyncset.done $0x0  }
0x1e: {  	[sflag:s18] =	ssyncadd.s32 $0xFFFFFE70  }
0x1f: {  	_ =	swait.ge [sflag:s18], $0x190  }
0x20: {  	[sflag:s18] =	ssyncset.done $0x0  }
0x21: {  	[sflag:s18] =	ssyncadd.s32 $0xFFFFFE70  }
0x22: {  	[tilespmem:s20], [sflag:$0x2] =	stream.indirect.gather [hbm4b:s4+s19], $0x20, s3, s19, $0xb8;
	[tilespmem:$0x1F2D0] =	vst v63  }
0x23: {  	_ = 	snop  }
0x24: {  	[tilespmem:s19], [sflag:$0x1] =	stream.linear.gather [hbm4b:s9+s3], $0x190, $0x38;
	[tilespmem:$0x1F2D0] =	vst v63  }
0x25: {  	s25 =	smov.u32 s14;
	s26 =	smov.u32 s13;
	s28 =	simm.s32 $0x2  }
0x26: {  	[tilespmem:s21], [sflag:$0x1] =	stream.linear.gather [hbm4b:s10+s3], $0x190, $0x38;
	[tilespmem:$0x1F2D0] =	vst v63  }
.LBB2_2:
0x27: {  	s29 =	smul.u32 $0xAB, s28;
	_ =	sdelay $0x1  }
0x28: {  	s30 =	sadd.s32 $0xFFFFFEAA, s29  }
0x29: {  	s30 =	sshrl.u32 s30, $0x9  }
0x2a: {  	s30 =	sand.u32 $0x7F, s30  }
0x2b: {  	s31 =	sadd.s32 $0xFFFFFFFE, s28;
	_ =	swait.ge [sflag:s22], $0x3200;
	s30 =	smul.u32 $0x3, s30  }
0x2c: {  	p0 =	seq.s32 s28, $0x2;
	s0 =	sand.u32 $0x1, s31;
	[sflag:s22] =	ssyncset.done $0x0  }
0x2d: {  	s1 =	simm.s32 @!p0 $0x3;
	[sflag:s22] =	ssyncadd.s32 $0xFFFFCE00;
	s30 =	ssub.s32 s31, s30  }
0x2e: {  	_ =	swait.ge @!p0 [sflag:s1], $0x3200;
	s31 =	smul.u32 $0xC800, s0;
	s30 =	sand.u32 $0xFF, s30  }
0x2f: {  	s29 =	sshrl.u32 s29, $0x9;
	[sflag:s1] =	ssyncset.done @!p0 $0x0;
	s30 =	smul.u32 $0x640, s30  }
0x30: {  	s17 =	sadd.s32 $0xFFFFFFFF, s28;
	s29 =	sand.u32 $0x7F, s29;
	[sflag:s1] =	ssyncadd.s32 @!p0 $0xFFFFCE00  }
0x31: {  	p0 =	seq.s32 s28, $0x7D;
	s31 =	sshrl.u32 s31, $0x2;
	s30 =	sshrl.u32 s30, $0x2  }
0x32: {  	s0 =	smul.u32 @!p0 $0x640, s0;
	s31 =	sadd.s32 $0x7D0, s31;
	s30 =	sadd.s32 $0x320, s30  }
0x33: {  	[spmem:s2] =	stream.indirect.scatter.add.f32 [tilespmem:s31], [sflag:$0x3], $0x20, s30, s19, $0xb8;
	[tilespmem:$0x1F2D0] =	vst v63  }
0x34: {  	s1 =	sand.u32 $0x1, s17;
	s30 =	smul.u32 $0x3, s29  }
0x35: {  	s31 =	smul.u32 $0x640, s1;
	_ =	swait.ge [sflag:s18], $0x190  }
0x36: {  	s1 =	smul.u32 $0xC800, s1;
	[sflag:s18] =	ssyncset.done $0x0  }
0x37: {  	s0 =	sshrl.u32 @!p0 s0, $0x2;
	s17 =	ssub.s32 s28, s30;
	[sflag:s18] =	ssyncadd.s32 $0xFFFFFE70  }
0x38: {  	s29 =	sshrl.u32 s31, $0x2;
	s1 =	sshrl.u32 s1, $0x2;
	_ =	swait.ge [sflag:s18], $0x190  }
0x39: {  	s28 =	sadd.s32 @!p0 $0x1, s28;
	s17 =	sand.u32 $0xFF, s17;
	[sflag:s18] =	ssyncset.done $0x0  }
0x3a: {  	s1 =	sadd.s32 $0x7D0, s1;
	p1 =	sne.s32 @!p0 s28, $0x7E;
	[sflag:s18] =	ssyncadd.s32 $0xFFFFFE70  }
0x3b: {  	[tilespmem:s1], [sflag:$0x2] =	stream.indirect.gather [hbm4b:s4+s19], $0x20, s29, s19, $0xb8;
	[tilespmem:$0x1F2D0] =	vst v63  }
0x3c: {  	s17 =	smul.u32 @!p0 $0x640, s17;
	p1 =	por p0, !p1;
	s1 =	simm.s32 @!p0 $0x0  }
0x3d: {  	[tilespmem:s0], [sflag:$0x1] =	stream.linear.gather @!p0 [hbm4b:s26+s1], $0x190, $0x38;
	[tilespmem:$0x1F2D0] =	vst v63  }
.Ltmp0:
0x3e: {  	_ = 	snop;
	(pc) =	sbr.rel @!p1 .LBB2_2-.Ltmp0, $4  }
0x3f: {  	s0 =	sshrl.u32 @!p0 s17, $0x2  }
0x40: {  	s0 =	sadd.s32 @!p0 $0x320, s0  }
0x41: {  	[tilespmem:s0], [sflag:$0x1] =	stream.linear.gather @!p0 [hbm4b:s25+s1], $0x190, $0x38;
	[tilespmem:$0x1F2D0] =	vst v63  }
0x42: {  	s26 =	sadd.s32 @!p0 $0x640, s26;
	s25 =	sadd.s32 @!p0 $0x640, s25  }
0x43: {  	_ =	swait.ge [sflag:s22], $0x3200  }
0x44: {  	[sflag:s22] =	ssyncset.done $0x0  }
0x45: {  	[sflag:s22] =	ssyncadd.s32 $0xFFFFCE00  }
0x46: {  	_ =	swait.ge [sflag:s23], $0x3200  }
0x47: {  	[sflag:s23] =	ssyncset.done $0x0  }
0x48: {  	[sflag:s23] =	ssyncadd.s32 $0xFFFFCE00  }
0x49: {  	[spmem:s2] =	stream.indirect.scatter.add.f32 [tilespmem:s20], [sflag:$0x3], $0x20, s21, s19, $0xb8;
	[tilespmem:$0x1F2D0] =	vst v63  }
0x4a: {  	_ =	swait.ge [sflag:s23], $0x3200  }
0x4b: {  	s24 =	sadd.s32 $0x1, s24;
	[sflag:s23] =	ssyncset.done $0x0  }
0x4c: {  	p0 =	sne.s32 s24, s12;
	[sflag:s23] =	ssyncadd.s32 $0xFFFFCE00  }
.Ltmp1:
0x4d: {  	[bflag:$0x0] =	sbarrier.arrive $0xFFFF;
	(pc) =	sbr.rel @p0 .LBB2_1-.Ltmp1, $4  }
0x4e: {  	[hbm:s11], [sflag:s6] =	dma.local [spmem:s15], $0x30E0  }
0x4f: {  	_ =	swait.ge [sflag:s16], $0x30E0  }
0x50: {  	[sflag:s16] =	ssyncset.done $0x0  }
0x51: {  	[sflag:s16] =	ssyncadd.s32 $0xFFFFCF20  }
0x52: {  	_ =	sfence.sel $0x180000  }
0x53: {  	[bflag:$0x0] =	sbarrier.arrive $0xFFFF  }
0x54: {  	_ =	strace $0x9000004D  }
0x55: {  	s0 =	stileid.u32;
	[bflag:$0x2] =	sbarrier.arrive $0xFFFF  }
0x56: {  	p0 =	sne.s32 s0, $0x0;
	s0 =	rddreg [dreg:$0x2]  }
0x57: {  	s0 =	sadd.s32 @!p0 $0x100000, s0  }
0x58: {  	[sflag:s0] =	ssyncadd.tile.s32 @!p0 $0x1;
	_ =	shalt  }
.Lfunc_end2:
_tile_overlayer_lowered:
.L_overlay_start_2:
0x59: {  	(tag) =	ssettag $0x2  }
0x5a: {  	s0 =	rddreg [dreg:$0x0];
	s2 =	stileid.u32  }
0x5b: {  	s1 =	rddreg [dreg:$0x1];
	p0 =	sne.s32 s2, $0x0  }
0x5c: {  	s3 =	rddreg [dreg:$0x2];
	[bflag:$0x3] =	sbarrier.arrive $0xFFFF;
	s2 =	simm.s32 @!p0 $0x1C04  }
0x5d: {  	[timem:s3], [sflag:s2] =	dma.local @!p0 [hbm:s0], s1  }
0x5e: {  	s0 =	simm.s32 @!p0 $0x4  }
0x5f: {  	_ =	swait.ge @!p0 [sflag:s0], s1  }
0x60: {  	s1 =	ssub.s32 @!p0 $0x0, s1;
	[sflag:s0] =	ssyncset.done @!p0 $0x0  }
0x61: {  	[sflag:s0] =	ssyncadd.s32 @!p0 s1  }
0x62: {  	[bflag:$0x3] =	sbarrier.arrive $0xFFFF  }
0x63: {  	_ =	shalt  }

// kernel: kernel.8.cloned.1.call-start
scs
__scs_entry_jumppad:
0x0: {  	(pc) =	sbr.rel $0x88, $3  }
0x1: {  	(tag) =	ssettag $0x0;
	lr =	simm.s32 $0x1  }
0x2: {  	[smem:$0x3F90] =	sst lr;
	_ =	strace $0xD0000000  }
0x3: {  	_ = 	snop  }
0x4: {  	_ = 	snop  }
0x5: {  	_ = 	snop  }
0x6: {  	_ = 	snop  }
0x7: {  	_ = 	snop  }
__scs_overlays_trampoline_lowered:
0x8: {  	[smem:$0x3F9F] =	sst s0  }
0x9: {  	[smem:$0x3FA0] =	sst s1  }
0xa: {  	[smem:$0x3FA1] =	sst s2  }
0xb: {  	[smem:$0x3FA2] =	sst s3  }
0xc: {  	[smem:$0x3FA3] =	sst s4  }
0xd: {  	[smem:$0x3FA4] =	sst s5  }
0xe: {  	[smem:$0x3FA5] =	sst s6  }
0xf: {  	[smem:$0x3FA6] =	sst s7  }
0x10: {  	[smem:$0x3FA7] =	sst s8  }
0x11: {  	[smem:$0x3FA8] =	sst s9;
	s0 =	simm.s32 @!p0 $0x0  }
0x12: {  	s1 =	sld [smem:$0x3F8E];
	s0 =	simm.s32 @p0 $0x1  }
0x13: {  	[smem:$0x3FA9] =	sst s0;
	s0 =	simm.s32 @!p1 $0x0  }
0x14: {  	s2 =	sld [smem:$0x3F8D];
	s0 =	simm.s32 @p1 $0x1  }
0x15: {  	[smem:$0x3FAA] =	sst s0;
	s0 =	simm.s32 @!p2 $0x0  }
0x16: {  	s3 =	sld [smem:$0x3FDB];
	s0 =	simm.s32 @p2 $0x1  }
0x17: {  	s4 =	simm.s32 $0x1BF5;
	[smem:$0x3FAC] =	sst s0  }
0x18: {  	s0 =	sld [smem:$0x3F8F];
	_ =	swait.ge [sflag:s4], $0x0  }
0x19: {  	s7 =	sld [smem:$0x3F90]  }
0x1a: {  	s8 =	sadd.s32 $0xFFFFE003, lr  }
0x1b: {  	s9 =	sadd.s32 $0xFFFFFEF7, lr;
	s5 =	simm.s32 $0xFFFFFFFF;
	p2 =	slt.u32 s8, $0xFFFFF086  }
0x1c: {  	p1 =	slt.u32 s9, $0xF7A;
	s5 =	simm.s32 @!p2 $0x0  }
0x1d: {  	s5 =	simm.s32 @p1 $0x1;
	p0 =	seq.s32 s7, s2  }
0x1e: {  	s7 =	smul.u32 @!p0 $0xF7A, s2;
	p2 =	seq.s32 @!p0 s5, $0x0  }
0x1f: {  	s9 =	smul.u32 $0xF7A, s1;
	s8 =	simm.s32 @!p0 $0x1BF5;
	p2 =	por !p2, p0  }
0x20: {  	[sflag:s8] =	ssyncset.s32 @!p0 $0xFFFFF086;
	s6 =	sadd.s32 @!p0 s3, s7;
	s7 =	simm.s32 @!p0 $0x108  }
0x21: {  	s3 =	sadd.s32 s3, s9;
	s6 =	sadd.s32 @!p0 $0x88, s6;
	s7 =	simm.s32 @p2 $0x1082  }
0x22: {  	[simem:s7], [sflag:s8] =	dma.local @!p0 [hbm:s6], $0xF7A  }
0x23: {  	s9 =	sor.u32 $0xD0000000, s2;
	s6 =	simm.s32 $0x108;
	_ =	swait.ge @!p0 [sflag:s8], $0x0  }
0x24: {  	s3 =	sadd.s32 $0x88, s3;
	s6 =	simm.s32 @!p1 $0x1082;
	[sflag:s4] =	ssyncset.s32 $0xFFFFF086  }
0x25: {  	[simem:s6], [sflag:s4] =	dma.local [hbm:s3], $0xF7A  }
0x26: {  	[smem:$0x3F90] =	sst s1;
	(tag) =	ssettag s2;
	_ =	strace s9  }
0x27: {  	s1 =	sld [smem:$0x3FA0]  }
0x28: {  	s2 =	sld [smem:$0x3FA1]  }
0x29: {  	s4 =	sld [smem:$0x3FA3]  }
0x2a: {  	p0 =	seq.s32 s5, $0x0;
	s5 =	sld [smem:$0x3FA4]  }
0x2b: {  	s6 =	sld [smem:$0x3FA5]  }
0x2c: {  	s7 =	sld [smem:$0x3FA6]  }
0x2d: {  	s3 =	simm.s32 $0x108;
	s8 =	sld [smem:$0x3FA7]  }
0x2e: {  	s3 =	simm.s32 @!p0 $0x1082;
	s9 =	sld [smem:$0x3FA8]  }
0x2f: {  	lr =	sadd.s32 s0, s3;
	s0 =	sld [smem:$0x3F9F]  }
0x30: {  	s3 =	sld [smem:$0x3FA2]  }
0x31: {  	[smem:$0x3FAB] =	sst s10  }
0x32: {  	s10 =	sld [smem:$0x3FA9];
	_ =	sdelay $0x3  }
0x33: {  	p0 =	seq.s32 s10, $0x1;
	s10 =	sld [smem:$0x3FAB];
	_ =	sdelay $0x3  }
0x34: {  	[smem:$0x3FAB] =	sst s10  }
0x35: {  	s10 =	sld [smem:$0x3FAA];
	_ =	sdelay $0x3  }
0x36: {  	p1 =	seq.s32 s10, $0x1;
	s10 =	sld [smem:$0x3FAB];
	_ =	sdelay $0x3  }
0x37: {  	[smem:$0x3FAB] =	sst s10  }
0x38: {  	s10 =	sld [smem:$0x3FAC]  }
0x39: {  	_ = 	snop;
	(pc) =	sbr.ind lr, $3  }
0x3a: {  	_ = 	snop  }
0x3b: {  	_ = 	snop  }
0x3c: {  	p2 =	seq.s32 s10, $0x1;
	s10 =	sld [smem:$0x3FAB]  }
0x3d: {  	_ =	shalt  }
0x3e: {  	_ =	shalt  }
0x3f: {  	_ =	shalt  }
0x40: {  	_ =	shalt  }
0x41: {  	_ =	shalt  }
0x42: {  	_ =	shalt  }
0x43: {  	_ =	shalt  }
0x44: {  	_ =	shalt  }
0x45: {  	_ =	shalt  }
0x46: {  	_ =	shalt  }
0x47: {  	_ =	shalt  }
0x48: {  	_ =	shalt  }
0x49: {  	_ =	shalt  }
0x4a: {  	_ =	shalt  }
0x4b: {  	_ =	shalt  }
0x4c: {  	_ =	shalt  }
0x4d: {  	_ =	shalt  }
0x4e: {  	_ =	shalt  }
0x4f: {  	_ =	shalt  }
0x50: {  	_ =	shalt  }
0x51: {  	_ =	shalt  }
0x52: {  	_ =	shalt  }
0x53: {  	_ =	shalt  }
0x54: {  	_ =	shalt  }
0x55: {  	_ =	shalt  }
0x56: {  	_ =	shalt  }
0x57: {  	_ =	shalt  }
0x58: {  	_ =	shalt  }
0x59: {  	_ =	shalt  }
0x5a: {  	_ =	shalt  }
0x5b: {  	_ =	shalt  }
0x5c: {  	_ =	shalt  }
0x5d: {  	_ =	shalt  }
0x5e: {  	_ =	shalt  }
0x5f: {  	_ =	shalt  }
0x60: {  	_ =	shalt  }
0x61: {  	_ =	shalt  }
0x62: {  	_ =	shalt  }
0x63: {  	_ =	shalt  }
0x64: {  	_ =	shalt  }
0x65: {  	_ =	shalt  }
0x66: {  	_ =	shalt  }
0x67: {  	_ =	shalt  }
0x68: {  	_ =	shalt  }
0x69: {  	_ =	shalt  }
0x6a: {  	_ =	shalt  }
0x6b: {  	_ =	shalt  }
0x6c: {  	_ =	shalt  }
0x6d: {  	_ =	shalt  }
0x6e: {  	_ =	shalt  }
0x6f: {  	_ =	shalt  }
0x70: {  	_ =	shalt  }
0x71: {  	_ =	shalt  }
0x72: {  	_ =	shalt  }
0x73: {  	_ =	shalt  }
0x74: {  	_ =	shalt  }
0x75: {  	_ =	shalt  }
0x76: {  	_ =	shalt  }
0x77: {  	_ =	shalt  }
0x78: {  	_ =	shalt  }
0x79: {  	_ =	shalt  }
0x7a: {  	_ =	shalt  }
0x7b: {  	_ =	shalt  }
0x7c: {  	_ =	shalt  }
0x7d: {  	_ =	shalt  }
0x7e: {  	_ =	shalt  }
0x7f: {  	_ =	shalt  }
0x80: {  	_ =	shalt  }
0x81: {  	_ =	shalt  }
0x82: {  	_ =	shalt  }
0x83: {  	_ =	shalt  }
0x84: {  	_ =	shalt  }
0x85: {  	_ =	shalt  }
0x86: {  	_ =	shalt  }
0x87: {  	_ =	shalt  }
.Lfunc_end0:
.L_simem_size_0:
called_computation_lowered:
.L_overlay_start_0:
0x88: {  	s2 =	sld [smem:$0x3FD9]  }
0x89: {  	s3 =	sld [smem:$0x3FFE];
	_ =	sdelay $0x1  }
0x8a: {  	s1 =	srdreg.scid  }
0x8b: {  	s0 =	sand.u32 $0x1, s1  }
0x8c: {  	s17 =	sshll.u32 s0, $0xA;
	s2 =	sadd.s32 s3, s2  }
0x8d: {  	s2 =	sadd.s32 s2, s17  }
0x8e: {  	[smem:$0x3FB7] =	sst s2  }
0x8f: {  	_ = 	snop  }
0x90: {  	(tm) =	ssettm $0x1  }
0x91: {  	s18 =	sld [smem:$0x3FFB];
	_ =	sdelay $0x3  }
0x92: {  	_ =	strace s18  }
0x93: {  	s2 =	sld [smem:$0x3FFC];
	_ =	sdelay $0x3  }
0x94: {  	_ =	strace s2  }
0x95: {  	s2 =	sld [smem:$0x3FFD];
	_ =	sdelay $0x3  }
0x96: {  	_ =	strace s2  }
0x97: {  	_ =	strace $0x8FFFFFFF  }
0x98: {  	s19 =	sld [smem:$0x3FDB];
	_ =	sdelay $0x1  }
0x99: {  	s20 =	simm.s32 $_scs_section_size  }
0x9a: {  	s4 =	simm.s32 $_size__tile_overlayer_lowered;
	s5 =	simm.s32 $_tile_overlayer_lowered  }
0x9b: {  	s6 =	simm.s32 $0x1BFF;
	s21 =	sshll.u32 s5, $0x1;
	s3 =	sadd.s32 s20, s19  }
0x9c: {  	s22 =	simm.s32 $0x0;
	s4 =	sshll.u32 s4, $0x1;
	s5 =	sadd.s32 s21, s3  }
0x9d: {  	[timem:s22], [sflag:s6] =	dma.local [hbm:s5], s4  }
0x9e: {  	_ =	swait.ge [sflag:s6], s4  }
0x9f: {  	s4 =	ssub.s32 $0x0, s4;
	[sflag:s6] =	ssyncset.done $0x0  }
0xa0: {  	[sflag:s6] =	ssyncadd.s32 s4;
	_ =	sdelay $0x1  }
0xa1: {  	s23 =	simm.s32 $0x1B8B  }
0xa2: {  	_ =	swait.ge [sflag:s23], $0x1  }
0xa3: {  	[sflag:s23] =	ssyncset.done $0x0  }
0xa4: {  	[sflag:s23] =	ssyncadd.s32 $0xFFFFFFFF  }
0xa5: {  	s4 =	sld [smem:$0x0]  }
0xa6: {  	s5 =	sand.u32 $0xFFFFFFFE, s1  }
0xa7: {  	p0 =	sne.s32 s1, s5  }
0xa8: {  	s5 =	sshll.u32 @p0 s5, $0xE  }
0xa9: {  	s5 =	sadd.s32 @p0 $0x11B8D, s5;
	s6 =	sshll.u32 @p0 s4, $0x11  }
0xaa: {  	s5 =	sor.u32 @p0 s6, s5  }
0xab: {  	[sflag:s5] =	ssyncadd.remote.s32 @p0 $0x1;
	_ =	sdelay $0x1  }
0xac: {  	s5 =	simm.s32 @p0 $0x1B8D  }
0xad: {  	_ =	swait.eq @p0 [sflag:s5], $0x1  }
0xae: {  	[sflag:s5] =	ssyncadd.s32 @p0 $0xFFFFFFFF  }
0xaf: {  	s6 =	sshll.u32 @!p0 s1, $0xE  }
0xb0: {  	s6 =	sor.u32 @!p0 $0x4000, s6;
	s5 =	simm.s32 @!p0 $0x1B8D  }
0xb1: {  	s4 =	sshll.u32 @!p0 s4, $0x11;
	s6 =	sadd.s32 @!p0 $0x11B8D, s6;
	_ =	swait.eq @!p0 [sflag:s5], $0x1  }
0xb2: {  	s4 =	sor.u32 @!p0 s4, s6;
	[sflag:s5] =	ssyncadd.s32 @!p0 $0xFFFFFFFF  }
0xb3: {  	s25 =	simm.s32 $0x1B8E;
	s24 =	sld [smem:$0x3FFE];
	[sflag:s4] =	ssyncadd.remote.s32 @!p0 $0x1  }
0xb4: {  	s26 =	simm.s32 $execute0_lowered;
	[smem:$0x3FD2] =	sst s25  }
0xb5: {  	s5 =	sshll.u32 s26, $0x1;
	_ =	strace $0x80000049;
	[dreg:$0x1] =	wrdreg $0xFFFFFFFF  }
0xb6: {  	s28 =	simm.s32 $_size_execute0_lowered;
	s3 =	sadd.s32 s3, s5;
	[dreg:$0x0] =	wrdreg $0x0  }
0xb7: {  	s5 =	sshll.u32 s28, $0x1;
	[dreg:$0x2] =	wrdreg s3  }
0xb8: {  	[dreg:$0x3] =	wrdreg s5  }
0xb9: {  	[dreg:$0x4] =	wrdreg $0xC0  }
0xba: {  	_ =	task [dreg:s22], $0x5FFFF  }
0xbb: {  	[dreg:$0x1] =	wrdreg $0xFFFFFFFF  }
0xbc: {  	[dreg:$0x0] =	wrdreg $0x60  }
0xbd: {  	[dreg:$0x2] =	wrdreg s24  }
0xbe: {  	[dreg:$0x3] =	wrdreg $0x39D00  }
0xbf: {  	[dreg:$0x4] =	wrdreg $0x9  }
0xc0: {  	_ =	task.clear_ibuf [dreg:s22], $0x5FFFF;
	_ =	strace $0x90000049  }
0xc1: {  	s29 =	simm.s32 $0x9;
	_ =	strace $0x8000004B  }
0xc2: {  	_ =	swait.ge [sflag:s29], $0x1  }
0xc3: {  	[sflag:s29] =	ssyncadd.s32 $0xFFFFFFFF  }
0xc4: {  	_ =	strace $0x9000004B  }
0xc5: {  	_ =	sfence  }
0xc6: {  	s30 =	sld [smem:$0x0];
	_ =	sdelay $0x2  }
0xc7: {  	s31 =	sshll.u32 s1, $0xD;
	s1 =	sshrl.u32 s1, $0x2  }
0xc8: {  	s4 =	sand.u32 $0x4000, s31;
	s1 =	sadd.s32 s1, s30  }
0xc9: {  	s0 =	sor.u32 s4, s0;
	s1 =	sshll.u32 s1, $0x11  }
0xca: {  	s0 =	sor.u32 s1, s0  }
0xcb: {  	s0 =	sadd.s32 $0x8F2B, s0  }
0xcc: {  	[sflag:s0] =	ssyncadd.remote.s32 $0x1  }
0xcd: {  	_ =	sfence.sel $0xFFFF  }
0xce: {  	[dreg:$0x0] =	wrdreg $0xFFFFFFFF;
	(pc) =	sbr.abs _section_cstart, $3  }
0xcf: {  	[dreg:$0x1] =	wrdreg $0xFFFFFFFF  }
0xd0: {  	_ =	task.clear_ibuf [dreg:s22], $0x2FFFF;
	_ =	strace $0x9FFFFFFF  }
0xd1: {  	(tm) =	ssettm $0x7FFFFFFF  }
tec
execute0_lowered:
.L_overlay_start_1:
0x0: {  	(tag) =	ssettag $0x1  }
0x1: {  	s4 =	rddreg [dreg:$0x0]  }
0x2: {  	s2 =	rddreg [dreg:$0x1]  }
0x3: {  	s0 =	rddreg [dreg:$0x2];
	s3 =	simm.s32 $0x0;
	s1 =	stileid.u32  }
0x4: {  	s5 =	srdreg.scid;
	s18 =	simm.s32 $0x7D0;
	s19 =	simm.s32 $0x190  }
0x5: {  	s20 =	simm.s32 $0x640;
	s21 =	simm.s32 $0x2;
	s6 =	smul.u32 $0xC380, s1  }
0x6: {  	[smem:$0x7FF] =	sst s3;
	s8 =	sand.u32 $0x1, s5;
	s16 =	smul.u32 $0x190, s1  }
0x7: {  	s12 =	sadd.s32 $0x34800, s4;
	s10 =	sadd.s32 $0x21D200, s4;
	s29 =	smul.u32 $0x32, s1  }
0x8: {  	s24 =	sshll.u32 s1, $0x6;
	_ =	strace $0x8000004A;
	s5 =	smul.u32 $0xC3800, s8  }
0x9: {  	v0 =	vlaneseq.u32;
	s9 =	sshll.u32 s8, $0x4;
	s11 =	ssub.s32 $0x2, s8;
	s26 =	smul.u32 $0x1900, s8  }
0xa: {  	v0 =	vmul.u32 $0x10, v0;
	s17 =	smul.u32 $0x320, s8;
	s7 =	sshrl.u32 s6, $0x3;
	s9 =	sor.u32 s1, s9  }
0xb: {  	s22 =	sshrl.u32 s11, $0x1;
	s14 =	sadd.s32 s6, s2;
	s7 =	sadd.s32 s7, s4  }
0xc: {  	v2 =	vor.u32 $0x100, v0;
	s5 =	sadd.s32 s6, s5;
	s23 =	smul.u32 $0x190, s9;
	s11 =	ssub.s32 s11, s22  }
0xd: {  	v3 =	vor.u32 $0x200, v0;
	v4 =	vor.u32 $0x300, v0;
	v5 =	vor.u32 $0x400, v0;
	s28 =	sadd.s32 s16, s26;
	s17 =	sadd.s32 s17, s10;
	s14 =	sshrl.u32 s14, $0x3  }
0xe: {  	v6 =	vor.u32 $0x500, v0;
	v7 =	vor.u32 $0x600, v0;
	v8 =	vor.u32 $0x700, v0;
	s16 =	simm.s32 $0x4B0;
	s22 =	simm.s32 $0x0;
	s5 =	sshrl.u32 s5, $0x3  }
0xf: {  	v9 =	vor.u32 $0x800, v0;
	v10 =	vor.u32 $0x900, v0;
	v11 =	vor.u32 $0xA00, v0;
	s31 =	sadd.s32 s29, s17;
	s11 =	smax.u32 s11, $0x1;
	s17 =	simm.s32 $0x1  }
0x10: {  	v12 =	vor.u32 $0xB00, v0;
	v13 =	vor.u32 $0xC00, v0;
	v14 =	vor.u32 $0xD00, v0;
	s13 =	sadd.s32 s5, s4;
	s4 =	sadd.s32 $0x96400, s7;
	s25 =	sshrl.u32 s23, $0x3  }
0x11: {  	v15 =	vor.u32 $0xE00, v0;
	v16 =	vor.u32 $0xF00, v0;
	v17 =	vor.u32 $0x1000, v0;
	s5 =	sor.u32 $0x1C03, s24;
	s15 =	sadd.s32 s12, s25;
	s7 =	sadd.s32 s10, s25  }
0x12: {  	v1 =	vimm.f32 $0.0e+00;
	v18 =	vor.u32 $0x1100, v0;
	v19 =	vor.u32 $0x1200, v0;
	s6 =	sadd.s32 $0x30D40, s15;
	s8 =	sadd.s32 $0x31380, s15;
	s15 =	sadd.s32 $0x18CE00, s28  }
0x13: {  	v20 =	vor.u32 $0x1300, v0;
	v21 =	vor.u32 $0x1400, v0;
	v22 =	vor.u32 $0x1500, v0;
	s10 =	sadd.s32 $0x24E000, s13;
	s13 =	sadd.s32 $0xC80, s31;
	s30 =	sshrl.u32 s15, $0x3  }
0x14: {  	v23 =	vor.u32 $0x1600, v0;
	v24 =	vor.u32 $0x1700, v0;
	v25 =	vor.u32 $0x1800, v0;
	s9 =	sadd.s32 $0x640, s7;
	s15 =	simm.s32 $0x3;
	s12 =	sadd.s32 s30, s12  }
.LBB2_1:
0x15: {  	[spmem:s14], [sflag:s5] =	dma.local [hbm:s4], $0x1870  }
0x16: {  	p0 =	por $0x1, $0x1;
	s23 =	simm.s32 $0xFFFF9C00;
	p1 =	por $0x0, $0x0  }
0x17: {  	s24 =	simm.s32 $0x1900;
	_ =	swait.ge [sflag:s15], $0x1870;
	s23 =	smov.u32 @p0 s3  }
0x18: {  	s24 =	simm.s32 @!p1 $0x0;
	[sflag:s15] =	ssyncset.done $0x0;
	s23 =	sshra.s32 s23, $0x2  }
0x19: {  	[sflag:s15] =	ssyncadd.s32 $0xFFFFE790;
	s24 =	sadd.s32 s23, s24  }
0x1a: {  	s23 =	simm.s32 $0x1;
	[tilespmem:s24+$0x7D0] =	vst v1;
	s24 =	simm.s32 $0x0  }
.LBB2_2:
0x1b: {  	p0 =	slt.u32 s23, $0x190  }
0x1c: {  	s24 =	sadd.s32 $0x40, s24;
	s25 =	smov.u32 s23;
	p1 =	sne.s32 s23, $0x31F  }
.Ltmp0:
0x1d: {  	s23 =	sadd.s32 $0x1, s23;
	s26 =	sadd.s32 $0xFFFF9C00, s24;
	(pc) =	sbr.rel @p1 .LBB2_2-.Ltmp0, $4  }
0x1e: {  	p2 =	sgt.u32 s25, $0x18F;
	s25 =	simm.s32 $0x1900;
	s26 =	smov.u32 @p0 s24  }
0x1f: {  	s25 =	simm.s32 @!p2 $0x0;
	s26 =	sshra.s32 s26, $0x2  }
0x20: {  	s25 =	sadd.s32 s26, s25  }
0x21: {  	[tilespmem:s25+$0x7D0] =	vst v1  }
0x22: {  	[bflag:$0x0] =	sbarrier.arrive $0xFFFF  }
0x23: {  	[tilespmem:s3], [sflag:$0x1] =	stream.linear.gather [hbm4b:s6+s3], $0x190, $0x38;
	[tilespmem:$0xFD50] =	vst v63  }
0x24: {  	_ = 	snop  }
0x25: {  	[tilespmem:s16], [sflag:$0x1] =	stream.linear.gather [hbm4b:s7+s3], $0x190, $0x38;
	[tilespmem:$0xFD50] =	vst v63  }
0x26: {  	_ =	swait.ge [sflag:s17], $0x190  }
0x27: {  	[sflag:s17] =	ssyncset.done $0x0  }
0x28: {  	[sflag:s17] =	ssyncadd.s32 $0xFFFFFE70  }
0x29: {  	_ =	swait.ge [sflag:s17], $0x190  }
0x2a: {  	[sflag:s17] =	ssyncset.done $0x0  }
0x2b: {  	[sflag:s17] =	ssyncadd.s32 $0xFFFFFE70  }
0x2c: {  	v26 =	vld [tilespmem:$0x4B0];
	_ =	sdelay $0x4  }
0x2d: {  	[tilespmem:v0+s18+$0x0] =	vst.idx.msk $0xffff, v26  }
0x2e: {  	v26 =	vld [tilespmem:$0x4C0];
	_ =	sdelay $0x4  }
0x2f: {  	[tilespmem:v2+s18+$0x0] =	vst.idx.msk $0xffff, v26  }
0x30: {  	v26 =	vld [tilespmem:$0x4D0];
	_ =	sdelay $0x4  }
0x31: {  	[tilespmem:v3+s18+$0x0] =	vst.idx.msk $0xffff, v26  }
0x32: {  	v26 =	vld [tilespmem:$0x4E0];
	_ =	sdelay $0x4  }
0x33: {  	[tilespmem:v4+s18+$0x0] =	vst.idx.msk $0xffff, v26  }
0x34: {  	v26 =	vld [tilespmem:$0x4F0];
	_ =	sdelay $0x4  }
0x35: {  	[tilespmem:v5+s18+$0x0] =	vst.idx.msk $0xffff, v26  }
0x36: {  	v26 =	vld [tilespmem:$0x500];
	_ =	sdelay $0x4  }
0x37: {  	[tilespmem:v6+s18+$0x0] =	vst.idx.msk $0xffff, v26  }
0x38: {  	v26 =	vld [tilespmem:$0x510];
	_ =	sdelay $0x4  }
0x39: {  	[tilespmem:v7+s18+$0x0] =	vst.idx.msk $0xffff, v26  }
0x3a: {  	v26 =	vld [tilespmem:$0x520];
	_ =	sdelay $0x4  }
0x3b: {  	[tilespmem:v8+s18+$0x0] =	vst.idx.msk $0xffff, v26  }
0x3c: {  	v26 =	vld [tilespmem:$0x530];
	_ =	sdelay $0x4  }
0x3d: {  	[tilespmem:v9+s18+$0x0] =	vst.idx.msk $0xffff, v26  }
0x3e: {  	v26 =	vld [tilespmem:$0x540];
	_ =	sdelay $0x4  }
0x3f: {  	[tilespmem:v10+s18+$0x0] =	vst.idx.msk $0xffff, v26  }
0x40: {  	v26 =	vld [tilespmem:$0x550];
	_ =	sdelay $0x4  }
0x41: {  	[tilespmem:v11+s18+$0x0] =	vst.idx.msk $0xffff, v26  }
0x42: {  	v26 =	vld [tilespmem:$0x560];
	_ =	sdelay $0x4  }
0x43: {  	[tilespmem:v12+s18+$0x0] =	vst.idx.msk $0xffff, v26  }
0x44: {  	v26 =	vld [tilespmem:$0x570];
	_ =	sdelay $0x4  }
0x45: {  	[tilespmem:v13+s18+$0x0] =	vst.idx.msk $0xffff, v26  }
0x46: {  	v26 =	vld [tilespmem:$0x580];
	_ =	sdelay $0x4  }
0x47: {  	[tilespmem:v14+s18+$0x0] =	vst.idx.msk $0xffff, v26  }
0x48: {  	v26 =	vld [tilespmem:$0x590];
	_ =	sdelay $0x4  }
0x49: {  	[tilespmem:v15+s18+$0x0] =	vst.idx.msk $0xffff, v26  }
0x4a: {  	v26 =	vld [tilespmem:$0x5A0];
	_ =	sdelay $0x4  }
0x4b: {  	[tilespmem:v16+s18+$0x0] =	vst.idx.msk $0xffff, v26  }
0x4c: {  	v26 =	vld [tilespmem:$0x5B0];
	_ =	sdelay $0x4  }
0x4d: {  	[tilespmem:v17+s18+$0x0] =	vst.idx.msk $0xffff, v26  }
0x4e: {  	v26 =	vld [tilespmem:$0x5C0];
	_ =	sdelay $0x4  }
0x4f: {  	[tilespmem:v18+s18+$0x0] =	vst.idx.msk $0xffff, v26  }
0x50: {  	v26 =	vld [tilespmem:$0x5D0];
	_ =	sdelay $0x4  }
0x51: {  	[tilespmem:v19+s18+$0x0] =	vst.idx.msk $0xffff, v26  }
0x52: {  	v26 =	vld [tilespmem:$0x5E0];
	_ =	sdelay $0x4  }
0x53: {  	[tilespmem:v20+s18+$0x0] =	vst.idx.msk $0xffff, v26  }
0x54: {  	v26 =	vld [tilespmem:$0x5F0];
	_ =	sdelay $0x4  }
0x55: {  	[tilespmem:v21+s18+$0x0] =	vst.idx.msk $0xffff, v26  }
0x56: {  	v26 =	vld [tilespmem:$0x600];
	_ =	sdelay $0x4  }
0x57: {  	[tilespmem:v22+s18+$0x0] =	vst.idx.msk $0xffff, v26  }
0x58: {  	v26 =	vld [tilespmem:$0x610];
	_ =	sdelay $0x4  }
0x59: {  	[tilespmem:v23+s18+$0x0] =	vst.idx.msk $0xffff, v26  }
0x5a: {  	v26 =	vld [tilespmem:$0x620];
	_ =	sdelay $0x4  }
0x5b: {  	[tilespmem:v24+s18+$0x0] =	vst.idx.msk $0xffff, v26  }
0x5c: {  	v26 =	vld [tilespmem:$0x630];
	_ =	sdelay $0x4  }
0x5d: {  	[tilespmem:v25+s18+$0x0] =	vst.idx.msk $0xffff, v26  }
0x5e: {  	[tilespmem:s19], [sflag:$0x1] =	stream.linear.gather [hbm4b:s8+s3], $0x190, $0x38;
	[tilespmem:$0xFD50] =	vst v63  }
0x5f: {  	s23 =	simm.s32 $0x2;
	s24 =	smov.u32 s13;
	s25 =	smov.u32 s12  }
0x60: {  	[tilespmem:s20], [sflag:$0x1] =	stream.linear.gather [hbm4b:s9+s3], $0x190, $0x38;
	[tilespmem:$0xFD50] =	vst v63  }
.LBB2_4:
0x61: {  	s28 =	smul.u32 $0xAB, s23;
	_ =	sdelay $0x1  }
0x62: {  	s26 =	sadd.s32 $0xFFFFFEAA, s28  }
0x63: {  	s26 =	sshrl.u32 s26, $0x9  }
0x64: {  	s26 =	sand.u32 $0x7F, s26  }
0x65: {  	s29 =	smul.u32 $0x3, s26  }
0x66: {  	s30 =	sadd.s32 $0xFFFFFFFE, s23  }
0x67: {  	p0 =	seq.s32 s23, $0x2;
	s26 =	sand.u32 $0x1, s30;
	s29 =	ssub.s32 s30, s29  }
0x68: {  	s31 =	smul.u32 $0x6400, s26;
	s30 =	simm.s32 @!p0 $0x2;
	s29 =	sand.u32 $0xFF, s29  }
0x69: {  	_ =	swait.ge @!p0 [sflag:s30], $0x1900;
	s29 =	smul.u32 $0x640, s29  }
0x6a: {  	s31 =	sshrl.u32 s31, $0x2;
	[sflag:s30] =	ssyncset.done @!p0 $0x0  }
0x6b: {  	s31 =	sadd.s32 $0x7D0, s31;
	[sflag:s30] =	ssyncadd.s32 @!p0 $0xFFFFE700;
	s29 =	sshrl.u32 s29, $0x2  }
0x6c: {  	[spmem:s2] =	stream.indirect.scatter.add.f32 [tilespmem:s31], [sflag:$0x2], $0x10, s29, s19, $0xb8;
	[tilespmem:$0xFD50] =	vst v63  }
0x6d: {  	_ =	swait.ge [sflag:s17], $0x190  }
0x6e: {  	s30 =	sadd.s32 $0xFFFFFFFF, s23;
	[sflag:s17] =	ssyncset.done $0x0  }
0x6f: {  	s29 =	sand.u32 $0x1, s30;
	[sflag:s17] =	ssyncadd.s32 $0xFFFFFE70  }
0x70: {  	s31 =	smul.u32 $0x640, s29;
	_ =	swait.ge [sflag:s17], $0x190  }
0x71: {  	[sflag:s17] =	ssyncset.done $0x0  }
0x72: {  	s30 =	sshrl.u32 s31, $0x2;
	[sflag:s17] =	ssyncadd.s32 $0xFFFFFE70  }
0x73: {  	v26 =	vld [tilespmem:s30+$0x4B0];
	_ =	sdelay $0x1  }
0x74: {  	s29 =	smul.u32 $0x6400, s29;
	_ =	sdelay $0x1  }
0x75: {  	s29 =	sshrl.u32 s29, $0x2  }
0x76: {  	[tilespmem:v0+s29+$0x7D0] =	vst.idx.msk $0xffff, v26  }
0x77: {  	v26 =	vld [tilespmem:s30+$0x4C0];
	_ =	sdelay $0x4  }
0x78: {  	[tilespmem:v2+s29+$0x7D0] =	vst.idx.msk $0xffff, v26  }
0x79: {  	v26 =	vld [tilespmem:s30+$0x4D0];
	_ =	sdelay $0x4  }
0x7a: {  	[tilespmem:v3+s29+$0x7D0] =	vst.idx.msk $0xffff, v26  }
0x7b: {  	v26 =	vld [tilespmem:s30+$0x4E0];
	_ =	sdelay $0x4  }
0x7c: {  	[tilespmem:v4+s29+$0x7D0] =	vst.idx.msk $0xffff, v26  }
0x7d: {  	v26 =	vld [tilespmem:s30+$0x4F0];
	_ =	sdelay $0x4  }
0x7e: {  	[tilespmem:v5+s29+$0x7D0] =	vst.idx.msk $0xffff, v26  }
0x7f: {  	v26 =	vld [tilespmem:s30+$0x500];
	_ =	sdelay $0x4  }
0x80: {  	[tilespmem:v6+s29+$0x7D0] =	vst.idx.msk $0xffff, v26  }
0x81: {  	v26 =	vld [tilespmem:s30+$0x510];
	_ =	sdelay $0x4  }
0x82: {  	[tilespmem:v7+s29+$0x7D0] =	vst.idx.msk $0xffff, v26  }
0x83: {  	v26 =	vld [tilespmem:s30+$0x520];
	_ =	sdelay $0x4  }
0x84: {  	[tilespmem:v8+s29+$0x7D0] =	vst.idx.msk $0xffff, v26  }
0x85: {  	v26 =	vld [tilespmem:s30+$0x530];
	_ =	sdelay $0x4  }
0x86: {  	[tilespmem:v9+s29+$0x7D0] =	vst.idx.msk $0xffff, v26  }
0x87: {  	v26 =	vld [tilespmem:s30+$0x540];
	_ =	sdelay $0x4  }
0x88: {  	[tilespmem:v10+s29+$0x7D0] =	vst.idx.msk $0xffff, v26  }
0x89: {  	v26 =	vld [tilespmem:s30+$0x550];
	_ =	sdelay $0x4  }
0x8a: {  	[tilespmem:v11+s29+$0x7D0] =	vst.idx.msk $0xffff, v26  }
0x8b: {  	v26 =	vld [tilespmem:s30+$0x560];
	_ =	sdelay $0x4  }
0x8c: {  	[tilespmem:v12+s29+$0x7D0] =	vst.idx.msk $0xffff, v26  }
0x8d: {  	v26 =	vld [tilespmem:s30+$0x570];
	_ =	sdelay $0x4  }
0x8e: {  	[tilespmem:v13+s29+$0x7D0] =	vst.idx.msk $0xffff, v26  }
0x8f: {  	v26 =	vld [tilespmem:s30+$0x580];
	_ =	sdelay $0x4  }
0x90: {  	[tilespmem:v14+s29+$0x7D0] =	vst.idx.msk $0xffff, v26  }
0x91: {  	v26 =	vld [tilespmem:s30+$0x590];
	_ =	sdelay $0x4  }
0x92: {  	[tilespmem:v15+s29+$0x7D0] =	vst.idx.msk $0xffff, v26  }
0x93: {  	v26 =	vld [tilespmem:s30+$0x5A0];
	_ =	sdelay $0x4  }
0x94: {  	[tilespmem:v16+s29+$0x7D0] =	vst.idx.msk $0xffff, v26  }
0x95: {  	v26 =	vld [tilespmem:s30+$0x5B0];
	_ =	sdelay $0x4  }
0x96: {  	[tilespmem:v17+s29+$0x7D0] =	vst.idx.msk $0xffff, v26  }
0x97: {  	v26 =	vld [tilespmem:s30+$0x5C0];
	_ =	sdelay $0x4  }
0x98: {  	[tilespmem:v18+s29+$0x7D0] =	vst.idx.msk $0xffff, v26  }
0x99: {  	v26 =	vld [tilespmem:s30+$0x5D0];
	_ =	sdelay $0x4  }
0x9a: {  	[tilespmem:v19+s29+$0x7D0] =	vst.idx.msk $0xffff, v26  }
0x9b: {  	v26 =	vld [tilespmem:s30+$0x5E0];
	_ =	sdelay $0x4  }
0x9c: {  	[tilespmem:v20+s29+$0x7D0] =	vst.idx.msk $0xffff, v26  }
0x9d: {  	v26 =	vld [tilespmem:s30+$0x5F0];
	_ =	sdelay $0x4  }
0x9e: {  	[tilespmem:v21+s29+$0x7D0] =	vst.idx.msk $0xffff, v26  }
0x9f: {  	v26 =	vld [tilespmem:s30+$0x600];
	_ =	sdelay $0x4  }
0xa0: {  	[tilespmem:v22+s29+$0x7D0] =	vst.idx.msk $0xffff, v26  }
0xa1: {  	v26 =	vld [tilespmem:s30+$0x610];
	_ =	sdelay $0x4  }
0xa2: {  	[tilespmem:v23+s29+$0x7D0] =	vst.idx.msk $0xffff, v26  }
0xa3: {  	v26 =	vld [tilespmem:s30+$0x620];
	_ =	sdelay $0x1  }
0xa4: {  	s28 =	sshrl.u32 s28, $0x9  }
0xa5: {  	s28 =	sand.u32 $0x7F, s28  }
0xa6: {  	s28 =	smul.u32 $0x3, s28  }
0xa7: {  	[tilespmem:v24+s29+$0x7D0] =	vst.idx.msk $0xffff, v26  }
0xa8: {  	s28 =	ssub.s32 s23, s28;
	v26 =	vld [tilespmem:s30+$0x630]  }
0xa9: {  	s28 =	sand.u32 $0xFF, s28;
	p0 =	seq.s32 s23, $0x7D  }
0xaa: {  	s28 =	smul.u32 @!p0 $0x640, s28;
	s23 =	sadd.s32 @!p0 $0x1, s23  }
0xab: {  	s26 =	smul.u32 @!p0 $0x640, s26;
	p1 =	sne.s32 @!p0 s23, $0x7E  }
0xac: {  	s28 =	sshrl.u32 @!p0 s28, $0x2;
	p1 =	por p0, !p1  }
.Ltmp1:
0xad: {  	s26 =	sshrl.u32 @!p0 s26, $0x2;
	[tilespmem:v25+s29+$0x7D0] =	vst.idx.msk $0xffff, v26;
	s29 =	simm.s32 @!p0 $0x0;
	(pc) =	sbr.rel @!p1 .LBB2_4-.Ltmp1, $4  }
0xae: {  	[tilespmem:s28], [sflag:$0x1] =	stream.linear.gather @!p0 [hbm4b:s25+s29], $0x190, $0x38;
	[tilespmem:$0xFD50] =	vst v63  }
0xaf: {  	s26 =	sadd.s32 @!p0 $0x4B0, s26  }
0xb0: {  	[tilespmem:s26], [sflag:$0x1] =	stream.linear.gather @!p0 [hbm4b:s24+s29], $0x190, $0x38;
	[tilespmem:$0xFD50] =	vst v63  }
0xb1: {  	s25 =	sadd.s32 @!p0 $0x640, s25;
	s24 =	sadd.s32 @!p0 $0x640, s24  }
0xb2: {  	_ =	swait.ge [sflag:s21], $0x1900  }
0xb3: {  	[sflag:s21] =	ssyncset.done $0x0  }
0xb4: {  	[sflag:s21] =	ssyncadd.s32 $0xFFFFE700  }
0xb5: {  	[spmem:s2] =	stream.indirect.scatter.add.f32 [tilespmem:s18], [sflag:$0x2], $0x10, s19, s19, $0xb8;
	[tilespmem:$0xFD50] =	vst v63  }
0xb6: {  	_ =	swait.ge [sflag:s21], $0x1900  }
0xb7: {  	s22 =	sadd.s32 $0x1, s22;
	[sflag:s21] =	ssyncset.done $0x0  }
0xb8: {  	p0 =	sne.s32 s22, s11;
	[sflag:s21] =	ssyncadd.s32 $0xFFFFE700  }
.Ltmp2:
0xb9: {  	[bflag:$0x0] =	sbarrier.arrive $0xFFFF;
	(pc) =	sbr.rel @p0 .LBB2_1-.Ltmp2, $4  }
0xba: {  	[hbm:s10], [sflag:s5] =	dma.local [spmem:s14], $0x1870  }
0xbb: {  	_ =	swait.ge [sflag:s15], $0x1870  }
0xbc: {  	[sflag:s15] =	ssyncset.done $0x0  }
0xbd: {  	[sflag:s15] =	ssyncadd.s32 $0xFFFFE790  }
0xbe: {  	_ =	sfence.sel $0x180000  }
0xbf: {  	[bflag:$0x0] =	sbarrier.arrive $0xFFFF  }
0xc0: {  	p0 =	sne.s32 s1, $0x0;
	_ =	strace $0x9000004A  }
0xc1: {  	s0 =	sadd.s32 @!p0 $0x100000, s0;
	[bflag:$0x2] =	sbarrier.arrive $0xFFFF  }
0xc2: {  	[sflag:s0] =	ssyncadd.tile.s32 @!p0 $0x1;
	_ =	shalt  }
.Lfunc_end2:
_tile_overlayer_lowered:
.L_overlay_start_2:
0xc3: {  	(tag) =	ssettag $0x2  }
0xc4: {  	s0 =	rddreg [dreg:$0x0];
	s2 =	stileid.u32  }
0xc5: {  	s1 =	rddreg [dreg:$0x1];
	p0 =	sne.s32 s2, $0x0  }
0xc6: {  	s3 =	rddreg [dreg:$0x2];
	[bflag:$0x3] =	sbarrier.arrive $0xFFFF;
	s2 =	simm.s32 @!p0 $0x1C03  }
0xc7: {  	[timem:s3], [sflag:s2] =	dma.local @!p0 [hbm:s0], s1  }
0xc8: {  	s0 =	simm.s32 @!p0 $0x3  }
0xc9: {  	_ =	swait.ge @!p0 [sflag:s0], s1  }
0xca: {  	s1 =	ssub.s32 @!p0 $0x0, s1;
	[sflag:s0] =	ssyncset.done @!p0 $0x0  }
0xcb: {  	[sflag:s0] =	ssyncadd.s32 @!p0 s1  }
0xcc: {  	[bflag:$0x3] =	sbarrier.arrive $0xFFFF  }
0xcd: {  	_ =	shalt  }

</sc_bundles>
